<compile_context>
chip_gen: v7x
topology: tpu7x:2x2x1
jax: 0.10.2.dev20260603
libtpu: 0.0.44.dev20260713+nightly
codegen_flags: <defaults>
</compile_context>

<pallas_src>
import functools

import jax
import jax.numpy as jnp
import numpy as np
from jax import lax
from jax.experimental import pallas as pl
from jax.experimental.pallas import tpu as pltpu
from jax.experimental.pallas import tpu_sc as plsc

N = 10000
E = 320000
D = 128
H = 8
C = 9
NEG_SLOPE = 0.2

NC = 2
NS = 16
NW = NC * NS
ROW = H * (C + 1)
CHUNK = 128

ET = E + N
NBUF = 3
TPC = NBUF * (-(-ET // (NW * CHUNK * NBUF)))
EPAD = NW * TPC * CHUNK
RPT = 8 * (-(-(N + 1) // (NS * 8)))
NPAD = NS * RPT

RW = (E // CHUNK) // TPC
R1 = E // CHUNK - RW * TPC

GRID = 10
BLK = N // GRID


def _consts():
    p1 = np.zeros((ROW, 16), np.float32)
    p2 = np.zeros((16, ROW), np.float32)
    p3 = np.zeros((ROW, 16), np.float32)
    hm = np.zeros((ROW, 16), np.float32)
    for h in range(H):
        p1[10 * h + 9, h] = 1.0
        for c in range(C):
            p2[h, 10 * h + c] = 1.0
            p3[10 * h + c, c] = 1.0 / H
            hm[10 * h + c, h] = 1.0
    wperm = np.zeros((H * C, ROW), np.float32)
    for h in range(H):
        for c in range(C):
            wperm[h * C + c, 10 * h + c] = 1.0
    tail_n = EPAD - E
    pad_ix = N + np.arange(tail_n - N, dtype=np.int64) % (NPAD - N)
    tsrc = np.concatenate([np.arange(N, dtype=np.int64), pad_ix])
    tail = (tsrc | (tsrc << 16)).astype(np.uint32).view(np.int32)
    return wperm, p1, p2, p3, hm, tail


_WPERM_NP, _P1_NP, _P2_NP, _P3_NP, _HMASK_NP, _TAIL_NP = _consts()


ECH = E // CHUNK
EBLK = ECH // GRID


def _prep_body(x_ref, wp_ref, ssel_ref, dsel_ref, ei_ref,
               xlp_ref, asrc_ref, adst_ref, pk_ref):
    xw = jnp.dot(x_ref[...], wp_ref[...], preferred_element_type=jnp.float32)
    asrc_ref[...] = jnp.dot(xw, ssel_ref[...], preferred_element_type=jnp.float32)
    adst_ref[...] = jnp.dot(xw, dsel_ref[...], preferred_element_type=jnp.float32)
    col = lax.broadcasted_iota(jnp.int32, xw.shape, 1)
    xlp_ref[...] = xw + jnp.where(col % 10 == 9, 1.0, 0.0).astype(jnp.float32)
    @pl.when(pl.program_id(0) == 0)
    def _pack():
        pk_ref[...] = jnp.bitwise_or(
            jnp.left_shift(ei_ref[1, :], 16),
            jnp.bitwise_and(ei_ref[0, :], 0xFFFF))


def _run_prep(x, wp, ssel, dsel, ei):
    return pl.pallas_call(
        _prep_body,
        grid=(GRID,),
        in_specs=[
            pl.BlockSpec((BLK, D), lambda i: (i, 0)),
            pl.BlockSpec((D, ROW), lambda i: (0, 0)),
            pl.BlockSpec((ROW, 16), lambda i: (0, 0)),
            pl.BlockSpec((ROW, 16), lambda i: (0, 0)),
            pl.BlockSpec((2, E), lambda i: (0, 0)),
        ],
        out_specs=(
            pl.BlockSpec((BLK, ROW), lambda i: (i, 0)),
            pl.BlockSpec((BLK, 16), lambda i: (i, 0)),
            pl.BlockSpec((BLK, 16), lambda i: (i, 0)),
            pl.BlockSpec((E,), lambda i: (0,)),
        ),
        out_shape=(
            jax.ShapeDtypeStruct((NPAD, ROW), jnp.float32),
            jax.ShapeDtypeStruct((NPAD, 16), jnp.float32),
            jax.ShapeDtypeStruct((NPAD, 16), jnp.float32),
            jax.ShapeDtypeStruct((E,), jnp.int32),
        ),
    )(x, wp, ssel, dsel, ei)


def _edge_body(pkr, pkt, xlp, asrc, adst, out, pkv, srcv, dstv, gs, gd, xg,
               accs, sa, sd, sx):
    cid = lax.axis_index("c")
    sid = lax.axis_index("s")
    wid = cid * NS + sid

    FL = TPC * CHUNK

    @pl.when(wid < RW)
    def _real():
        pltpu.sync_copy(pkr.at[pl.ds(wid * FL, FL)], pkv)

    @pl.when(wid == RW)
    def _split():
        pltpu.sync_copy(pkr.at[pl.ds(RW * FL, R1 * CHUNK)],
                        pkv.at[pl.ds(0, R1 * CHUNK)])
        pltpu.sync_copy(pkt.at[pl.ds(0, FL - R1 * CHUNK)],
                        pkv.at[pl.ds(R1 * CHUNK, FL - R1 * CHUNK)])

    @pl.when(wid > RW)
    def _tail():
        off = (FL - R1 * CHUNK) + (wid - RW - 1) * FL
        pltpu.sync_copy(pkt.at[pl.ds(off, FL)], pkv)

    @plsc.parallel_loop(0, TPC, unroll=2)
    def _unpack(t):
        for g in range(CHUNK // 16):
            v = pkv[pl.ds(t * CHUNK + 16 * g, 16)]
            srcv[t, pl.ds(16 * g, 16)] = jnp.bitwise_and(v, 0xFFFF)
            dstv[t, pl.ds(16 * g, 16)] = lax.shift_right_logical(v, 16)

    zero = jnp.zeros((16,), jnp.float32)

    @pl.loop(0, CHUNK)
    def _zrow(i):
        for g in range(5):
            xg[0, i, pl.ds(16 * g, 16)] = zero

    base = sid * RPT
    done = 0
    while done < RPT:
        n = min(CHUNK, RPT - done)
        pltpu.sync_copy(xg.at[0, pl.ds(0, n)], accs.at[pl.ds(base + done, n)])
        done += n

    plsc.subcore_barrier()

    lane = lax.iota(jnp.int32, 16)
    hmaps = [lax.div(lane + 16 * g, 10) for g in range(5)]

    def issue(t, b):
        pltpu.async_copy(asrc.at[srcv.at[t]], gs.at[b], sa.at[b])
        pltpu.async_copy(adst.at[dstv.at[t]], gd.at[b], sd.at[b])
        pltpu.async_copy(xlp.at[srcv.at[t]], xg.at[b], sx.at[b])

    def wait_gathers(t, b):
        pltpu.make_async_copy(asrc.at[srcv.at[t]], gs.at[b], sa.at[b]).wait()
        pltpu.make_async_copy(adst.at[dstv.at[t]], gd.at[b], sd.at[b]).wait()
        pltpu.make_async_copy(xlp.at[srcv.at[t]], xg.at[b], sx.at[b]).wait()

    for b in range(NBUF - 1):
        issue(b, b)

    @pl.loop(0, TPC // NBUF)
    def _grp(q):
        for b in range(NBUF):
            t = q * NBUF + b
            wait_gathers(t, b)

            tn = t + NBUF - 1
            bn = (b + NBUF - 1) % NBUF

            @pl.when(tn < TPC)
            def _prefetch():
                issue(tn, bn)

            @plsc.parallel_loop(0, CHUNK, unroll=4)
            def _edge(i):
                av = gs[b, i, :] + gd[b, i, :]
                av = jnp.maximum(av, av * NEG_SLOPE)
                ex = jnp.exp(av)
                for g in range(5):
                    eg = ex.at[hmaps[g]].get(mode="promise_in_bounds")
                    sl = pl.ds(16 * g, 16)
                    xg[b, i, sl] = xg[b, i, sl] * eg

            pltpu.sync_copy(xg.at[b], accs.at[dstv.at[t]], add=True)

    plsc.subcore_barrier()

    pltpu.sync_copy(accs.at[pl.ds(base, RPT)],
                    out.at[cid, pl.ds(base, RPT), pl.ds(0, ROW)])


def _run_edges(pkr, pkt, xlp, asrc, adst):
    mesh = plsc.VectorSubcoreMesh(
        core_axis_name="c", subcore_axis_name="s", num_cores=NC)
    kern = functools.partial(
        pl.kernel,
        out_type=jax.ShapeDtypeStruct((NC, NPAD, 128), jnp.float32),
        mesh=mesh,
        scratch_types=[
            pltpu.VMEM((TPC * CHUNK,), jnp.int32),
            pltpu.VMEM((TPC, CHUNK), jnp.int32),
            pltpu.VMEM((TPC, CHUNK), jnp.int32),
            pltpu.VMEM((NBUF, CHUNK, 16), jnp.float32),
            pltpu.VMEM((NBUF, CHUNK, 16), jnp.float32),
            pltpu.VMEM((NBUF, CHUNK, ROW), jnp.float32),
            pltpu.VMEM_SHARED((NPAD, ROW), jnp.float32),
            pltpu.SemaphoreType.DMA((NBUF,)),
            pltpu.SemaphoreType.DMA((NBUF,)),
            pltpu.SemaphoreType.DMA((NBUF,)),
        ],
        compiler_params=pltpu.CompilerParams(use_tc_tiling_on_sc=False),
    )(_edge_body)
    return kern(pkr, pkt, xlp, asrc, adst)


def _final_body(acc_ref, p1_ref, p2_ref, p3_ref, bias_ref, out_ref):
    a = acc_ref[0, :, :ROW] + acc_ref[1, :, :ROW]
    den = jnp.dot(a, p1_ref[...], preferred_element_type=jnp.float32) + 1e-16
    rec80 = jnp.dot(1.0 / den, p2_ref[...], preferred_element_type=jnp.float32)
    y = jnp.dot(a * rec80, p3_ref[...], preferred_element_type=jnp.float32)
    y = y + bias_ref[...]
    col = lax.broadcasted_iota(jnp.int32, y.shape, 1)
    ym = jnp.where(col < C, y, -jnp.inf)
    m = jnp.max(ym, axis=1, keepdims=True)
    e = jnp.exp(ym - m)
    s = jnp.sum(e, axis=1, keepdims=True)
    out_ref[...] = (ym - m - jnp.log(s))[:, :C]


def _run_final(acc, p1, p2, p3, bias16):
    return pl.pallas_call(
        _final_body,
        grid=(GRID,),
        in_specs=[
            pl.BlockSpec((NC, BLK, 128), lambda i: (0, i, 0)),
            pl.BlockSpec((ROW, 16), lambda i: (0, 0)),
            pl.BlockSpec((16, ROW), lambda i: (0, 0)),
            pl.BlockSpec((ROW, 16), lambda i: (0, 0)),
            pl.BlockSpec((1, 16), lambda i: (0, 0)),
        ],
        out_specs=pl.BlockSpec((BLK, C), lambda i: (i, 0)),
        out_shape=jax.ShapeDtypeStruct((N, C), jnp.float32),
    )(acc, p1, p2, p3, bias16)


def kernel(x, edge_index, W, att_src, att_dst, bias):
    wp = jnp.dot(W, jnp.asarray(_WPERM_NP))
    hmask = jnp.asarray(_HMASK_NP)
    a80s = jnp.pad(att_src.reshape(H, C), ((0, 0), (0, 1))).reshape(ROW)
    a80d = jnp.pad(att_dst.reshape(H, C), ((0, 0), (0, 1))).reshape(ROW)
    ssel = a80s[:, None] * hmask
    dsel = a80d[:, None] * hmask
    bias16 = jnp.pad(bias.reshape(1, C), ((0, 0), (0, 16 - C)))

    pkt = jnp.asarray(_TAIL_NP)
    ei = edge_index.astype(jnp.int32)

    xlp, asrc, adst, pkr = _run_prep(x, wp, ssel, dsel, ei)
    acc = _run_edges(pkr, pkt, xlp, asrc, adst)
    return _run_final(acc, jnp.asarray(_P1_NP), jnp.asarray(_P2_NP),
                      jnp.asarray(_P3_NP), bias16)

# --- scband reference (transcript-rebuilt; emitter-appended) ---
"""Pipeline reference for scband-st-gat-50216757625084 (READ-ONLY COPY).

The authoritative reference and input builder live on the scoring server;
editing this copy changes nothing except your own understanding.
"""

import jax, jax.numpy as jnp
import numpy as np

N = 10000
E = 320000
D = 128
H = 8
C = 9  # GATConv out_channels hardcoded to 9 in the module
NEG_SLOPE = 0.2


def setup_inputs(seed: int = 0) -> dict:
    key = jax.random.key(seed)
    k1, k2, k3, k4, k5 = jax.random.split(key, 5)
    x = jax.random.normal(k1, (N, D), dtype=jnp.float32)
    edge_index = jax.random.randint(k2, (2, E), 0, N)
    W = jax.random.normal(k3, (D, H * C), dtype=jnp.float32) * (1.0 / np.sqrt(D))
    att_src = jax.random.normal(k4, (1, H, C), dtype=jnp.float32) * 0.1
    att_dst = jax.random.normal(k5, (1, H, C), dtype=jnp.float32) * 0.1
    bias = jnp.zeros((C,), dtype=jnp.float32)
    return {"x": x, "edge_index": edge_index, "W": W, "att_src": att_src, "att_dst": att_dst, "bias": bias}


def reference(x, edge_index, W, att_src, att_dst, bias):
    # PyG GATConv with add_self_loops=True, concat=False (head-mean), then log_softmax.
    # Dropout is inactive in eval mode.
    loop = jnp.arange(N, dtype=edge_index.dtype)
    src = jnp.concatenate([edge_index[0], loop])
    dst = jnp.concatenate([edge_index[1], loop])

    xl = (x @ W).reshape(N, H, C)                      # [N, H, C]
    a_src = (xl * att_src).sum(axis=-1)                # [N, H]
    a_dst = (xl * att_dst).sum(axis=-1)                # [N, H]

    alpha = a_src[src] + a_dst[dst]                    # [E+N, H] (gather)
    alpha = jax.nn.leaky_relu(alpha, NEG_SLOPE)

    # segment softmax over incoming edges per destination node
    amax = jax.ops.segment_max(alpha, dst, num_segments=N)
    amax = jnp.where(jnp.isfinite(amax), amax, 0.0)
    ex = jnp.exp(alpha - amax[dst])
    denom = jax.ops.segment_sum(ex, dst, num_segments=N)
    attn = ex / (denom[dst] + 1e-16)                   # [E+N, H]

    msg = xl[src] * attn[:, :, None]                   # gather + weight
    out = jax.ops.segment_sum(msg, dst, num_segments=N)  # scatter-add [N, H, C]
    out = out.mean(axis=1) + bias                      # concat=False -> head mean
    return jax.nn.log_softmax(out, axis=1)

if __name__ == "__main__":
    import jax
    _d = setup_inputs()
    print(jax.jit(kernel)(*tuple(_d.values())))

</pallas_src>

<mosaic_0001>
#map = affine_map<(d0, d1) -> (0)>
#map1 = affine_map<(d0, d1) -> (0, 0)>
#map2 = affine_map<(d0, d1) -> (0, 0, 0)>
module attributes {stable_mosaic.version = 14 : i64} {
  func.func @_edge_body(%arg0: i32, %arg1: i32, %arg2: memref<320000xi32, #tpu.memory_space<hbm>>, %arg3: memref<11776xi32, #tpu.memory_space<hbm>>, %arg4: memref<10112x80xf32, #tpu.memory_space<hbm>>, %arg5: memref<10112x16xf32, #tpu.memory_space<hbm>>, %arg6: memref<10112x16xf32, #tpu.memory_space<hbm>>, %arg7: memref<2x10112x128xf32, #tpu.memory_space<hbm>>, %arg8: memref<10368xi32, #tpu.memory_space<vmem>>, %arg9: memref<81x128xi32, #tpu.memory_space<vmem>>, %arg10: memref<81x128xi32, #tpu.memory_space<vmem>>, %arg11: memref<3x128x16xf32, #tpu.memory_space<vmem>>, %arg12: memref<3x128x16xf32, #tpu.memory_space<vmem>>, %arg13: memref<3x128x80xf32, #tpu.memory_space<vmem>>, %arg14: memref<10112x80xf32, #tpu.memory_space<vmem_shared>>, %arg15: memref<3x!tpu.dma_semaphore, #tpu.memory_space<semaphore_mem>>, %arg16: memref<3x!tpu.dma_semaphore, #tpu.memory_space<semaphore_mem>>, %arg17: memref<3x!tpu.dma_semaphore, #tpu.memory_space<semaphore_mem>>) attributes {dimension_semantics = [#tpu.dimension_semantics<core_parallel>, #tpu.dimension_semantics<subcore_parallel>], iteration_bounds = array<i64: 2, 16>, scalar_prefetch = 0 : i64, scratch_operands = 10 : i64, tpu.core_type = #tpu.core_type<sc_vector_subcore>, window_params = [{transform_indices = #map}, {transform_indices = #map}, {transform_indices = #map1}, {transform_indices = #map1}, {transform_indices = #map1}, {transform_indices = #map2}]} {
    %mul3A = arith.constant 16 : i32
    %mul3A_0 = arith.muli %arg0, %mul3A : i32
    %add3A = arith.addi %mul3A_0, %arg1 : i32
    %lt3A = arith.constant 30 : i32
    %lt3A_1 = arith.cmpi slt, %add3A, %lt3A : i32
    %convert_element_type3A = arith.extui %lt3A_1 : i1 to i32
    %cond3A = arith.constant 0 : i32
    %cond3A_2 = arith.cmpi ne, %convert_element_type3A, %cond3A : i32
    scf.if %cond3A_2 {
      %mul3A_158 = arith.constant 10368 : i32
      %mul3A_159 = arith.muli %add3A, %mul3A_158 : i32
      "tpu.region"() ({
        %run_scoped3A_160 = tpu.sem_alloc : memref<!tpu.dma_semaphore, #tpu.memory_space<semaphore_mem>>
        %dma_start3A_161 = tpu.memref_slice %arg2[%mul3A_159] : memref<320000xi32, #tpu.memory_space<hbm>> -> memref<10368xi32, #tpu.memory_space<hbm>>
        %dma_start3A_162 = tpu.memref_slice %arg2[%mul3A_159] : memref<320000xi32, #tpu.memory_space<hbm>> -> memref<10368xi32, #tpu.memory_space<hbm>>
        tpu.enqueue_dma source(%dma_start3A_162 : memref<10368xi32, #tpu.memory_space<hbm>>) target(%arg8 : memref<10368xi32, #tpu.memory_space<vmem>>) target_semaphore(%run_scoped3A_160 : memref<!tpu.dma_semaphore, #tpu.memory_space<semaphore_mem>>)
        %dma_wait3A = tpu.memref_slice %arg2[%mul3A_159] : memref<320000xi32, #tpu.memory_space<hbm>> -> memref<10368xi32, #tpu.memory_space<hbm>>
        %dma_wait3A_163 = tpu.memref_slice %arg2[%mul3A_159] : memref<320000xi32, #tpu.memory_space<hbm>> -> memref<10368xi32, #tpu.memory_space<hbm>>
        tpu.wait_dma2 semaphore(%run_scoped3A_160 : memref<!tpu.dma_semaphore, #tpu.memory_space<semaphore_mem>>) src(%dma_wait3A_163 : memref<10368xi32, #tpu.memory_space<hbm>>) dst(%arg8 : memref<10368xi32, #tpu.memory_space<vmem>>)
        tpu.yield
      }) : () -> ()
    } else {
    }
    %eq3A = arith.constant 30 : i32
    %eq3A_3 = arith.cmpi eq, %add3A, %eq3A : i32
    %convert_element_type3A_4 = arith.extui %eq3A_3 : i1 to i32
    %cond3A_5 = arith.constant 0 : i32
    %cond3A_6 = arith.cmpi ne, %convert_element_type3A_4, %cond3A_5 : i32
    scf.if %cond3A_6 {
      "tpu.region"() ({
        %run_scoped3A_158 = tpu.sem_alloc : memref<!tpu.dma_semaphore, #tpu.memory_space<semaphore_mem>>
        %dma_start3A_159 = arith.constant 0 : i32
        %dma_start3A_160 = tpu.memref_slice %arg8[%dma_start3A_159] : memref<10368xi32, #tpu.memory_space<vmem>> -> memref<8960xi32, #tpu.memory_space<vmem>>
        %dma_start3A_161 = arith.constant 311040 : i32
        %dma_start3A_162 = tpu.memref_slice %arg2[%dma_start3A_161] : memref<320000xi32, #tpu.memory_space<hbm>> -> memref<8960xi32, #tpu.memory_space<hbm>>
        %dma_start3A_163 = arith.constant 0 : i32
        %dma_start3A_164 = tpu.memref_slice %arg8[%dma_start3A_163] : memref<10368xi32, #tpu.memory_space<vmem>> -> memref<8960xi32, #tpu.memory_space<vmem>>
        %dma_start3A_165 = arith.constant 311040 : i32
        %dma_start3A_166 = tpu.memref_slice %arg2[%dma_start3A_165] : memref<320000xi32, #tpu.memory_space<hbm>> -> memref<8960xi32, #tpu.memory_space<hbm>>
        tpu.enqueue_dma source(%dma_start3A_166 : memref<8960xi32, #tpu.memory_space<hbm>>) target(%dma_start3A_164 : memref<8960xi32, #tpu.memory_space<vmem>>) target_semaphore(%run_scoped3A_158 : memref<!tpu.dma_semaphore, #tpu.memory_space<semaphore_mem>>)
        %dma_wait3A = arith.constant 0 : i32
        %dma_wait3A_167 = tpu.memref_slice %arg8[%dma_wait3A] : memref<10368xi32, #tpu.memory_space<vmem>> -> memref<8960xi32, #tpu.memory_space<vmem>>
        %dma_wait3A_168 = arith.constant 311040 : i32
        %dma_wait3A_169 = tpu.memref_slice %arg2[%dma_wait3A_168] : memref<320000xi32, #tpu.memory_space<hbm>> -> memref<8960xi32, #tpu.memory_space<hbm>>
        %dma_wait3A_170 = arith.constant 0 : i32
        %dma_wait3A_171 = tpu.memref_slice %arg8[%dma_wait3A_170] : memref<10368xi32, #tpu.memory_space<vmem>> -> memref<8960xi32, #tpu.memory_space<vmem>>
        %dma_wait3A_172 = arith.constant 311040 : i32
        %dma_wait3A_173 = tpu.memref_slice %arg2[%dma_wait3A_172] : memref<320000xi32, #tpu.memory_space<hbm>> -> memref<8960xi32, #tpu.memory_space<hbm>>
        tpu.wait_dma2 semaphore(%run_scoped3A_158 : memref<!tpu.dma_semaphore, #tpu.memory_space<semaphore_mem>>) src(%dma_wait3A_173 : memref<8960xi32, #tpu.memory_space<hbm>>) dst(%dma_wait3A_171 : memref<8960xi32, #tpu.memory_space<vmem>>)
        tpu.yield
      }) : () -> ()
      "tpu.region"() ({
        %run_scoped3A_158 = tpu.sem_alloc : memref<!tpu.dma_semaphore, #tpu.memory_space<semaphore_mem>>
        %dma_start3A_159 = arith.constant 8960 : i32
        %dma_start3A_160 = tpu.memref_slice %arg8[%dma_start3A_159] : memref<10368xi32, #tpu.memory_space<vmem>> -> memref<1408xi32, #tpu.memory_space<vmem>>
        %dma_start3A_161 = arith.constant 0 : i32
        %dma_start3A_162 = tpu.memref_slice %arg3[%dma_start3A_161] : memref<11776xi32, #tpu.memory_space<hbm>> -> memref<1408xi32, #tpu.memory_space<hbm>>
        %dma_start3A_163 = arith.constant 8960 : i32
        %dma_start3A_164 = tpu.memref_slice %arg8[%dma_start3A_163] : memref<10368xi32, #tpu.memory_space<vmem>> -> memref<1408xi32, #tpu.memory_space<vmem>>
        %dma_start3A_165 = arith.constant 0 : i32
        %dma_start3A_166 = tpu.memref_slice %arg3[%dma_start3A_165] : memref<11776xi32, #tpu.memory_space<hbm>> -> memref<1408xi32, #tpu.memory_space<hbm>>
        tpu.enqueue_dma source(%dma_start3A_166 : memref<1408xi32, #tpu.memory_space<hbm>>) target(%dma_start3A_164 : memref<1408xi32, #tpu.memory_space<vmem>>) target_semaphore(%run_scoped3A_158 : memref<!tpu.dma_semaphore, #tpu.memory_space<semaphore_mem>>)
        %dma_wait3A = arith.constant 8960 : i32
        %dma_wait3A_167 = tpu.memref_slice %arg8[%dma_wait3A] : memref<10368xi32, #tpu.memory_space<vmem>> -> memref<1408xi32, #tpu.memory_space<vmem>>
        %dma_wait3A_168 = arith.constant 0 : i32
        %dma_wait3A_169 = tpu.memref_slice %arg3[%dma_wait3A_168] : memref<11776xi32, #tpu.memory_space<hbm>> -> memref<1408xi32, #tpu.memory_space<hbm>>
        %dma_wait3A_170 = arith.constant 8960 : i32
        %dma_wait3A_171 = tpu.memref_slice %arg8[%dma_wait3A_170] : memref<10368xi32, #tpu.memory_space<vmem>> -> memref<1408xi32, #tpu.memory_space<vmem>>
        %dma_wait3A_172 = arith.constant 0 : i32
        %dma_wait3A_173 = tpu.memref_slice %arg3[%dma_wait3A_172] : memref<11776xi32, #tpu.memory_space<hbm>> -> memref<1408xi32, #tpu.memory_space<hbm>>
        tpu.wait_dma2 semaphore(%run_scoped3A_158 : memref<!tpu.dma_semaphore, #tpu.memory_space<semaphore_mem>>) src(%dma_wait3A_173 : memref<1408xi32, #tpu.memory_space<hbm>>) dst(%dma_wait3A_171 : memref<1408xi32, #tpu.memory_space<vmem>>)
        tpu.yield
      }) : () -> ()
    } else {
    }
    %gt3A = arith.constant 30 : i32
    %gt3A_7 = arith.cmpi sgt, %add3A, %gt3A : i32
    %convert_element_type3A_8 = arith.extui %gt3A_7 : i1 to i32
    %cond3A_9 = arith.constant 0 : i32
    %cond3A_10 = arith.cmpi ne, %convert_element_type3A_8, %cond3A_9 : i32
    scf.if %cond3A_10 {
      %sub3A = arith.constant 30 : i32
      %sub3A_158 = arith.subi %add3A, %sub3A : i32
      %sub3A_159 = arith.constant 1 : i32
      %sub3A_160 = arith.subi %sub3A_158, %sub3A_159 : i32
      %mul3A_161 = arith.constant 10368 : i32
      %mul3A_162 = arith.muli %sub3A_160, %mul3A_161 : i32
      %add3A_163 = arith.constant 1408 : i32
      %add3A_164 = arith.addi %add3A_163, %mul3A_162 : i32
      "tpu.region"() ({
        %run_scoped3A_165 = tpu.sem_alloc : memref<!tpu.dma_semaphore, #tpu.memory_space<semaphore_mem>>
        %dma_start3A_166 = tpu.memref_slice %arg3[%add3A_164] : memref<11776xi32, #tpu.memory_space<hbm>> -> memref<10368xi32, #tpu.memory_space<hbm>>
        %dma_start3A_167 = tpu.memref_slice %arg3[%add3A_164] : memref<11776xi32, #tpu.memory_space<hbm>> -> memref<10368xi32, #tpu.memory_space<hbm>>
        tpu.enqueue_dma source(%dma_start3A_167 : memref<10368xi32, #tpu.memory_space<hbm>>) target(%arg8 : memref<10368xi32, #tpu.memory_space<vmem>>) target_semaphore(%run_scoped3A_165 : memref<!tpu.dma_semaphore, #tpu.memory_space<semaphore_mem>>)
        %dma_wait3A = tpu.memref_slice %arg3[%add3A_164] : memref<11776xi32, #tpu.memory_space<hbm>> -> memref<10368xi32, #tpu.memory_space<hbm>>
        %dma_wait3A_168 = tpu.memref_slice %arg3[%add3A_164] : memref<11776xi32, #tpu.memory_space<hbm>> -> memref<10368xi32, #tpu.memory_space<hbm>>
        tpu.wait_dma2 semaphore(%run_scoped3A_165 : memref<!tpu.dma_semaphore, #tpu.memory_space<semaphore_mem>>) src(%dma_wait3A_168 : memref<10368xi32, #tpu.memory_space<hbm>>) dst(%arg8 : memref<10368xi32, #tpu.memory_space<vmem>>)
        tpu.yield
      }) : () -> ()
    } else {
    }
    %parallel_loop3A = arith.constant 0 : i32
    %parallel_loop3A_11 = arith.constant 81 : i32
    %parallel_loop3A_12 = arith.constant 1 : i32
    scf.for %parallel_loop3A_158 = %parallel_loop3A to %parallel_loop3A_11 step %parallel_loop3A_12  : i32 {
      %parallel_loop3A_159 = arith.constant 128 : i32
      %parallel_loop3A_160 = arith.muli %parallel_loop3A_158, %parallel_loop3A_159 : i32
      %parallel_loop3A_161 = arith.constant 0 : i32
      %parallel_loop3A_162 = arith.addi %parallel_loop3A_160, %parallel_loop3A_161 : i32
      %parallel_loop3A_163 = arith.index_cast %parallel_loop3A_162 : i32 to index
      %parallel_loop3A_164 = tpu.vector_load %arg8[%parallel_loop3A_163] {strides = array<i32>} : memref<10368xi32, #tpu.memory_space<vmem>>, vector<16xi32>,
      %parallel_loop3A_165 = vector.shape_cast %parallel_loop3A_164 : vector<16xi32> to vector<16xi32>
      %parallel_loop3A_166 = arith.constant 65535 : i32
      %parallel_loop3A_167 = vector.broadcast %parallel_loop3A_166 : i32 to vector<16xi32>
      %parallel_loop3A_168 = arith.andi %parallel_loop3A_165, %parallel_loop3A_167 : vector<16xi32>
      %parallel_loop3A_169 = arith.index_cast %parallel_loop3A_158 : i32 to index
      %parallel_loop3A_170 = arith.constant 0 : index
      %parallel_loop3A_171 = tpu.vector_load %arg9[%parallel_loop3A_169, %parallel_loop3A_170] {strides = array<i32>} : memref<81x128xi32, #tpu.memory_space<vmem>>, vector<1x16xi32>,
      %parallel_loop3A_172 = vector.shape_cast %parallel_loop3A_171 : vector<1x16xi32> to vector<16xi32>
      %parallel_loop3A_173 = vector.shape_cast %parallel_loop3A_168 : vector<16xi32> to vector<1x16xi32>
      tpu.vector_store %arg9[%parallel_loop3A_169, %parallel_loop3A_170], %parallel_loop3A_173 {strides = array<i32>} : memref<81x128xi32, #tpu.memory_space<vmem>>, vector<1x16xi32>,
      %parallel_loop3A_174 = arith.constant 16 : i32
      %parallel_loop3A_175 = vector.broadcast %parallel_loop3A_174 : i32 to vector<16xi32>
      %parallel_loop3A_176 = arith.shrui %parallel_loop3A_165, %parallel_loop3A_175 : vector<16xi32>
      %parallel_loop3A_177 = arith.index_cast %parallel_loop3A_158 : i32 to index
      %parallel_loop3A_178 = arith.constant 0 : index
      %parallel_loop3A_179 = tpu.vector_load %arg10[%parallel_loop3A_177, %parallel_loop3A_178] {strides = array<i32>} : memref<81x128xi32, #tpu.memory_space<vmem>>, vector<1x16xi32>,
      %parallel_loop3A_180 = vector.shape_cast %parallel_loop3A_179 : vector<1x16xi32> to vector<16xi32>
      %parallel_loop3A_181 = vector.shape_cast %parallel_loop3A_176 : vector<16xi32> to vector<1x16xi32>
      tpu.vector_store %arg10[%parallel_loop3A_177, %parallel_loop3A_178], %parallel_loop3A_181 {strides = array<i32>} : memref<81x128xi32, #tpu.memory_space<vmem>>, vector<1x16xi32>,
      %parallel_loop3A_182 = arith.constant 128 : i32
      %parallel_loop3A_183 = arith.muli %parallel_loop3A_158, %parallel_loop3A_182 : i32
      %parallel_loop3A_184 = arith.constant 16 : i32
      %parallel_loop3A_185 = arith.addi %parallel_loop3A_183, %parallel_loop3A_184 : i32
      %parallel_loop3A_186 = arith.index_cast %parallel_loop3A_185 : i32 to index
      %parallel_loop3A_187 = tpu.vector_load %arg8[%parallel_loop3A_186] {strides = array<i32>} : memref<10368xi32, #tpu.memory_space<vmem>>, vector<16xi32>,
      %parallel_loop3A_188 = vector.shape_cast %parallel_loop3A_187 : vector<16xi32> to vector<16xi32>
      %parallel_loop3A_189 = arith.constant 65535 : i32
      %parallel_loop3A_190 = vector.broadcast %parallel_loop3A_189 : i32 to vector<16xi32>
      %parallel_loop3A_191 = arith.andi %parallel_loop3A_188, %parallel_loop3A_190 : vector<16xi32>
      %parallel_loop3A_192 = arith.index_cast %parallel_loop3A_158 : i32 to index
      %parallel_loop3A_193 = arith.constant 16 : index
      %parallel_loop3A_194 = tpu.vector_load %arg9[%parallel_loop3A_192, %parallel_loop3A_193] {strides = array<i32>} : memref<81x128xi32, #tpu.memory_space<vmem>>, vector<1x16xi32>,
      %parallel_loop3A_195 = vector.shape_cast %parallel_loop3A_194 : vector<1x16xi32> to vector<16xi32>
      %parallel_loop3A_196 = vector.shape_cast %parallel_loop3A_191 : vector<16xi32> to vector<1x16xi32>
      tpu.vector_store %arg9[%parallel_loop3A_192, %parallel_loop3A_193], %parallel_loop3A_196 {strides = array<i32>} : memref<81x128xi32, #tpu.memory_space<vmem>>, vector<1x16xi32>,
      %parallel_loop3A_197 = arith.constant 16 : i32
      %parallel_loop3A_198 = vector.broadcast %parallel_loop3A_197 : i32 to vector<16xi32>
      %parallel_loop3A_199 = arith.shrui %parallel_loop3A_188, %parallel_loop3A_198 : vector<16xi32>
      %parallel_loop3A_200 = arith.index_cast %parallel_loop3A_158 : i32 to index
      %parallel_loop3A_201 = arith.constant 16 : index
      %parallel_loop3A_202 = tpu.vector_load %arg10[%parallel_loop3A_200, %parallel_loop3A_201] {strides = array<i32>} : memref<81x128xi32, #tpu.memory_space<vmem>>, vector<1x16xi32>,
      %parallel_loop3A_203 = vector.shape_cast %parallel_loop3A_202 : vector<1x16xi32> to vector<16xi32>
      %parallel_loop3A_204 = vector.shape_cast %parallel_loop3A_199 : vector<16xi32> to vector<1x16xi32>
      tpu.vector_store %arg10[%parallel_loop3A_200, %parallel_loop3A_201], %parallel_loop3A_204 {strides = array<i32>} : memref<81x128xi32, #tpu.memory_space<vmem>>, vector<1x16xi32>,
      %parallel_loop3A_205 = arith.constant 128 : i32
      %parallel_loop3A_206 = arith.muli %parallel_loop3A_158, %parallel_loop3A_205 : i32
      %parallel_loop3A_207 = arith.constant 32 : i32
      %parallel_loop3A_208 = arith.addi %parallel_loop3A_206, %parallel_loop3A_207 : i32
      %parallel_loop3A_209 = arith.index_cast %parallel_loop3A_208 : i32 to index
      %parallel_loop3A_210 = tpu.vector_load %arg8[%parallel_loop3A_209] {strides = array<i32>} : memref<10368xi32, #tpu.memory_space<vmem>>, vector<16xi32>,
      %parallel_loop3A_211 = vector.shape_cast %parallel_loop3A_210 : vector<16xi32> to vector<16xi32>
      %parallel_loop3A_212 = arith.constant 65535 : i32
      %parallel_loop3A_213 = vector.broadcast %parallel_loop3A_212 : i32 to vector<16xi32>
      %parallel_loop3A_214 = arith.andi %parallel_loop3A_211, %parallel_loop3A_213 : vector<16xi32>
      %parallel_loop3A_215 = arith.index_cast %parallel_loop3A_158 : i32 to index
      %parallel_loop3A_216 = arith.constant 32 : index
      %parallel_loop3A_217 = tpu.vector_load %arg9[%parallel_loop3A_215, %parallel_loop3A_216] {strides = array<i32>} : memref<81x128xi32, #tpu.memory_space<vmem>>, vector<1x16xi32>,
      %parallel_loop3A_218 = vector.shape_cast %parallel_loop3A_217 : vector<1x16xi32> to vector<16xi32>
      %parallel_loop3A_219 = vector.shape_cast %parallel_loop3A_214 : vector<16xi32> to vector<1x16xi32>
      tpu.vector_store %arg9[%parallel_loop3A_215, %parallel_loop3A_216], %parallel_loop3A_219 {strides = array<i32>} : memref<81x128xi32, #tpu.memory_space<vmem>>, vector<1x16xi32>,
      %parallel_loop3A_220 = arith.constant 16 : i32
      %parallel_loop3A_221 = vector.broadcast %parallel_loop3A_220 : i32 to vector<16xi32>
      %parallel_loop3A_222 = arith.shrui %parallel_loop3A_211, %parallel_loop3A_221 : vector<16xi32>
      %parallel_loop3A_223 = arith.index_cast %parallel_loop3A_158 : i32 to index
      %parallel_loop3A_224 = arith.constant 32 : index
      %parallel_loop3A_225 = tpu.vector_load %arg10[%parallel_loop3A_223, %parallel_loop3A_224] {strides = array<i32>} : memref<81x128xi32, #tpu.memory_space<vmem>>, vector<1x16xi32>,
      %parallel_loop3A_226 = vector.shape_cast %parallel_loop3A_225 : vector<1x16xi32> to vector<16xi32>
      %parallel_loop3A_227 = vector.shape_cast %parallel_loop3A_222 : vector<16xi32> to vector<1x16xi32>
      tpu.vector_store %arg10[%parallel_loop3A_223, %parallel_loop3A_224], %parallel_loop3A_227 {strides = array<i32>} : memref<81x128xi32, #tpu.memory_space<vmem>>, vector<1x16xi32>,
      %parallel_loop3A_228 = arith.constant 128 : i32
      %parallel_loop3A_229 = arith.muli %parallel_loop3A_158, %parallel_loop3A_228 : i32
      %parallel_loop3A_230 = arith.constant 48 : i32
      %parallel_loop3A_231 = arith.addi %parallel_loop3A_229, %parallel_loop3A_230 : i32
      %parallel_loop3A_232 = arith.index_cast %parallel_loop3A_231 : i32 to index
      %parallel_loop3A_233 = tpu.vector_load %arg8[%parallel_loop3A_232] {strides = array<i32>} : memref<10368xi32, #tpu.memory_space<vmem>>, vector<16xi32>,
      %parallel_loop3A_234 = vector.shape_cast %parallel_loop3A_233 : vector<16xi32> to vector<16xi32>
      %parallel_loop3A_235 = arith.constant 65535 : i32
      %parallel_loop3A_236 = vector.broadcast %parallel_loop3A_235 : i32 to vector<16xi32>
      %parallel_loop3A_237 = arith.andi %parallel_loop3A_234, %parallel_loop3A_236 : vector<16xi32>
      %parallel_loop3A_238 = arith.index_cast %parallel_loop3A_158 : i32 to index
      %parallel_loop3A_239 = arith.constant 48 : index
      %parallel_loop3A_240 = tpu.vector_load %arg9[%parallel_loop3A_238, %parallel_loop3A_239] {strides = array<i32>} : memref<81x128xi32, #tpu.memory_space<vmem>>, vector<1x16xi32>,
      %parallel_loop3A_241 = vector.shape_cast %parallel_loop3A_240 : vector<1x16xi32> to vector<16xi32>
      %parallel_loop3A_242 = vector.shape_cast %parallel_loop3A_237 : vector<16xi32> to vector<1x16xi32>
      tpu.vector_store %arg9[%parallel_loop3A_238, %parallel_loop3A_239], %parallel_loop3A_242 {strides = array<i32>} : memref<81x128xi32, #tpu.memory_space<vmem>>, vector<1x16xi32>,
      %parallel_loop3A_243 = arith.constant 16 : i32
      %parallel_loop3A_244 = vector.broadcast %parallel_loop3A_243 : i32 to vector<16xi32>
      %parallel_loop3A_245 = arith.shrui %parallel_loop3A_234, %parallel_loop3A_244 : vector<16xi32>
      %parallel_loop3A_246 = arith.index_cast %parallel_loop3A_158 : i32 to index
      %parallel_loop3A_247 = arith.constant 48 : index
      %parallel_loop3A_248 = tpu.vector_load %arg10[%parallel_loop3A_246, %parallel_loop3A_247] {strides = array<i32>} : memref<81x128xi32, #tpu.memory_space<vmem>>, vector<1x16xi32>,
      %parallel_loop3A_249 = vector.shape_cast %parallel_loop3A_248 : vector<1x16xi32> to vector<16xi32>
      %parallel_loop3A_250 = vector.shape_cast %parallel_loop3A_245 : vector<16xi32> to vector<1x16xi32>
      tpu.vector_store %arg10[%parallel_loop3A_246, %parallel_loop3A_247], %parallel_loop3A_250 {strides = array<i32>} : memref<81x128xi32, #tpu.memory_space<vmem>>, vector<1x16xi32>,
      %parallel_loop3A_251 = arith.constant 128 : i32
      %parallel_loop3A_252 = arith.muli %parallel_loop3A_158, %parallel_loop3A_251 : i32
      %parallel_loop3A_253 = arith.constant 64 : i32
      %parallel_loop3A_254 = arith.addi %parallel_loop3A_252, %parallel_loop3A_253 : i32
      %parallel_loop3A_255 = arith.index_cast %parallel_loop3A_254 : i32 to index
      %parallel_loop3A_256 = tpu.vector_load %arg8[%parallel_loop3A_255] {strides = array<i32>} : memref<10368xi32, #tpu.memory_space<vmem>>, vector<16xi32>,
      %parallel_loop3A_257 = vector.shape_cast %parallel_loop3A_256 : vector<16xi32> to vector<16xi32>
      %parallel_loop3A_258 = arith.constant 65535 : i32
      %parallel_loop3A_259 = vector.broadcast %parallel_loop3A_258 : i32 to vector<16xi32>
      %parallel_loop3A_260 = arith.andi %parallel_loop3A_257, %parallel_loop3A_259 : vector<16xi32>
      %parallel_loop3A_261 = arith.index_cast %parallel_loop3A_158 : i32 to index
      %parallel_loop3A_262 = arith.constant 64 : index
      %parallel_loop3A_263 = tpu.vector_load %arg9[%parallel_loop3A_261, %parallel_loop3A_262] {strides = array<i32>} : memref<81x128xi32, #tpu.memory_space<vmem>>, vector<1x16xi32>,
      %parallel_loop3A_264 = vector.shape_cast %parallel_loop3A_263 : vector<1x16xi32> to vector<16xi32>
      %parallel_loop3A_265 = vector.shape_cast %parallel_loop3A_260 : vector<16xi32> to vector<1x16xi32>
      tpu.vector_store %arg9[%parallel_loop3A_261, %parallel_loop3A_262], %parallel_loop3A_265 {strides = array<i32>} : memref<81x128xi32, #tpu.memory_space<vmem>>, vector<1x16xi32>,
      %parallel_loop3A_266 = arith.constant 16 : i32
      %parallel_loop3A_267 = vector.broadcast %parallel_loop3A_266 : i32 to vector<16xi32>
      %parallel_loop3A_268 = arith.shrui %parallel_loop3A_257, %parallel_loop3A_267 : vector<16xi32>
      %parallel_loop3A_269 = arith.index_cast %parallel_loop3A_158 : i32 to index
      %parallel_loop3A_270 = arith.constant 64 : index
      %parallel_loop3A_271 = tpu.vector_load %arg10[%parallel_loop3A_269, %parallel_loop3A_270] {strides = array<i32>} : memref<81x128xi32, #tpu.memory_space<vmem>>, vector<1x16xi32>,
      %parallel_loop3A_272 = vector.shape_cast %parallel_loop3A_271 : vector<1x16xi32> to vector<16xi32>
      %parallel_loop3A_273 = vector.shape_cast %parallel_loop3A_268 : vector<16xi32> to vector<1x16xi32>
      tpu.vector_store %arg10[%parallel_loop3A_269, %parallel_loop3A_270], %parallel_loop3A_273 {strides = array<i32>} : memref<81x128xi32, #tpu.memory_space<vmem>>, vector<1x16xi32>,
      %parallel_loop3A_274 = arith.constant 128 : i32
      %parallel_loop3A_275 = arith.muli %parallel_loop3A_158, %parallel_loop3A_274 : i32
      %parallel_loop3A_276 = arith.constant 80 : i32
      %parallel_loop3A_277 = arith.addi %parallel_loop3A_275, %parallel_loop3A_276 : i32
      %parallel_loop3A_278 = arith.index_cast %parallel_loop3A_277 : i32 to index
      %parallel_loop3A_279 = tpu.vector_load %arg8[%parallel_loop3A_278] {strides = array<i32>} : memref<10368xi32, #tpu.memory_space<vmem>>, vector<16xi32>,
      %parallel_loop3A_280 = vector.shape_cast %parallel_loop3A_279 : vector<16xi32> to vector<16xi32>
      %parallel_loop3A_281 = arith.constant 65535 : i32
      %parallel_loop3A_282 = vector.broadcast %parallel_loop3A_281 : i32 to vector<16xi32>
      %parallel_loop3A_283 = arith.andi %parallel_loop3A_280, %parallel_loop3A_282 : vector<16xi32>
      %parallel_loop3A_284 = arith.index_cast %parallel_loop3A_158 : i32 to index
      %parallel_loop3A_285 = arith.constant 80 : index
      %parallel_loop3A_286 = tpu.vector_load %arg9[%parallel_loop3A_284, %parallel_loop3A_285] {strides = array<i32>} : memref<81x128xi32, #tpu.memory_space<vmem>>, vector<1x16xi32>,
      %parallel_loop3A_287 = vector.shape_cast %parallel_loop3A_286 : vector<1x16xi32> to vector<16xi32>
      %parallel_loop3A_288 = vector.shape_cast %parallel_loop3A_283 : vector<16xi32> to vector<1x16xi32>
      tpu.vector_store %arg9[%parallel_loop3A_284, %parallel_loop3A_285], %parallel_loop3A_288 {strides = array<i32>} : memref<81x128xi32, #tpu.memory_space<vmem>>, vector<1x16xi32>,
      %parallel_loop3A_289 = arith.constant 16 : i32
      %parallel_loop3A_290 = vector.broadcast %parallel_loop3A_289 : i32 to vector<16xi32>
      %parallel_loop3A_291 = arith.shrui %parallel_loop3A_280, %parallel_loop3A_290 : vector<16xi32>
      %parallel_loop3A_292 = arith.index_cast %parallel_loop3A_158 : i32 to index
      %parallel_loop3A_293 = arith.constant 80 : index
      %parallel_loop3A_294 = tpu.vector_load %arg10[%parallel_loop3A_292, %parallel_loop3A_293] {strides = array<i32>} : memref<81x128xi32, #tpu.memory_space<vmem>>, vector<1x16xi32>,
      %parallel_loop3A_295 = vector.shape_cast %parallel_loop3A_294 : vector<1x16xi32> to vector<16xi32>
      %parallel_loop3A_296 = vector.shape_cast %parallel_loop3A_291 : vector<16xi32> to vector<1x16xi32>
      tpu.vector_store %arg10[%parallel_loop3A_292, %parallel_loop3A_293], %parallel_loop3A_296 {strides = array<i32>} : memref<81x128xi32, #tpu.memory_space<vmem>>, vector<1x16xi32>,
      %parallel_loop3A_297 = arith.constant 128 : i32
      %parallel_loop3A_298 = arith.muli %parallel_loop3A_158, %parallel_loop3A_297 : i32
      %parallel_loop3A_299 = arith.constant 96 : i32
      %parallel_loop3A_300 = arith.addi %parallel_loop3A_298, %parallel_loop3A_299 : i32
      %parallel_loop3A_301 = arith.index_cast %parallel_loop3A_300 : i32 to index
      %parallel_loop3A_302 = tpu.vector_load %arg8[%parallel_loop3A_301] {strides = array<i32>} : memref<10368xi32, #tpu.memory_space<vmem>>, vector<16xi32>,
      %parallel_loop3A_303 = vector.shape_cast %parallel_loop3A_302 : vector<16xi32> to vector<16xi32>
      %parallel_loop3A_304 = arith.constant 65535 : i32
      %parallel_loop3A_305 = vector.broadcast %parallel_loop3A_304 : i32 to vector<16xi32>
      %parallel_loop3A_306 = arith.andi %parallel_loop3A_303, %parallel_loop3A_305 : vector<16xi32>
      %parallel_loop3A_307 = arith.index_cast %parallel_loop3A_158 : i32 to index
      %parallel_loop3A_308 = arith.constant 96 : index
      %parallel_loop3A_309 = tpu.vector_load %arg9[%parallel_loop3A_307, %parallel_loop3A_308] {strides = array<i32>} : memref<81x128xi32, #tpu.memory_space<vmem>>, vector<1x16xi32>,
      %parallel_loop3A_310 = vector.shape_cast %parallel_loop3A_309 : vector<1x16xi32> to vector<16xi32>
      %parallel_loop3A_311 = vector.shape_cast %parallel_loop3A_306 : vector<16xi32> to vector<1x16xi32>
      tpu.vector_store %arg9[%parallel_loop3A_307, %parallel_loop3A_308], %parallel_loop3A_311 {strides = array<i32>} : memref<81x128xi32, #tpu.memory_space<vmem>>, vector<1x16xi32>,
      %parallel_loop3A_312 = arith.constant 16 : i32
      %parallel_loop3A_313 = vector.broadcast %parallel_loop3A_312 : i32 to vector<16xi32>
      %parallel_loop3A_314 = arith.shrui %parallel_loop3A_303, %parallel_loop3A_313 : vector<16xi32>
      %parallel_loop3A_315 = arith.index_cast %parallel_loop3A_158 : i32 to index
      %parallel_loop3A_316 = arith.constant 96 : index
      %parallel_loop3A_317 = tpu.vector_load %arg10[%parallel_loop3A_315, %parallel_loop3A_316] {strides = array<i32>} : memref<81x128xi32, #tpu.memory_space<vmem>>, vector<1x16xi32>,
      %parallel_loop3A_318 = vector.shape_cast %parallel_loop3A_317 : vector<1x16xi32> to vector<16xi32>
      %parallel_loop3A_319 = vector.shape_cast %parallel_loop3A_314 : vector<16xi32> to vector<1x16xi32>
      tpu.vector_store %arg10[%parallel_loop3A_315, %parallel_loop3A_316], %parallel_loop3A_319 {strides = array<i32>} : memref<81x128xi32, #tpu.memory_space<vmem>>, vector<1x16xi32>,
      %parallel_loop3A_320 = arith.constant 128 : i32
      %parallel_loop3A_321 = arith.muli %parallel_loop3A_158, %parallel_loop3A_320 : i32
      %parallel_loop3A_322 = arith.constant 112 : i32
      %parallel_loop3A_323 = arith.addi %parallel_loop3A_321, %parallel_loop3A_322 : i32
      %parallel_loop3A_324 = arith.index_cast %parallel_loop3A_323 : i32 to index
      %parallel_loop3A_325 = tpu.vector_load %arg8[%parallel_loop3A_324] {strides = array<i32>} : memref<10368xi32, #tpu.memory_space<vmem>>, vector<16xi32>,
      %parallel_loop3A_326 = vector.shape_cast %parallel_loop3A_325 : vector<16xi32> to vector<16xi32>
      %parallel_loop3A_327 = arith.constant 65535 : i32
      %parallel_loop3A_328 = vector.broadcast %parallel_loop3A_327 : i32 to vector<16xi32>
      %parallel_loop3A_329 = arith.andi %parallel_loop3A_326, %parallel_loop3A_328 : vector<16xi32>
      %parallel_loop3A_330 = arith.index_cast %parallel_loop3A_158 : i32 to index
      %parallel_loop3A_331 = arith.constant 112 : index
      %parallel_loop3A_332 = tpu.vector_load %arg9[%parallel_loop3A_330, %parallel_loop3A_331] {strides = array<i32>} : memref<81x128xi32, #tpu.memory_space<vmem>>, vector<1x16xi32>,
      %parallel_loop3A_333 = vector.shape_cast %parallel_loop3A_332 : vector<1x16xi32> to vector<16xi32>
      %parallel_loop3A_334 = vector.shape_cast %parallel_loop3A_329 : vector<16xi32> to vector<1x16xi32>
      tpu.vector_store %arg9[%parallel_loop3A_330, %parallel_loop3A_331], %parallel_loop3A_334 {strides = array<i32>} : memref<81x128xi32, #tpu.memory_space<vmem>>, vector<1x16xi32>,
      %parallel_loop3A_335 = arith.constant 16 : i32
      %parallel_loop3A_336 = vector.broadcast %parallel_loop3A_335 : i32 to vector<16xi32>
      %parallel_loop3A_337 = arith.shrui %parallel_loop3A_326, %parallel_loop3A_336 : vector<16xi32>
      %parallel_loop3A_338 = arith.index_cast %parallel_loop3A_158 : i32 to index
      %parallel_loop3A_339 = arith.constant 112 : index
      %parallel_loop3A_340 = tpu.vector_load %arg10[%parallel_loop3A_338, %parallel_loop3A_339] {strides = array<i32>} : memref<81x128xi32, #tpu.memory_space<vmem>>, vector<1x16xi32>,
      %parallel_loop3A_341 = vector.shape_cast %parallel_loop3A_340 : vector<1x16xi32> to vector<16xi32>
      %parallel_loop3A_342 = vector.shape_cast %parallel_loop3A_337 : vector<16xi32> to vector<1x16xi32>
      tpu.vector_store %arg10[%parallel_loop3A_338, %parallel_loop3A_339], %parallel_loop3A_342 {strides = array<i32>} : memref<81x128xi32, #tpu.memory_space<vmem>>, vector<1x16xi32>,
    } {sc.loop_unroll_factor = 2 : i64, sc.parallel_access}
    %broadcast_in_dim3A = arith.constant 0.000000e+00 : f32
    %broadcast_in_dim3A_13 = vector.broadcast %broadcast_in_dim3A : f32 to vector<16xf32>
    %scan3A = arith.constant 0 : i32
    %scan3A_14 = arith.constant 128 : i32
    %scan3A_15 = arith.addi %scan3A, %scan3A_14 : i32
    %scan3A_16 = arith.constant 1 : i32
    scf.for %scan3A_158 = %scan3A to %scan3A_15 step %scan3A_16  : i32 {
      %mul3A_159 = arith.constant 1 : i32
      %mul3A_160 = arith.muli %scan3A_158, %mul3A_159 : i32
      %add3A_161 = arith.constant 0 : i32
      %add3A_162 = arith.addi %add3A_161, %mul3A_160 : i32
      %swap3A = arith.constant 0 : i32
      %swap3A_163 = arith.index_cast %swap3A : i32 to index
      %swap3A_164 = arith.index_cast %add3A_162 : i32 to index
      %swap3A_165 = arith.constant 0 : index
      %swap3A_166 = tpu.vector_load %arg13[%swap3A_163, %swap3A_164, %swap3A_165] {strides = array<i32>} : memref<3x128x80xf32, #tpu.memory_space<vmem>>, vector<1x1x16xf32>,
      %swap3A_167 = vector.shape_cast %swap3A_166 : vector<1x1x16xf32> to vector<16xf32>
      %swap3A_168 = vector.shape_cast %broadcast_in_dim3A_13 : vector<16xf32> to vector<1x1x16xf32>
      tpu.vector_store %arg13[%swap3A_163, %swap3A_164, %swap3A_165], %swap3A_168 {strides = array<i32>} : memref<3x128x80xf32, #tpu.memory_space<vmem>>, vector<1x1x16xf32>,
      %swap3A_169 = arith.constant 0 : i32
      %swap3A_170 = arith.index_cast %swap3A_169 : i32 to index
      %swap3A_171 = arith.index_cast %add3A_162 : i32 to index
      %swap3A_172 = arith.constant 16 : index
      %swap3A_173 = tpu.vector_load %arg13[%swap3A_170, %swap3A_171, %swap3A_172] {strides = array<i32>} : memref<3x128x80xf32, #tpu.memory_space<vmem>>, vector<1x1x16xf32>,
      %swap3A_174 = vector.shape_cast %swap3A_173 : vector<1x1x16xf32> to vector<16xf32>
      %swap3A_175 = vector.shape_cast %broadcast_in_dim3A_13 : vector<16xf32> to vector<1x1x16xf32>
      tpu.vector_store %arg13[%swap3A_170, %swap3A_171, %swap3A_172], %swap3A_175 {strides = array<i32>} : memref<3x128x80xf32, #tpu.memory_space<vmem>>, vector<1x1x16xf32>,
      %swap3A_176 = arith.constant 0 : i32
      %swap3A_177 = arith.index_cast %swap3A_176 : i32 to index
      %swap3A_178 = arith.index_cast %add3A_162 : i32 to index
      %swap3A_179 = arith.constant 32 : index
      %swap3A_180 = tpu.vector_load %arg13[%swap3A_177, %swap3A_178, %swap3A_179] {strides = array<i32>} : memref<3x128x80xf32, #tpu.memory_space<vmem>>, vector<1x1x16xf32>,
      %swap3A_181 = vector.shape_cast %swap3A_180 : vector<1x1x16xf32> to vector<16xf32>
      %swap3A_182 = vector.shape_cast %broadcast_in_dim3A_13 : vector<16xf32> to vector<1x1x16xf32>
      tpu.vector_store %arg13[%swap3A_177, %swap3A_178, %swap3A_179], %swap3A_182 {strides = array<i32>} : memref<3x128x80xf32, #tpu.memory_space<vmem>>, vector<1x1x16xf32>,
      %swap3A_183 = arith.constant 0 : i32
      %swap3A_184 = arith.index_cast %swap3A_183 : i32 to index
      %swap3A_185 = arith.index_cast %add3A_162 : i32 to index
      %swap3A_186 = arith.constant 48 : index
      %swap3A_187 = tpu.vector_load %arg13[%swap3A_184, %swap3A_185, %swap3A_186] {strides = array<i32>} : memref<3x128x80xf32, #tpu.memory_space<vmem>>, vector<1x1x16xf32>,
      %swap3A_188 = vector.shape_cast %swap3A_187 : vector<1x1x16xf32> to vector<16xf32>
      %swap3A_189 = vector.shape_cast %broadcast_in_dim3A_13 : vector<16xf32> to vector<1x1x16xf32>
      tpu.vector_store %arg13[%swap3A_184, %swap3A_185, %swap3A_186], %swap3A_189 {strides = array<i32>} : memref<3x128x80xf32, #tpu.memory_space<vmem>>, vector<1x1x16xf32>,
      %swap3A_190 = arith.constant 0 : i32
      %swap3A_191 = arith.index_cast %swap3A_190 : i32 to index
      %swap3A_192 = arith.index_cast %add3A_162 : i32 to index
      %swap3A_193 = arith.constant 64 : index
      %swap3A_194 = tpu.vector_load %arg13[%swap3A_191, %swap3A_192, %swap3A_193] {strides = array<i32>} : memref<3x128x80xf32, #tpu.memory_space<vmem>>, vector<1x1x16xf32>,
      %swap3A_195 = vector.shape_cast %swap3A_194 : vector<1x1x16xf32> to vector<16xf32>
      %swap3A_196 = vector.shape_cast %broadcast_in_dim3A_13 : vector<16xf32> to vector<1x1x16xf32>
      tpu.vector_store %arg13[%swap3A_191, %swap3A_192, %swap3A_193], %swap3A_196 {strides = array<i32>} : memref<3x128x80xf32, #tpu.memory_space<vmem>>, vector<1x1x16xf32>,
    }
    %scan3A_17 = arith.constant 128 : i32
    %mul3A_18 = arith.constant 632 : i32
    %mul3A_19 = arith.muli %arg1, %mul3A_18 : i32
    %add3A_20 = arith.constant 0 : i32
    %add3A_21 = arith.addi %mul3A_19, %add3A_20 : i32
    %run_scoped3A = arith.constant 0 : i32
    "tpu.region"() ({
      %run_scoped3A_158 = tpu.sem_alloc : memref<!tpu.dma_semaphore, #tpu.memory_space<semaphore_mem>>
      %dma_start3A_159 = arith.constant 0 : i32
      %dma_start3A_160 = arith.constant 0 : i32
      %dma_start3A_161 = tpu.memref_slice %arg13[%run_scoped3A, %dma_start3A_159, %dma_start3A_160] : memref<3x128x80xf32, #tpu.memory_space<vmem>> -> memref<1x128x80xf32, #tpu.memory_space<vmem>>
      %dma_start3A_162 = tpu.memref_squeeze %dma_start3A_161 : memref<1x128x80xf32, #tpu.memory_space<vmem>> -> memref<128x80xf32, #tpu.memory_space<vmem>>
      %dma_start3A_163 = arith.constant 0 : i32
      %dma_start3A_164 = tpu.memref_slice %arg14[%add3A_21, %dma_start3A_163] : memref<10112x80xf32, #tpu.memory_space<vmem_shared>> -> memref<128x80xf32, #tpu.memory_space<vmem_shared>>
      %dma_start3A_165 = arith.constant 0 : i32
      %dma_start3A_166 = tpu.memref_slice %arg14[%add3A_21, %dma_start3A_165] : memref<10112x80xf32, #tpu.memory_space<vmem_shared>> -> memref<128x80xf32, #tpu.memory_space<vmem_shared>>
      %dma_start3A_167 = arith.constant 0 : i32
      %dma_start3A_168 = arith.constant 0 : i32
      %dma_start3A_169 = tpu.memref_slice %arg13[%run_scoped3A, %dma_start3A_167, %dma_start3A_168] : memref<3x128x80xf32, #tpu.memory_space<vmem>> -> memref<1x128x80xf32, #tpu.memory_space<vmem>>
      %dma_start3A_170 = tpu.memref_squeeze %dma_start3A_169 : memref<1x128x80xf32, #tpu.memory_space<vmem>> -> memref<128x80xf32, #tpu.memory_space<vmem>>
      tpu.enqueue_dma source(%dma_start3A_170 : memref<128x80xf32, #tpu.memory_space<vmem>>) target(%dma_start3A_166 : memref<128x80xf32, #tpu.memory_space<vmem_shared>>) target_semaphore(%run_scoped3A_158 : memref<!tpu.dma_semaphore, #tpu.memory_space<semaphore_mem>>)
      %dma_wait3A = arith.constant 0 : i32
      %dma_wait3A_171 = arith.constant 0 : i32
      %dma_wait3A_172 = tpu.memref_slice %arg13[%run_scoped3A, %dma_wait3A, %dma_wait3A_171] : memref<3x128x80xf32, #tpu.memory_space<vmem>> -> memref<1x128x80xf32, #tpu.memory_space<vmem>>
      %dma_wait3A_173 = tpu.memref_squeeze %dma_wait3A_172 : memref<1x128x80xf32, #tpu.memory_space<vmem>> -> memref<128x80xf32, #tpu.memory_space<vmem>>
      %dma_wait3A_174 = arith.constant 0 : i32
      %dma_wait3A_175 = tpu.memref_slice %arg14[%add3A_21, %dma_wait3A_174] : memref<10112x80xf32, #tpu.memory_space<vmem_shared>> -> memref<128x80xf32, #tpu.memory_space<vmem_shared>>
      %dma_wait3A_176 = arith.constant 0 : i32
      %dma_wait3A_177 = tpu.memref_slice %arg14[%add3A_21, %dma_wait3A_176] : memref<10112x80xf32, #tpu.memory_space<vmem_shared>> -> memref<128x80xf32, #tpu.memory_space<vmem_shared>>
      %dma_wait3A_178 = arith.constant 0 : i32
      %dma_wait3A_179 = arith.constant 0 : i32
      %dma_wait3A_180 = tpu.memref_slice %arg13[%run_scoped3A, %dma_wait3A_178, %dma_wait3A_179] : memref<3x128x80xf32, #tpu.memory_space<vmem>> -> memref<1x128x80xf32, #tpu.memory_space<vmem>>
      %dma_wait3A_181 = tpu.memref_squeeze %dma_wait3A_180 : memref<1x128x80xf32, #tpu.memory_space<vmem>> -> memref<128x80xf32, #tpu.memory_space<vmem>>
      tpu.wait_dma2 semaphore(%run_scoped3A_158 : memref<!tpu.dma_semaphore, #tpu.memory_space<semaphore_mem>>) src(%dma_wait3A_181 : memref<128x80xf32, #tpu.memory_space<vmem>>) dst(%dma_wait3A_177 : memref<128x80xf32, #tpu.memory_space<vmem_shared>>)
      tpu.yield
    }) : () -> ()
    %add3A_22 = arith.constant 128 : i32
    %add3A_23 = arith.addi %mul3A_19, %add3A_22 : i32
    %run_scoped3A_24 = arith.constant 0 : i32
    "tpu.region"() ({
      %run_scoped3A_158 = tpu.sem_alloc : memref<!tpu.dma_semaphore, #tpu.memory_space<semaphore_mem>>
      %dma_start3A_159 = arith.constant 0 : i32
      %dma_start3A_160 = arith.constant 0 : i32
      %dma_start3A_161 = tpu.memref_slice %arg13[%run_scoped3A_24, %dma_start3A_159, %dma_start3A_160] : memref<3x128x80xf32, #tpu.memory_space<vmem>> -> memref<1x128x80xf32, #tpu.memory_space<vmem>>
      %dma_start3A_162 = tpu.memref_squeeze %dma_start3A_161 : memref<1x128x80xf32, #tpu.memory_space<vmem>> -> memref<128x80xf32, #tpu.memory_space<vmem>>
      %dma_start3A_163 = arith.constant 0 : i32
      %dma_start3A_164 = tpu.memref_slice %arg14[%add3A_23, %dma_start3A_163] : memref<10112x80xf32, #tpu.memory_space<vmem_shared>> -> memref<128x80xf32, #tpu.memory_space<vmem_shared>>
      %dma_start3A_165 = arith.constant 0 : i32
      %dma_start3A_166 = tpu.memref_slice %arg14[%add3A_23, %dma_start3A_165] : memref<10112x80xf32, #tpu.memory_space<vmem_shared>> -> memref<128x80xf32, #tpu.memory_space<vmem_shared>>
      %dma_start3A_167 = arith.constant 0 : i32
      %dma_start3A_168 = arith.constant 0 : i32
      %dma_start3A_169 = tpu.memref_slice %arg13[%run_scoped3A_24, %dma_start3A_167, %dma_start3A_168] : memref<3x128x80xf32, #tpu.memory_space<vmem>> -> memref<1x128x80xf32, #tpu.memory_space<vmem>>
      %dma_start3A_170 = tpu.memref_squeeze %dma_start3A_169 : memref<1x128x80xf32, #tpu.memory_space<vmem>> -> memref<128x80xf32, #tpu.memory_space<vmem>>
      tpu.enqueue_dma source(%dma_start3A_170 : memref<128x80xf32, #tpu.memory_space<vmem>>) target(%dma_start3A_166 : memref<128x80xf32, #tpu.memory_space<vmem_shared>>) target_semaphore(%run_scoped3A_158 : memref<!tpu.dma_semaphore, #tpu.memory_space<semaphore_mem>>)
      %dma_wait3A = arith.constant 0 : i32
      %dma_wait3A_171 = arith.constant 0 : i32
      %dma_wait3A_172 = tpu.memref_slice %arg13[%run_scoped3A_24, %dma_wait3A, %dma_wait3A_171] : memref<3x128x80xf32, #tpu.memory_space<vmem>> -> memref<1x128x80xf32, #tpu.memory_space<vmem>>
      %dma_wait3A_173 = tpu.memref_squeeze %dma_wait3A_172 : memref<1x128x80xf32, #tpu.memory_space<vmem>> -> memref<128x80xf32, #tpu.memory_space<vmem>>
      %dma_wait3A_174 = arith.constant 0 : i32
      %dma_wait3A_175 = tpu.memref_slice %arg14[%add3A_23, %dma_wait3A_174] : memref<10112x80xf32, #tpu.memory_space<vmem_shared>> -> memref<128x80xf32, #tpu.memory_space<vmem_shared>>
      %dma_wait3A_176 = arith.constant 0 : i32
      %dma_wait3A_177 = tpu.memref_slice %arg14[%add3A_23, %dma_wait3A_176] : memref<10112x80xf32, #tpu.memory_space<vmem_shared>> -> memref<128x80xf32, #tpu.memory_space<vmem_shared>>
      %dma_wait3A_178 = arith.constant 0 : i32
      %dma_wait3A_179 = arith.constant 0 : i32
      %dma_wait3A_180 = tpu.memref_slice %arg13[%run_scoped3A_24, %dma_wait3A_178, %dma_wait3A_179] : memref<3x128x80xf32, #tpu.memory_space<vmem>> -> memref<1x128x80xf32, #tpu.memory_space<vmem>>
      %dma_wait3A_181 = tpu.memref_squeeze %dma_wait3A_180 : memref<1x128x80xf32, #tpu.memory_space<vmem>> -> memref<128x80xf32, #tpu.memory_space<vmem>>
      tpu.wait_dma2 semaphore(%run_scoped3A_158 : memref<!tpu.dma_semaphore, #tpu.memory_space<semaphore_mem>>) src(%dma_wait3A_181 : memref<128x80xf32, #tpu.memory_space<vmem>>) dst(%dma_wait3A_177 : memref<128x80xf32, #tpu.memory_space<vmem_shared>>)
      tpu.yield
    }) : () -> ()
    %add3A_25 = arith.constant 256 : i32
    %add3A_26 = arith.addi %mul3A_19, %add3A_25 : i32
    %run_scoped3A_27 = arith.constant 0 : i32
    "tpu.region"() ({
      %run_scoped3A_158 = tpu.sem_alloc : memref<!tpu.dma_semaphore, #tpu.memory_space<semaphore_mem>>
      %dma_start3A_159 = arith.constant 0 : i32
      %dma_start3A_160 = arith.constant 0 : i32
      %dma_start3A_161 = tpu.memref_slice %arg13[%run_scoped3A_27, %dma_start3A_159, %dma_start3A_160] : memref<3x128x80xf32, #tpu.memory_space<vmem>> -> memref<1x128x80xf32, #tpu.memory_space<vmem>>
      %dma_start3A_162 = tpu.memref_squeeze %dma_start3A_161 : memref<1x128x80xf32, #tpu.memory_space<vmem>> -> memref<128x80xf32, #tpu.memory_space<vmem>>
      %dma_start3A_163 = arith.constant 0 : i32
      %dma_start3A_164 = tpu.memref_slice %arg14[%add3A_26, %dma_start3A_163] : memref<10112x80xf32, #tpu.memory_space<vmem_shared>> -> memref<128x80xf32, #tpu.memory_space<vmem_shared>>
      %dma_start3A_165 = arith.constant 0 : i32
      %dma_start3A_166 = tpu.memref_slice %arg14[%add3A_26, %dma_start3A_165] : memref<10112x80xf32, #tpu.memory_space<vmem_shared>> -> memref<128x80xf32, #tpu.memory_space<vmem_shared>>
      %dma_start3A_167 = arith.constant 0 : i32
      %dma_start3A_168 = arith.constant 0 : i32
      %dma_start3A_169 = tpu.memref_slice %arg13[%run_scoped3A_27, %dma_start3A_167, %dma_start3A_168] : memref<3x128x80xf32, #tpu.memory_space<vmem>> -> memref<1x128x80xf32, #tpu.memory_space<vmem>>
      %dma_start3A_170 = tpu.memref_squeeze %dma_start3A_169 : memref<1x128x80xf32, #tpu.memory_space<vmem>> -> memref<128x80xf32, #tpu.memory_space<vmem>>
      tpu.enqueue_dma source(%dma_start3A_170 : memref<128x80xf32, #tpu.memory_space<vmem>>) target(%dma_start3A_166 : memref<128x80xf32, #tpu.memory_space<vmem_shared>>) target_semaphore(%run_scoped3A_158 : memref<!tpu.dma_semaphore, #tpu.memory_space<semaphore_mem>>)
      %dma_wait3A = arith.constant 0 : i32
      %dma_wait3A_171 = arith.constant 0 : i32
      %dma_wait3A_172 = tpu.memref_slice %arg13[%run_scoped3A_27, %dma_wait3A, %dma_wait3A_171] : memref<3x128x80xf32, #tpu.memory_space<vmem>> -> memref<1x128x80xf32, #tpu.memory_space<vmem>>
      %dma_wait3A_173 = tpu.memref_squeeze %dma_wait3A_172 : memref<1x128x80xf32, #tpu.memory_space<vmem>> -> memref<128x80xf32, #tpu.memory_space<vmem>>
      %dma_wait3A_174 = arith.constant 0 : i32
      %dma_wait3A_175 = tpu.memref_slice %arg14[%add3A_26, %dma_wait3A_174] : memref<10112x80xf32, #tpu.memory_space<vmem_shared>> -> memref<128x80xf32, #tpu.memory_space<vmem_shared>>
      %dma_wait3A_176 = arith.constant 0 : i32
      %dma_wait3A_177 = tpu.memref_slice %arg14[%add3A_26, %dma_wait3A_176] : memref<10112x80xf32, #tpu.memory_space<vmem_shared>> -> memref<128x80xf32, #tpu.memory_space<vmem_shared>>
      %dma_wait3A_178 = arith.constant 0 : i32
      %dma_wait3A_179 = arith.constant 0 : i32
      %dma_wait3A_180 = tpu.memref_slice %arg13[%run_scoped3A_27, %dma_wait3A_178, %dma_wait3A_179] : memref<3x128x80xf32, #tpu.memory_space<vmem>> -> memref<1x128x80xf32, #tpu.memory_space<vmem>>
      %dma_wait3A_181 = tpu.memref_squeeze %dma_wait3A_180 : memref<1x128x80xf32, #tpu.memory_space<vmem>> -> memref<128x80xf32, #tpu.memory_space<vmem>>
      tpu.wait_dma2 semaphore(%run_scoped3A_158 : memref<!tpu.dma_semaphore, #tpu.memory_space<semaphore_mem>>) src(%dma_wait3A_181 : memref<128x80xf32, #tpu.memory_space<vmem>>) dst(%dma_wait3A_177 : memref<128x80xf32, #tpu.memory_space<vmem_shared>>)
      tpu.yield
    }) : () -> ()
    %add3A_28 = arith.constant 384 : i32
    %add3A_29 = arith.addi %mul3A_19, %add3A_28 : i32
    %run_scoped3A_30 = arith.constant 0 : i32
    "tpu.region"() ({
      %run_scoped3A_158 = tpu.sem_alloc : memref<!tpu.dma_semaphore, #tpu.memory_space<semaphore_mem>>
      %dma_start3A_159 = arith.constant 0 : i32
      %dma_start3A_160 = arith.constant 0 : i32
      %dma_start3A_161 = tpu.memref_slice %arg13[%run_scoped3A_30, %dma_start3A_159, %dma_start3A_160] : memref<3x128x80xf32, #tpu.memory_space<vmem>> -> memref<1x128x80xf32, #tpu.memory_space<vmem>>
      %dma_start3A_162 = tpu.memref_squeeze %dma_start3A_161 : memref<1x128x80xf32, #tpu.memory_space<vmem>> -> memref<128x80xf32, #tpu.memory_space<vmem>>
      %dma_start3A_163 = arith.constant 0 : i32
      %dma_start3A_164 = tpu.memref_slice %arg14[%add3A_29, %dma_start3A_163] : memref<10112x80xf32, #tpu.memory_space<vmem_shared>> -> memref<128x80xf32, #tpu.memory_space<vmem_shared>>
      %dma_start3A_165 = arith.constant 0 : i32
      %dma_start3A_166 = tpu.memref_slice %arg14[%add3A_29, %dma_start3A_165] : memref<10112x80xf32, #tpu.memory_space<vmem_shared>> -> memref<128x80xf32, #tpu.memory_space<vmem_shared>>
      %dma_start3A_167 = arith.constant 0 : i32
      %dma_start3A_168 = arith.constant 0 : i32
      %dma_start3A_169 = tpu.memref_slice %arg13[%run_scoped3A_30, %dma_start3A_167, %dma_start3A_168] : memref<3x128x80xf32, #tpu.memory_space<vmem>> -> memref<1x128x80xf32, #tpu.memory_space<vmem>>
      %dma_start3A_170 = tpu.memref_squeeze %dma_start3A_169 : memref<1x128x80xf32, #tpu.memory_space<vmem>> -> memref<128x80xf32, #tpu.memory_space<vmem>>
      tpu.enqueue_dma source(%dma_start3A_170 : memref<128x80xf32, #tpu.memory_space<vmem>>) target(%dma_start3A_166 : memref<128x80xf32, #tpu.memory_space<vmem_shared>>) target_semaphore(%run_scoped3A_158 : memref<!tpu.dma_semaphore, #tpu.memory_space<semaphore_mem>>)
      %dma_wait3A = arith.constant 0 : i32
      %dma_wait3A_171 = arith.constant 0 : i32
      %dma_wait3A_172 = tpu.memref_slice %arg13[%run_scoped3A_30, %dma_wait3A, %dma_wait3A_171] : memref<3x128x80xf32, #tpu.memory_space<vmem>> -> memref<1x128x80xf32, #tpu.memory_space<vmem>>
      %dma_wait3A_173 = tpu.memref_squeeze %dma_wait3A_172 : memref<1x128x80xf32, #tpu.memory_space<vmem>> -> memref<128x80xf32, #tpu.memory_space<vmem>>
      %dma_wait3A_174 = arith.constant 0 : i32
      %dma_wait3A_175 = tpu.memref_slice %arg14[%add3A_29, %dma_wait3A_174] : memref<10112x80xf32, #tpu.memory_space<vmem_shared>> -> memref<128x80xf32, #tpu.memory_space<vmem_shared>>
      %dma_wait3A_176 = arith.constant 0 : i32
      %dma_wait3A_177 = tpu.memref_slice %arg14[%add3A_29, %dma_wait3A_176] : memref<10112x80xf32, #tpu.memory_space<vmem_shared>> -> memref<128x80xf32, #tpu.memory_space<vmem_shared>>
      %dma_wait3A_178 = arith.constant 0 : i32
      %dma_wait3A_179 = arith.constant 0 : i32
      %dma_wait3A_180 = tpu.memref_slice %arg13[%run_scoped3A_30, %dma_wait3A_178, %dma_wait3A_179] : memref<3x128x80xf32, #tpu.memory_space<vmem>> -> memref<1x128x80xf32, #tpu.memory_space<vmem>>
      %dma_wait3A_181 = tpu.memref_squeeze %dma_wait3A_180 : memref<1x128x80xf32, #tpu.memory_space<vmem>> -> memref<128x80xf32, #tpu.memory_space<vmem>>
      tpu.wait_dma2 semaphore(%run_scoped3A_158 : memref<!tpu.dma_semaphore, #tpu.memory_space<semaphore_mem>>) src(%dma_wait3A_181 : memref<128x80xf32, #tpu.memory_space<vmem>>) dst(%dma_wait3A_177 : memref<128x80xf32, #tpu.memory_space<vmem_shared>>)
      tpu.yield
    }) : () -> ()
    %add3A_31 = arith.constant 512 : i32
    %add3A_32 = arith.addi %mul3A_19, %add3A_31 : i32
    %run_scoped3A_33 = arith.constant 0 : i32
    "tpu.region"() ({
      %run_scoped3A_158 = tpu.sem_alloc : memref<!tpu.dma_semaphore, #tpu.memory_space<semaphore_mem>>
      %dma_start3A_159 = arith.constant 0 : i32
      %dma_start3A_160 = arith.constant 0 : i32
      %dma_start3A_161 = tpu.memref_slice %arg13[%run_scoped3A_33, %dma_start3A_159, %dma_start3A_160] : memref<3x128x80xf32, #tpu.memory_space<vmem>> -> memref<1x120x80xf32, #tpu.memory_space<vmem>>
      %dma_start3A_162 = tpu.memref_squeeze %dma_start3A_161 : memref<1x120x80xf32, #tpu.memory_space<vmem>> -> memref<120x80xf32, #tpu.memory_space<vmem>>
      %dma_start3A_163 = arith.constant 0 : i32
      %dma_start3A_164 = tpu.memref_slice %arg14[%add3A_32, %dma_start3A_163] : memref<10112x80xf32, #tpu.memory_space<vmem_shared>> -> memref<120x80xf32, #tpu.memory_space<vmem_shared>>
      %dma_start3A_165 = arith.constant 0 : i32
      %dma_start3A_166 = tpu.memref_slice %arg14[%add3A_32, %dma_start3A_165] : memref<10112x80xf32, #tpu.memory_space<vmem_shared>> -> memref<120x80xf32, #tpu.memory_space<vmem_shared>>
      %dma_start3A_167 = arith.constant 0 : i32
      %dma_start3A_168 = arith.constant 0 : i32
      %dma_start3A_169 = tpu.memref_slice %arg13[%run_scoped3A_33, %dma_start3A_167, %dma_start3A_168] : memref<3x128x80xf32, #tpu.memory_space<vmem>> -> memref<1x120x80xf32, #tpu.memory_space<vmem>>
      %dma_start3A_170 = tpu.memref_squeeze %dma_start3A_169 : memref<1x120x80xf32, #tpu.memory_space<vmem>> -> memref<120x80xf32, #tpu.memory_space<vmem>>
      tpu.enqueue_dma source(%dma_start3A_170 : memref<120x80xf32, #tpu.memory_space<vmem>>) target(%dma_start3A_166 : memref<120x80xf32, #tpu.memory_space<vmem_shared>>) target_semaphore(%run_scoped3A_158 : memref<!tpu.dma_semaphore, #tpu.memory_space<semaphore_mem>>)
      %dma_wait3A = arith.constant 0 : i32
      %dma_wait3A_171 = arith.constant 0 : i32
      %dma_wait3A_172 = tpu.memref_slice %arg13[%run_scoped3A_33, %dma_wait3A, %dma_wait3A_171] : memref<3x128x80xf32, #tpu.memory_space<vmem>> -> memref<1x120x80xf32, #tpu.memory_space<vmem>>
      %dma_wait3A_173 = tpu.memref_squeeze %dma_wait3A_172 : memref<1x120x80xf32, #tpu.memory_space<vmem>> -> memref<120x80xf32, #tpu.memory_space<vmem>>
      %dma_wait3A_174 = arith.constant 0 : i32
      %dma_wait3A_175 = tpu.memref_slice %arg14[%add3A_32, %dma_wait3A_174] : memref<10112x80xf32, #tpu.memory_space<vmem_shared>> -> memref<120x80xf32, #tpu.memory_space<vmem_shared>>
      %dma_wait3A_176 = arith.constant 0 : i32
      %dma_wait3A_177 = tpu.memref_slice %arg14[%add3A_32, %dma_wait3A_176] : memref<10112x80xf32, #tpu.memory_space<vmem_shared>> -> memref<120x80xf32, #tpu.memory_space<vmem_shared>>
      %dma_wait3A_178 = arith.constant 0 : i32
      %dma_wait3A_179 = arith.constant 0 : i32
      %dma_wait3A_180 = tpu.memref_slice %arg13[%run_scoped3A_33, %dma_wait3A_178, %dma_wait3A_179] : memref<3x128x80xf32, #tpu.memory_space<vmem>> -> memref<1x120x80xf32, #tpu.memory_space<vmem>>
      %dma_wait3A_181 = tpu.memref_squeeze %dma_wait3A_180 : memref<1x120x80xf32, #tpu.memory_space<vmem>> -> memref<120x80xf32, #tpu.memory_space<vmem>>
      tpu.wait_dma2 semaphore(%run_scoped3A_158 : memref<!tpu.dma_semaphore, #tpu.memory_space<semaphore_mem>>) src(%dma_wait3A_181 : memref<120x80xf32, #tpu.memory_space<vmem>>) dst(%dma_wait3A_177 : memref<120x80xf32, #tpu.memory_space<vmem_shared>>)
      tpu.yield
    }) : () -> ()
    %barrier3A = arith.constant 0 : index
    tpu.barrier barrier_id(%barrier3A)
    %iota3A = tpu.iota {dimensions = array<i32: 0>} : vector<16xi32>
    %add3A_34 = arith.constant 0 : i32
    %add3A_35 = vector.broadcast %add3A_34 : i32 to vector<16xi32>
    %add3A_36 = arith.addi %iota3A, %add3A_35 : vector<16xi32>
    %div3A = arith.constant 10 : i32
    %div3A_37 = vector.broadcast %div3A : i32 to vector<16xi32>
    %div3A_38 = arith.divsi %add3A_36, %div3A_37 : vector<16xi32>
    %add3A_39 = arith.constant 16 : i32
    %add3A_40 = vector.broadcast %add3A_39 : i32 to vector<16xi32>
    %add3A_41 = arith.addi %iota3A, %add3A_40 : vector<16xi32>
    %div3A_42 = arith.constant 10 : i32
    %div3A_43 = vector.broadcast %div3A_42 : i32 to vector<16xi32>
    %div3A_44 = arith.divsi %add3A_41, %div3A_43 : vector<16xi32>
    %add3A_45 = arith.constant 32 : i32
    %add3A_46 = vector.broadcast %add3A_45 : i32 to vector<16xi32>
    %add3A_47 = arith.addi %iota3A, %add3A_46 : vector<16xi32>
    %div3A_48 = arith.constant 10 : i32
    %div3A_49 = vector.broadcast %div3A_48 : i32 to vector<16xi32>
    %div3A_50 = arith.divsi %add3A_47, %div3A_49 : vector<16xi32>
    %add3A_51 = arith.constant 48 : i32
    %add3A_52 = vector.broadcast %add3A_51 : i32 to vector<16xi32>
    %add3A_53 = arith.addi %iota3A, %add3A_52 : vector<16xi32>
    %div3A_54 = arith.constant 10 : i32
    %div3A_55 = vector.broadcast %div3A_54 : i32 to vector<16xi32>
    %div3A_56 = arith.divsi %add3A_53, %div3A_55 : vector<16xi32>
    %add3A_57 = arith.constant 64 : i32
    %add3A_58 = vector.broadcast %add3A_57 : i32 to vector<16xi32>
    %add3A_59 = arith.addi %iota3A, %add3A_58 : vector<16xi32>
    %div3A_60 = arith.constant 10 : i32
    %div3A_61 = vector.broadcast %div3A_60 : i32 to vector<16xi32>
    %div3A_62 = arith.divsi %add3A_59, %div3A_61 : vector<16xi32>
    %dma_start3A = arith.constant 0 : i32
    %dma_start3A_63 = arith.constant 0 : i32
    %dma_start3A_64 = arith.constant 0 : i32
    %dma_start3A_65 = arith.constant 0 : i32
    %dma_start3A_66 = arith.constant 0 : i32
    %dma_start3A_67 = tpu.memref_slice %arg11[%dma_start3A_63, %dma_start3A_65, %dma_start3A_66] : memref<3x128x16xf32, #tpu.memory_space<vmem>> -> memref<1x128x16xf32, #tpu.memory_space<vmem>>
    %dma_start3A_68 = tpu.memref_squeeze %dma_start3A_67 : memref<1x128x16xf32, #tpu.memory_space<vmem>> -> memref<128x16xf32, #tpu.memory_space<vmem>>
    %dma_start3A_69 = arith.constant 0 : i32
    %dma_start3A_70 = tpu.memref_slice %arg9[%dma_start3A, %dma_start3A_69] : memref<81x128xi32, #tpu.memory_space<vmem>> -> memref<1x128xi32, #tpu.memory_space<vmem>>
    %dma_start3A_71 = tpu.memref_squeeze %dma_start3A_70 : memref<1x128xi32, #tpu.memory_space<vmem>> -> memref<128xi32, #tpu.memory_space<vmem>>
    %dma_start3A_72 = arith.constant 0 : i32
    %dma_start3A_73 = arith.constant 0 : i32
    %dma_start3A_74 = tpu.memref_slice %arg5[%dma_start3A_72, %dma_start3A_73] : memref<10112x16xf32, #tpu.memory_space<hbm>> -> memref<10112x16xf32, #tpu.memory_space<hbm>>
    %dma_start3A_75 = tpu.memref_slice %arg15[%dma_start3A_64] : memref<3x!tpu.dma_semaphore, #tpu.memory_space<semaphore_mem>> -> memref<1x!tpu.dma_semaphore, #tpu.memory_space<semaphore_mem>>
    %dma_start3A_76 = tpu.memref_squeeze %dma_start3A_75 : memref<1x!tpu.dma_semaphore, #tpu.memory_space<semaphore_mem>> -> memref<!tpu.dma_semaphore, #tpu.memory_space<semaphore_mem>>
    tpu.enqueue_indirect_dma source(%dma_start3A_74 : memref<10112x16xf32, #tpu.memory_space<hbm>>) target(%dma_start3A_68 : memref<128x16xf32, #tpu.memory_space<vmem>>) offsets(%dma_start3A_71 : memref<128xi32, #tpu.memory_space<vmem>>) semaphore(%dma_start3A_76 : memref<!tpu.dma_semaphore, #tpu.memory_space<semaphore_mem>>)
    %dma_start3A_77 = arith.constant 0 : i32
    %dma_start3A_78 = arith.constant 0 : i32
    %dma_start3A_79 = arith.constant 0 : i32
    %dma_start3A_80 = arith.constant 0 : i32
    %dma_start3A_81 = arith.constant 0 : i32
    %dma_start3A_82 = tpu.memref_slice %arg12[%dma_start3A_78, %dma_start3A_80, %dma_start3A_81] : memref<3x128x16xf32, #tpu.memory_space<vmem>> -> memref<1x128x16xf32, #tpu.memory_space<vmem>>
    %dma_start3A_83 = tpu.memref_squeeze %dma_start3A_82 : memref<1x128x16xf32, #tpu.memory_space<vmem>> -> memref<128x16xf32, #tpu.memory_space<vmem>>
    %dma_start3A_84 = arith.constant 0 : i32
    %dma_start3A_85 = tpu.memref_slice %arg10[%dma_start3A_77, %dma_start3A_84] : memref<81x128xi32, #tpu.memory_space<vmem>> -> memref<1x128xi32, #tpu.memory_space<vmem>>
    %dma_start3A_86 = tpu.memref_squeeze %dma_start3A_85 : memref<1x128xi32, #tpu.memory_space<vmem>> -> memref<128xi32, #tpu.memory_space<vmem>>
    %dma_start3A_87 = arith.constant 0 : i32
    %dma_start3A_88 = arith.constant 0 : i32
    %dma_start3A_89 = tpu.memref_slice %arg6[%dma_start3A_87, %dma_start3A_88] : memref<10112x16xf32, #tpu.memory_space<hbm>> -> memref<10112x16xf32, #tpu.memory_space<hbm>>
    %dma_start3A_90 = tpu.memref_slice %arg16[%dma_start3A_79] : memref<3x!tpu.dma_semaphore, #tpu.memory_space<semaphore_mem>> -> memref<1x!tpu.dma_semaphore, #tpu.memory_space<semaphore_mem>>
    %dma_start3A_91 = tpu.memref_squeeze %dma_start3A_90 : memref<1x!tpu.dma_semaphore, #tpu.memory_space<semaphore_mem>> -> memref<!tpu.dma_semaphore, #tpu.memory_space<semaphore_mem>>
    tpu.enqueue_indirect_dma source(%dma_start3A_89 : memref<10112x16xf32, #tpu.memory_space<hbm>>) target(%dma_start3A_83 : memref<128x16xf32, #tpu.memory_space<vmem>>) offsets(%dma_start3A_86 : memref<128xi32, #tpu.memory_space<vmem>>) semaphore(%dma_start3A_91 : memref<!tpu.dma_semaphore, #tpu.memory_space<semaphore_mem>>)
    %dma_start3A_92 = arith.constant 0 : i32
    %dma_start3A_93 = arith.constant 0 : i32
    %dma_start3A_94 = arith.constant 0 : i32
    %dma_start3A_95 = arith.constant 0 : i32
    %dma_start3A_96 = arith.constant 0 : i32
    %dma_start3A_97 = tpu.memref_slice %arg13[%dma_start3A_93, %dma_start3A_95, %dma_start3A_96] : memref<3x128x80xf32, #tpu.memory_space<vmem>> -> memref<1x128x80xf32, #tpu.memory_space<vmem>>
    %dma_start3A_98 = tpu.memref_squeeze %dma_start3A_97 : memref<1x128x80xf32, #tpu.memory_space<vmem>> -> memref<128x80xf32, #tpu.memory_space<vmem>>
    %dma_start3A_99 = arith.constant 0 : i32
    %dma_start3A_100 = tpu.memref_slice %arg9[%dma_start3A_92, %dma_start3A_99] : memref<81x128xi32, #tpu.memory_space<vmem>> -> memref<1x128xi32, #tpu.memory_space<vmem>>
    %dma_start3A_101 = tpu.memref_squeeze %dma_start3A_100 : memref<1x128xi32, #tpu.memory_space<vmem>> -> memref<128xi32, #tpu.memory_space<vmem>>
    %dma_start3A_102 = arith.constant 0 : i32
    %dma_start3A_103 = arith.constant 0 : i32
    %dma_start3A_104 = tpu.memref_slice %arg4[%dma_start3A_102, %dma_start3A_103] : memref<10112x80xf32, #tpu.memory_space<hbm>> -> memref<10112x80xf32, #tpu.memory_space<hbm>>
    %dma_start3A_105 = tpu.memref_slice %arg17[%dma_start3A_94] : memref<3x!tpu.dma_semaphore, #tpu.memory_space<semaphore_mem>> -> memref<1x!tpu.dma_semaphore, #tpu.memory_space<semaphore_mem>>
    %dma_start3A_106 = tpu.memref_squeeze %dma_start3A_105 : memref<1x!tpu.dma_semaphore, #tpu.memory_space<semaphore_mem>> -> memref<!tpu.dma_semaphore, #tpu.memory_space<semaphore_mem>>
    tpu.enqueue_indirect_dma source(%dma_start3A_104 : memref<10112x80xf32, #tpu.memory_space<hbm>>) target(%dma_start3A_98 : memref<128x80xf32, #tpu.memory_space<vmem>>) offsets(%dma_start3A_101 : memref<128xi32, #tpu.memory_space<vmem>>) semaphore(%dma_start3A_106 : memref<!tpu.dma_semaphore, #tpu.memory_space<semaphore_mem>>)
    %dma_start3A_107 = arith.constant 1 : i32
    %dma_start3A_108 = arith.constant 1 : i32
    %dma_start3A_109 = arith.constant 1 : i32
    %dma_start3A_110 = arith.constant 0 : i32
    %dma_start3A_111 = arith.constant 0 : i32
    %dma_start3A_112 = tpu.memref_slice %arg11[%dma_start3A_108, %dma_start3A_110, %dma_start3A_111] : memref<3x128x16xf32, #tpu.memory_space<vmem>> -> memref<1x128x16xf32, #tpu.memory_space<vmem>>
    %dma_start3A_113 = tpu.memref_squeeze %dma_start3A_112 : memref<1x128x16xf32, #tpu.memory_space<vmem>> -> memref<128x16xf32, #tpu.memory_space<vmem>>
    %dma_start3A_114 = arith.constant 0 : i32
    %dma_start3A_115 = tpu.memref_slice %arg9[%dma_start3A_107, %dma_start3A_114] : memref<81x128xi32, #tpu.memory_space<vmem>> -> memref<1x128xi32, #tpu.memory_space<vmem>>
    %dma_start3A_116 = tpu.memref_squeeze %dma_start3A_115 : memref<1x128xi32, #tpu.memory_space<vmem>> -> memref<128xi32, #tpu.memory_space<vmem>>
    %dma_start3A_117 = arith.constant 0 : i32
    %dma_start3A_118 = arith.constant 0 : i32
    %dma_start3A_119 = tpu.memref_slice %arg5[%dma_start3A_117, %dma_start3A_118] : memref<10112x16xf32, #tpu.memory_space<hbm>> -> memref<10112x16xf32, #tpu.memory_space<hbm>>
    %dma_start3A_120 = tpu.memref_slice %arg15[%dma_start3A_109] : memref<3x!tpu.dma_semaphore, #tpu.memory_space<semaphore_mem>> -> memref<1x!tpu.dma_semaphore, #tpu.memory_space<semaphore_mem>>
    %dma_start3A_121 = tpu.memref_squeeze %dma_start3A_120 : memref<1x!tpu.dma_semaphore, #tpu.memory_space<semaphore_mem>> -> memref<!tpu.dma_semaphore, #tpu.memory_space<semaphore_mem>>
    tpu.enqueue_indirect_dma source(%dma_start3A_119 : memref<10112x16xf32, #tpu.memory_space<hbm>>) target(%dma_start3A_113 : memref<128x16xf32, #tpu.memory_space<vmem>>) offsets(%dma_start3A_116 : memref<128xi32, #tpu.memory_space<vmem>>) semaphore(%dma_start3A_121 : memref<!tpu.dma_semaphore, #tpu.memory_space<semaphore_mem>>)
    %dma_start3A_122 = arith.constant 1 : i32
    %dma_start3A_123 = arith.constant 1 : i32
    %dma_start3A_124 = arith.constant 1 : i32
    %dma_start3A_125 = arith.constant 0 : i32
    %dma_start3A_126 = arith.constant 0 : i32
    %dma_start3A_127 = tpu.memref_slice %arg12[%dma_start3A_123, %dma_start3A_125, %dma_start3A_126] : memref<3x128x16xf32, #tpu.memory_space<vmem>> -> memref<1x128x16xf32, #tpu.memory_space<vmem>>
    %dma_start3A_128 = tpu.memref_squeeze %dma_start3A_127 : memref<1x128x16xf32, #tpu.memory_space<vmem>> -> memref<128x16xf32, #tpu.memory_space<vmem>>
    %dma_start3A_129 = arith.constant 0 : i32
    %dma_start3A_130 = tpu.memref_slice %arg10[%dma_start3A_122, %dma_start3A_129] : memref<81x128xi32, #tpu.memory_space<vmem>> -> memref<1x128xi32, #tpu.memory_space<vmem>>
    %dma_start3A_131 = tpu.memref_squeeze %dma_start3A_130 : memref<1x128xi32, #tpu.memory_space<vmem>> -> memref<128xi32, #tpu.memory_space<vmem>>
    %dma_start3A_132 = arith.constant 0 : i32
    %dma_start3A_133 = arith.constant 0 : i32
    %dma_start3A_134 = tpu.memref_slice %arg6[%dma_start3A_132, %dma_start3A_133] : memref<10112x16xf32, #tpu.memory_space<hbm>> -> memref<10112x16xf32, #tpu.memory_space<hbm>>
    %dma_start3A_135 = tpu.memref_slice %arg16[%dma_start3A_124] : memref<3x!tpu.dma_semaphore, #tpu.memory_space<semaphore_mem>> -> memref<1x!tpu.dma_semaphore, #tpu.memory_space<semaphore_mem>>
    %dma_start3A_136 = tpu.memref_squeeze %dma_start3A_135 : memref<1x!tpu.dma_semaphore, #tpu.memory_space<semaphore_mem>> -> memref<!tpu.dma_semaphore, #tpu.memory_space<semaphore_mem>>
    tpu.enqueue_indirect_dma source(%dma_start3A_134 : memref<10112x16xf32, #tpu.memory_space<hbm>>) target(%dma_start3A_128 : memref<128x16xf32, #tpu.memory_space<vmem>>) offsets(%dma_start3A_131 : memref<128xi32, #tpu.memory_space<vmem>>) semaphore(%dma_start3A_136 : memref<!tpu.dma_semaphore, #tpu.memory_space<semaphore_mem>>)
    %dma_start3A_137 = arith.constant 1 : i32
    %dma_start3A_138 = arith.constant 1 : i32
    %dma_start3A_139 = arith.constant 1 : i32
    %dma_start3A_140 = arith.constant 0 : i32
    %dma_start3A_141 = arith.constant 0 : i32
    %dma_start3A_142 = tpu.memref_slice %arg13[%dma_start3A_138, %dma_start3A_140, %dma_start3A_141] : memref<3x128x80xf32, #tpu.memory_space<vmem>> -> memref<1x128x80xf32, #tpu.memory_space<vmem>>
    %dma_start3A_143 = tpu.memref_squeeze %dma_start3A_142 : memref<1x128x80xf32, #tpu.memory_space<vmem>> -> memref<128x80xf32, #tpu.memory_space<vmem>>
    %dma_start3A_144 = arith.constant 0 : i32
    %dma_start3A_145 = tpu.memref_slice %arg9[%dma_start3A_137, %dma_start3A_144] : memref<81x128xi32, #tpu.memory_space<vmem>> -> memref<1x128xi32, #tpu.memory_space<vmem>>
    %dma_start3A_146 = tpu.memref_squeeze %dma_start3A_145 : memref<1x128xi32, #tpu.memory_space<vmem>> -> memref<128xi32, #tpu.memory_space<vmem>>
    %dma_start3A_147 = arith.constant 0 : i32
    %dma_start3A_148 = arith.constant 0 : i32
    %dma_start3A_149 = tpu.memref_slice %arg4[%dma_start3A_147, %dma_start3A_148] : memref<10112x80xf32, #tpu.memory_space<hbm>> -> memref<10112x80xf32, #tpu.memory_space<hbm>>
    %dma_start3A_150 = tpu.memref_slice %arg17[%dma_start3A_139] : memref<3x!tpu.dma_semaphore, #tpu.memory_space<semaphore_mem>> -> memref<1x!tpu.dma_semaphore, #tpu.memory_space<semaphore_mem>>
    %dma_start3A_151 = tpu.memref_squeeze %dma_start3A_150 : memref<1x!tpu.dma_semaphore, #tpu.memory_space<semaphore_mem>> -> memref<!tpu.dma_semaphore, #tpu.memory_space<semaphore_mem>>
    tpu.enqueue_indirect_dma source(%dma_start3A_149 : memref<10112x80xf32, #tpu.memory_space<hbm>>) target(%dma_start3A_143 : memref<128x80xf32, #tpu.memory_space<vmem>>) offsets(%dma_start3A_146 : memref<128xi32, #tpu.memory_space<vmem>>) semaphore(%dma_start3A_151 : memref<!tpu.dma_semaphore, #tpu.memory_space<semaphore_mem>>)
    %scan3A_152 = arith.constant 0 : i32
    %scan3A_153 = arith.constant 27 : i32
    %scan3A_154 = arith.addi %scan3A_152, %scan3A_153 : i32
    %scan3A_155 = arith.constant 1 : i32
    scf.for %scan3A_158 = %scan3A_152 to %scan3A_154 step %scan3A_155  : i32 {
      %mul3A_159 = arith.constant 1 : i32
      %mul3A_160 = arith.muli %scan3A_158, %mul3A_159 : i32
      %add3A_161 = arith.constant 0 : i32
      %add3A_162 = arith.addi %add3A_161, %mul3A_160 : i32
      %mul3A_163 = arith.constant 3 : i32
      %mul3A_164 = arith.muli %add3A_162, %mul3A_163 : i32
      %add3A_165 = arith.constant 0 : i32
      %add3A_166 = arith.addi %mul3A_164, %add3A_165 : i32
      %dma_wait3A = arith.constant 0 : i32
      %dma_wait3A_167 = arith.constant 0 : i32
      %dma_wait3A_168 = arith.constant 0 : i32
      %dma_wait3A_169 = arith.constant 0 : i32
      %dma_wait3A_170 = tpu.memref_slice %arg11[%dma_wait3A, %dma_wait3A_168, %dma_wait3A_169] : memref<3x128x16xf32, #tpu.memory_space<vmem>> -> memref<1x128x16xf32, #tpu.memory_space<vmem>>
      %dma_wait3A_171 = tpu.memref_squeeze %dma_wait3A_170 : memref<1x128x16xf32, #tpu.memory_space<vmem>> -> memref<128x16xf32, #tpu.memory_space<vmem>>
      %dma_wait3A_172 = arith.constant 0 : i32
      %dma_wait3A_173 = tpu.memref_slice %arg9[%add3A_166, %dma_wait3A_172] : memref<81x128xi32, #tpu.memory_space<vmem>> -> memref<1x128xi32, #tpu.memory_space<vmem>>
      %dma_wait3A_174 = tpu.memref_squeeze %dma_wait3A_173 : memref<1x128xi32, #tpu.memory_space<vmem>> -> memref<128xi32, #tpu.memory_space<vmem>>
      %dma_wait3A_175 = arith.constant 0 : i32
      %dma_wait3A_176 = arith.constant 0 : i32
      %dma_wait3A_177 = tpu.memref_slice %arg5[%dma_wait3A_175, %dma_wait3A_176] : memref<10112x16xf32, #tpu.memory_space<hbm>> -> memref<10112x16xf32, #tpu.memory_space<hbm>>
      %dma_wait3A_178 = tpu.memref_slice %arg15[%dma_wait3A_167] : memref<3x!tpu.dma_semaphore, #tpu.memory_space<semaphore_mem>> -> memref<1x!tpu.dma_semaphore, #tpu.memory_space<semaphore_mem>>
      %dma_wait3A_179 = tpu.memref_squeeze %dma_wait3A_178 : memref<1x!tpu.dma_semaphore, #tpu.memory_space<semaphore_mem>> -> memref<!tpu.dma_semaphore, #tpu.memory_space<semaphore_mem>>
      tpu.wait_indirect_dma semaphore(%dma_wait3A_179 : memref<!tpu.dma_semaphore, #tpu.memory_space<semaphore_mem>>) src(%dma_wait3A_177 : memref<10112x16xf32, #tpu.memory_space<hbm>>) dst(%dma_wait3A_171 : memref<128x16xf32, #tpu.memory_space<vmem>>)
      %dma_wait3A_180 = arith.constant 0 : i32
      %dma_wait3A_181 = arith.constant 0 : i32
      %dma_wait3A_182 = arith.constant 0 : i32
      %dma_wait3A_183 = arith.constant 0 : i32
      %dma_wait3A_184 = tpu.memref_slice %arg12[%dma_wait3A_180, %dma_wait3A_182, %dma_wait3A_183] : memref<3x128x16xf32, #tpu.memory_space<vmem>> -> memref<1x128x16xf32, #tpu.memory_space<vmem>>
      %dma_wait3A_185 = tpu.memref_squeeze %dma_wait3A_184 : memref<1x128x16xf32, #tpu.memory_space<vmem>> -> memref<128x16xf32, #tpu.memory_space<vmem>>
      %dma_wait3A_186 = arith.constant 0 : i32
      %dma_wait3A_187 = tpu.memref_slice %arg10[%add3A_166, %dma_wait3A_186] : memref<81x128xi32, #tpu.memory_space<vmem>> -> memref<1x128xi32, #tpu.memory_space<vmem>>
      %dma_wait3A_188 = tpu.memref_squeeze %dma_wait3A_187 : memref<1x128xi32, #tpu.memory_space<vmem>> -> memref<128xi32, #tpu.memory_space<vmem>>
      %dma_wait3A_189 = arith.constant 0 : i32
      %dma_wait3A_190 = arith.constant 0 : i32
      %dma_wait3A_191 = tpu.memref_slice %arg6[%dma_wait3A_189, %dma_wait3A_190] : memref<10112x16xf32, #tpu.memory_space<hbm>> -> memref<10112x16xf32, #tpu.memory_space<hbm>>
      %dma_wait3A_192 = tpu.memref_slice %arg16[%dma_wait3A_181] : memref<3x!tpu.dma_semaphore, #tpu.memory_space<semaphore_mem>> -> memref<1x!tpu.dma_semaphore, #tpu.memory_space<semaphore_mem>>
      %dma_wait3A_193 = tpu.memref_squeeze %dma_wait3A_192 : memref<1x!tpu.dma_semaphore, #tpu.memory_space<semaphore_mem>> -> memref<!tpu.dma_semaphore, #tpu.memory_space<semaphore_mem>>
      tpu.wait_indirect_dma semaphore(%dma_wait3A_193 : memref<!tpu.dma_semaphore, #tpu.memory_space<semaphore_mem>>) src(%dma_wait3A_191 : memref<10112x16xf32, #tpu.memory_space<hbm>>) dst(%dma_wait3A_185 : memref<128x16xf32, #tpu.memory_space<vmem>>)
      %dma_wait3A_194 = arith.constant 0 : i32
      %dma_wait3A_195 = arith.constant 0 : i32
      %dma_wait3A_196 = arith.constant 0 : i32
      %dma_wait3A_197 = arith.constant 0 : i32
      %dma_wait3A_198 = tpu.memref_slice %arg13[%dma_wait3A_194, %dma_wait3A_196, %dma_wait3A_197] : memref<3x128x80xf32, #tpu.memory_space<vmem>> -> memref<1x128x80xf32, #tpu.memory_space<vmem>>
      %dma_wait3A_199 = tpu.memref_squeeze %dma_wait3A_198 : memref<1x128x80xf32, #tpu.memory_space<vmem>> -> memref<128x80xf32, #tpu.memory_space<vmem>>
      %dma_wait3A_200 = arith.constant 0 : i32
      %dma_wait3A_201 = tpu.memref_slice %arg9[%add3A_166, %dma_wait3A_200] : memref<81x128xi32, #tpu.memory_space<vmem>> -> memref<1x128xi32, #tpu.memory_space<vmem>>
      %dma_wait3A_202 = tpu.memref_squeeze %dma_wait3A_201 : memref<1x128xi32, #tpu.memory_space<vmem>> -> memref<128xi32, #tpu.memory_space<vmem>>
      %dma_wait3A_203 = arith.constant 0 : i32
      %dma_wait3A_204 = arith.constant 0 : i32
      %dma_wait3A_205 = tpu.memref_slice %arg4[%dma_wait3A_203, %dma_wait3A_204] : memref<10112x80xf32, #tpu.memory_space<hbm>> -> memref<10112x80xf32, #tpu.memory_space<hbm>>
      %dma_wait3A_206 = tpu.memref_slice %arg17[%dma_wait3A_195] : memref<3x!tpu.dma_semaphore, #tpu.memory_space<semaphore_mem>> -> memref<1x!tpu.dma_semaphore, #tpu.memory_space<semaphore_mem>>
      %dma_wait3A_207 = tpu.memref_squeeze %dma_wait3A_206 : memref<1x!tpu.dma_semaphore, #tpu.memory_space<semaphore_mem>> -> memref<!tpu.dma_semaphore, #tpu.memory_space<semaphore_mem>>
      tpu.wait_indirect_dma semaphore(%dma_wait3A_207 : memref<!tpu.dma_semaphore, #tpu.memory_space<semaphore_mem>>) src(%dma_wait3A_205 : memref<10112x80xf32, #tpu.memory_space<hbm>>) dst(%dma_wait3A_199 : memref<128x80xf32, #tpu.memory_space<vmem>>)
      %add3A_208 = arith.constant 3 : i32
      %add3A_209 = arith.addi %add3A_166, %add3A_208 : i32
      %sub3A = arith.constant 1 : i32
      %sub3A_210 = arith.subi %add3A_209, %sub3A : i32
      %lt3A_211 = arith.constant 81 : i32
      %lt3A_212 = arith.cmpi slt, %sub3A_210, %lt3A_211 : i32
      %convert_element_type3A_213 = arith.extui %lt3A_212 : i1 to i32
      %cond3A_214 = arith.constant 0 : i32
      %cond3A_215 = arith.cmpi ne, %convert_element_type3A_213, %cond3A_214 : i32
      scf.if %cond3A_215 {
        %dma_start3A_338 = arith.constant 2 : i32
        %dma_start3A_339 = arith.constant 2 : i32
        %dma_start3A_340 = arith.constant 0 : i32
        %dma_start3A_341 = arith.constant 0 : i32
        %dma_start3A_342 = tpu.memref_slice %arg11[%dma_start3A_338, %dma_start3A_340, %dma_start3A_341] : memref<3x128x16xf32, #tpu.memory_space<vmem>> -> memref<1x128x16xf32, #tpu.memory_space<vmem>>
        %dma_start3A_343 = tpu.memref_squeeze %dma_start3A_342 : memref<1x128x16xf32, #tpu.memory_space<vmem>> -> memref<128x16xf32, #tpu.memory_space<vmem>>
        %dma_start3A_344 = arith.constant 0 : i32
        %dma_start3A_345 = tpu.memref_slice %arg9[%sub3A_210, %dma_start3A_344] : memref<81x128xi32, #tpu.memory_space<vmem>> -> memref<1x128xi32, #tpu.memory_space<vmem>>
        %dma_start3A_346 = tpu.memref_squeeze %dma_start3A_345 : memref<1x128xi32, #tpu.memory_space<vmem>> -> memref<128xi32, #tpu.memory_space<vmem>>
        %dma_start3A_347 = arith.constant 0 : i32
        %dma_start3A_348 = arith.constant 0 : i32
        %dma_start3A_349 = tpu.memref_slice %arg5[%dma_start3A_347, %dma_start3A_348] : memref<10112x16xf32, #tpu.memory_space<hbm>> -> memref<10112x16xf32, #tpu.memory_space<hbm>>
        %dma_start3A_350 = tpu.memref_slice %arg15[%dma_start3A_339] : memref<3x!tpu.dma_semaphore, #tpu.memory_space<semaphore_mem>> -> memref<1x!tpu.dma_semaphore, #tpu.memory_space<semaphore_mem>>
        %dma_start3A_351 = tpu.memref_squeeze %dma_start3A_350 : memref<1x!tpu.dma_semaphore, #tpu.memory_space<semaphore_mem>> -> memref<!tpu.dma_semaphore, #tpu.memory_space<semaphore_mem>>
        tpu.enqueue_indirect_dma source(%dma_start3A_349 : memref<10112x16xf32, #tpu.memory_space<hbm>>) target(%dma_start3A_343 : memref<128x16xf32, #tpu.memory_space<vmem>>) offsets(%dma_start3A_346 : memref<128xi32, #tpu.memory_space<vmem>>) semaphore(%dma_start3A_351 : memref<!tpu.dma_semaphore, #tpu.memory_space<semaphore_mem>>)
        %dma_start3A_352 = arith.constant 2 : i32
        %dma_start3A_353 = arith.constant 2 : i32
        %dma_start3A_354 = arith.constant 0 : i32
        %dma_start3A_355 = arith.constant 0 : i32
        %dma_start3A_356 = tpu.memref_slice %arg12[%dma_start3A_352, %dma_start3A_354, %dma_start3A_355] : memref<3x128x16xf32, #tpu.memory_space<vmem>> -> memref<1x128x16xf32, #tpu.memory_space<vmem>>
        %dma_start3A_357 = tpu.memref_squeeze %dma_start3A_356 : memref<1x128x16xf32, #tpu.memory_space<vmem>> -> memref<128x16xf32, #tpu.memory_space<vmem>>
        %dma_start3A_358 = arith.constant 0 : i32
        %dma_start3A_359 = tpu.memref_slice %arg10[%sub3A_210, %dma_start3A_358] : memref<81x128xi32, #tpu.memory_space<vmem>> -> memref<1x128xi32, #tpu.memory_space<vmem>>
        %dma_start3A_360 = tpu.memref_squeeze %dma_start3A_359 : memref<1x128xi32, #tpu.memory_space<vmem>> -> memref<128xi32, #tpu.memory_space<vmem>>
        %dma_start3A_361 = arith.constant 0 : i32
        %dma_start3A_362 = arith.constant 0 : i32
        %dma_start3A_363 = tpu.memref_slice %arg6[%dma_start3A_361, %dma_start3A_362] : memref<10112x16xf32, #tpu.memory_space<hbm>> -> memref<10112x16xf32, #tpu.memory_space<hbm>>
        %dma_start3A_364 = tpu.memref_slice %arg16[%dma_start3A_353] : memref<3x!tpu.dma_semaphore, #tpu.memory_space<semaphore_mem>> -> memref<1x!tpu.dma_semaphore, #tpu.memory_space<semaphore_mem>>
        %dma_start3A_365 = tpu.memref_squeeze %dma_start3A_364 : memref<1x!tpu.dma_semaphore, #tpu.memory_space<semaphore_mem>> -> memref<!tpu.dma_semaphore, #tpu.memory_space<semaphore_mem>>
        tpu.enqueue_indirect_dma source(%dma_start3A_363 : memref<10112x16xf32, #tpu.memory_space<hbm>>) target(%dma_start3A_357 : memref<128x16xf32, #tpu.memory_space<vmem>>) offsets(%dma_start3A_360 : memref<128xi32, #tpu.memory_space<vmem>>) semaphore(%dma_start3A_365 : memref<!tpu.dma_semaphore, #tpu.memory_space<semaphore_mem>>)
        %dma_start3A_366 = arith.constant 2 : i32
        %dma_start3A_367 = arith.constant 2 : i32
        %dma_start3A_368 = arith.constant 0 : i32
        %dma_start3A_369 = arith.constant 0 : i32
        %dma_start3A_370 = tpu.memref_slice %arg13[%dma_start3A_366, %dma_start3A_368, %dma_start3A_369] : memref<3x128x80xf32, #tpu.memory_space<vmem>> -> memref<1x128x80xf32, #tpu.memory_space<vmem>>
        %dma_start3A_371 = tpu.memref_squeeze %dma_start3A_370 : memref<1x128x80xf32, #tpu.memory_space<vmem>> -> memref<128x80xf32, #tpu.memory_space<vmem>>
        %dma_start3A_372 = arith.constant 0 : i32
        %dma_start3A_373 = tpu.memref_slice %arg9[%sub3A_210, %dma_start3A_372] : memref<81x128xi32, #tpu.memory_space<vmem>> -> memref<1x128xi32, #tpu.memory_space<vmem>>
        %dma_start3A_374 = tpu.memref_squeeze %dma_start3A_373 : memref<1x128xi32, #tpu.memory_space<vmem>> -> memref<128xi32, #tpu.memory_space<vmem>>
        %dma_start3A_375 = arith.constant 0 : i32
        %dma_start3A_376 = arith.constant 0 : i32
        %dma_start3A_377 = tpu.memref_slice %arg4[%dma_start3A_375, %dma_start3A_376] : memref<10112x80xf32, #tpu.memory_space<hbm>> -> memref<10112x80xf32, #tpu.memory_space<hbm>>
        %dma_start3A_378 = tpu.memref_slice %arg17[%dma_start3A_367] : memref<3x!tpu.dma_semaphore, #tpu.memory_space<semaphore_mem>> -> memref<1x!tpu.dma_semaphore, #tpu.memory_space<semaphore_mem>>
        %dma_start3A_379 = tpu.memref_squeeze %dma_start3A_378 : memref<1x!tpu.dma_semaphore, #tpu.memory_space<semaphore_mem>> -> memref<!tpu.dma_semaphore, #tpu.memory_space<semaphore_mem>>
        tpu.enqueue_indirect_dma source(%dma_start3A_377 : memref<10112x80xf32, #tpu.memory_space<hbm>>) target(%dma_start3A_371 : memref<128x80xf32, #tpu.memory_space<vmem>>) offsets(%dma_start3A_374 : memref<128xi32, #tpu.memory_space<vmem>>) semaphore(%dma_start3A_379 : memref<!tpu.dma_semaphore, #tpu.memory_space<semaphore_mem>>)
      } else {
      }
      %parallel_loop3A_216 = arith.constant 0 : i32
      %parallel_loop3A_217 = arith.constant 128 : i32
      %parallel_loop3A_218 = arith.constant 1 : i32
      scf.for %parallel_loop3A_338 = %parallel_loop3A_216 to %parallel_loop3A_217 step %parallel_loop3A_218  : i32 {
        %parallel_loop3A_339 = arith.constant 0 : i32
        %parallel_loop3A_340 = arith.index_cast %parallel_loop3A_339 : i32 to index
        %parallel_loop3A_341 = arith.index_cast %parallel_loop3A_338 : i32 to index
        %parallel_loop3A_342 = arith.constant 0 : index
        %parallel_loop3A_343 = tpu.vector_load %arg11[%parallel_loop3A_340, %parallel_loop3A_341, %parallel_loop3A_342] {strides = array<i32>} : memref<3x128x16xf32, #tpu.memory_space<vmem>>, vector<1x1x16xf32>,
        %parallel_loop3A_344 = vector.shape_cast %parallel_loop3A_343 : vector<1x1x16xf32> to vector<16xf32>
        %parallel_loop3A_345 = arith.constant 0 : i32
        %parallel_loop3A_346 = arith.index_cast %parallel_loop3A_345 : i32 to index
        %parallel_loop3A_347 = arith.index_cast %parallel_loop3A_338 : i32 to index
        %parallel_loop3A_348 = arith.constant 0 : index
        %parallel_loop3A_349 = tpu.vector_load %arg12[%parallel_loop3A_346, %parallel_loop3A_347, %parallel_loop3A_348] {strides = array<i32>} : memref<3x128x16xf32, #tpu.memory_space<vmem>>, vector<1x1x16xf32>,
        %parallel_loop3A_350 = vector.shape_cast %parallel_loop3A_349 : vector<1x1x16xf32> to vector<16xf32>
        %parallel_loop3A_351 = arith.addf %parallel_loop3A_344, %parallel_loop3A_350 : vector<16xf32>
        %parallel_loop3A_352 = arith.constant 2.000000e-01 : f32
        %parallel_loop3A_353 = vector.broadcast %parallel_loop3A_352 : f32 to vector<16xf32>
        %parallel_loop3A_354 = arith.mulf %parallel_loop3A_351, %parallel_loop3A_353 : vector<16xf32>
        %parallel_loop3A_355 = arith.maximumf %parallel_loop3A_351, %parallel_loop3A_354 : vector<16xf32>
        %parallel_loop3A_356 = math.exp %parallel_loop3A_355 : vector<16xf32>
        %parallel_loop3A_357 = arith.constant 0 : i32
        %parallel_loop3A_358 = vector.broadcast %parallel_loop3A_357 : i32 to vector<16xi32>
        %parallel_loop3A_359 = arith.cmpi slt, %div3A_38, %parallel_loop3A_358 : vector<16xi32>
        %parallel_loop3A_360 = arith.constant 16 : i32
        %parallel_loop3A_361 = vector.broadcast %parallel_loop3A_360 : i32 to vector<16xi32>
        %parallel_loop3A_362 = arith.addi %div3A_38, %parallel_loop3A_361 : vector<16xi32>
        %parallel_loop3A_363 = arith.select %parallel_loop3A_359, %parallel_loop3A_362, %div3A_38 : vector<16xi1>, vector<16xi32>
        %parallel_loop3A_364 = vector.shape_cast %parallel_loop3A_363 : vector<16xi32> to vector<16x1xi32>
        %parallel_loop3A_365 = vector.shape_cast %parallel_loop3A_364 : vector<16x1xi32> to vector<16xi32>
        %parallel_loop3A_366 = tpu.dynamic_gather %parallel_loop3A_356[%parallel_loop3A_365] in [0] : vector<16xf32>, vector<16xi32> -> vector<16xf32>
        %parallel_loop3A_367 = arith.constant 0 : i32
        %parallel_loop3A_368 = arith.index_cast %parallel_loop3A_367 : i32 to index
        %parallel_loop3A_369 = arith.index_cast %parallel_loop3A_338 : i32 to index
        %parallel_loop3A_370 = arith.constant 0 : index
        %parallel_loop3A_371 = tpu.vector_load %arg13[%parallel_loop3A_368, %parallel_loop3A_369, %parallel_loop3A_370] {strides = array<i32>} : memref<3x128x80xf32, #tpu.memory_space<vmem>>, vector<1x1x16xf32>,
        %parallel_loop3A_372 = vector.shape_cast %parallel_loop3A_371 : vector<1x1x16xf32> to vector<16xf32>
        %parallel_loop3A_373 = arith.mulf %parallel_loop3A_372, %parallel_loop3A_366 : vector<16xf32>
        %parallel_loop3A_374 = arith.constant 0 : i32
        %parallel_loop3A_375 = arith.index_cast %parallel_loop3A_374 : i32 to index
        %parallel_loop3A_376 = arith.index_cast %parallel_loop3A_338 : i32 to index
        %parallel_loop3A_377 = arith.constant 0 : index
        %parallel_loop3A_378 = tpu.vector_load %arg13[%parallel_loop3A_375, %parallel_loop3A_376, %parallel_loop3A_377] {strides = array<i32>} : memref<3x128x80xf32, #tpu.memory_space<vmem>>, vector<1x1x16xf32>,
        %parallel_loop3A_379 = vector.shape_cast %parallel_loop3A_378 : vector<1x1x16xf32> to vector<16xf32>
        %parallel_loop3A_380 = vector.shape_cast %parallel_loop3A_373 : vector<16xf32> to vector<1x1x16xf32>
        tpu.vector_store %arg13[%parallel_loop3A_375, %parallel_loop3A_376, %parallel_loop3A_377], %parallel_loop3A_380 {strides = array<i32>} : memref<3x128x80xf32, #tpu.memory_space<vmem>>, vector<1x1x16xf32>,
        %parallel_loop3A_381 = arith.constant 0 : i32
        %parallel_loop3A_382 = vector.broadcast %parallel_loop3A_381 : i32 to vector<16xi32>
        %parallel_loop3A_383 = arith.cmpi slt, %div3A_44, %parallel_loop3A_382 : vector<16xi32>
        %parallel_loop3A_384 = arith.constant 16 : i32
        %parallel_loop3A_385 = vector.broadcast %parallel_loop3A_384 : i32 to vector<16xi32>
        %parallel_loop3A_386 = arith.addi %div3A_44, %parallel_loop3A_385 : vector<16xi32>
        %parallel_loop3A_387 = arith.select %parallel_loop3A_383, %parallel_loop3A_386, %div3A_44 : vector<16xi1>, vector<16xi32>
        %parallel_loop3A_388 = vector.shape_cast %parallel_loop3A_387 : vector<16xi32> to vector<16x1xi32>
        %parallel_loop3A_389 = vector.shape_cast %parallel_loop3A_388 : vector<16x1xi32> to vector<16xi32>
        %parallel_loop3A_390 = tpu.dynamic_gather %parallel_loop3A_356[%parallel_loop3A_389] in [0] : vector<16xf32>, vector<16xi32> -> vector<16xf32>
        %parallel_loop3A_391 = arith.constant 0 : i32
        %parallel_loop3A_392 = arith.index_cast %parallel_loop3A_391 : i32 to index
        %parallel_loop3A_393 = arith.index_cast %parallel_loop3A_338 : i32 to index
        %parallel_loop3A_394 = arith.constant 16 : index
        %parallel_loop3A_395 = tpu.vector_load %arg13[%parallel_loop3A_392, %parallel_loop3A_393, %parallel_loop3A_394] {strides = array<i32>} : memref<3x128x80xf32, #tpu.memory_space<vmem>>, vector<1x1x16xf32>,
        %parallel_loop3A_396 = vector.shape_cast %parallel_loop3A_395 : vector<1x1x16xf32> to vector<16xf32>
        %parallel_loop3A_397 = arith.mulf %parallel_loop3A_396, %parallel_loop3A_390 : vector<16xf32>
        %parallel_loop3A_398 = arith.constant 0 : i32
        %parallel_loop3A_399 = arith.index_cast %parallel_loop3A_398 : i32 to index
        %parallel_loop3A_400 = arith.index_cast %parallel_loop3A_338 : i32 to index
        %parallel_loop3A_401 = arith.constant 16 : index
        %parallel_loop3A_402 = tpu.vector_load %arg13[%parallel_loop3A_399, %parallel_loop3A_400, %parallel_loop3A_401] {strides = array<i32>} : memref<3x128x80xf32, #tpu.memory_space<vmem>>, vector<1x1x16xf32>,
        %parallel_loop3A_403 = vector.shape_cast %parallel_loop3A_402 : vector<1x1x16xf32> to vector<16xf32>
        %parallel_loop3A_404 = vector.shape_cast %parallel_loop3A_397 : vector<16xf32> to vector<1x1x16xf32>
        tpu.vector_store %arg13[%parallel_loop3A_399, %parallel_loop3A_400, %parallel_loop3A_401], %parallel_loop3A_404 {strides = array<i32>} : memref<3x128x80xf32, #tpu.memory_space<vmem>>, vector<1x1x16xf32>,
        %parallel_loop3A_405 = arith.constant 0 : i32
        %parallel_loop3A_406 = vector.broadcast %parallel_loop3A_405 : i32 to vector<16xi32>
        %parallel_loop3A_407 = arith.cmpi slt, %div3A_50, %parallel_loop3A_406 : vector<16xi32>
        %parallel_loop3A_408 = arith.constant 16 : i32
        %parallel_loop3A_409 = vector.broadcast %parallel_loop3A_408 : i32 to vector<16xi32>
        %parallel_loop3A_410 = arith.addi %div3A_50, %parallel_loop3A_409 : vector<16xi32>
        %parallel_loop3A_411 = arith.select %parallel_loop3A_407, %parallel_loop3A_410, %div3A_50 : vector<16xi1>, vector<16xi32>
        %parallel_loop3A_412 = vector.shape_cast %parallel_loop3A_411 : vector<16xi32> to vector<16x1xi32>
        %parallel_loop3A_413 = vector.shape_cast %parallel_loop3A_412 : vector<16x1xi32> to vector<16xi32>
        %parallel_loop3A_414 = tpu.dynamic_gather %parallel_loop3A_356[%parallel_loop3A_413] in [0] : vector<16xf32>, vector<16xi32> -> vector<16xf32>
        %parallel_loop3A_415 = arith.constant 0 : i32
        %parallel_loop3A_416 = arith.index_cast %parallel_loop3A_415 : i32 to index
        %parallel_loop3A_417 = arith.index_cast %parallel_loop3A_338 : i32 to index
        %parallel_loop3A_418 = arith.constant 32 : index
        %parallel_loop3A_419 = tpu.vector_load %arg13[%parallel_loop3A_416, %parallel_loop3A_417, %parallel_loop3A_418] {strides = array<i32>} : memref<3x128x80xf32, #tpu.memory_space<vmem>>, vector<1x1x16xf32>,
        %parallel_loop3A_420 = vector.shape_cast %parallel_loop3A_419 : vector<1x1x16xf32> to vector<16xf32>
        %parallel_loop3A_421 = arith.mulf %parallel_loop3A_420, %parallel_loop3A_414 : vector<16xf32>
        %parallel_loop3A_422 = arith.constant 0 : i32
        %parallel_loop3A_423 = arith.index_cast %parallel_loop3A_422 : i32 to index
        %parallel_loop3A_424 = arith.index_cast %parallel_loop3A_338 : i32 to index
        %parallel_loop3A_425 = arith.constant 32 : index
        %parallel_loop3A_426 = tpu.vector_load %arg13[%parallel_loop3A_423, %parallel_loop3A_424, %parallel_loop3A_425] {strides = array<i32>} : memref<3x128x80xf32, #tpu.memory_space<vmem>>, vector<1x1x16xf32>,
        %parallel_loop3A_427 = vector.shape_cast %parallel_loop3A_426 : vector<1x1x16xf32> to vector<16xf32>
        %parallel_loop3A_428 = vector.shape_cast %parallel_loop3A_421 : vector<16xf32> to vector<1x1x16xf32>
        tpu.vector_store %arg13[%parallel_loop3A_423, %parallel_loop3A_424, %parallel_loop3A_425], %parallel_loop3A_428 {strides = array<i32>} : memref<3x128x80xf32, #tpu.memory_space<vmem>>, vector<1x1x16xf32>,
        %parallel_loop3A_429 = arith.constant 0 : i32
        %parallel_loop3A_430 = vector.broadcast %parallel_loop3A_429 : i32 to vector<16xi32>
        %parallel_loop3A_431 = arith.cmpi slt, %div3A_56, %parallel_loop3A_430 : vector<16xi32>
        %parallel_loop3A_432 = arith.constant 16 : i32
        %parallel_loop3A_433 = vector.broadcast %parallel_loop3A_432 : i32 to vector<16xi32>
        %parallel_loop3A_434 = arith.addi %div3A_56, %parallel_loop3A_433 : vector<16xi32>
        %parallel_loop3A_435 = arith.select %parallel_loop3A_431, %parallel_loop3A_434, %div3A_56 : vector<16xi1>, vector<16xi32>
        %parallel_loop3A_436 = vector.shape_cast %parallel_loop3A_435 : vector<16xi32> to vector<16x1xi32>
        %parallel_loop3A_437 = vector.shape_cast %parallel_loop3A_436 : vector<16x1xi32> to vector<16xi32>
        %parallel_loop3A_438 = tpu.dynamic_gather %parallel_loop3A_356[%parallel_loop3A_437] in [0] : vector<16xf32>, vector<16xi32> -> vector<16xf32>
        %parallel_loop3A_439 = arith.constant 0 : i32
        %parallel_loop3A_440 = arith.index_cast %parallel_loop3A_439 : i32 to index
        %parallel_loop3A_441 = arith.index_cast %parallel_loop3A_338 : i32 to index
        %parallel_loop3A_442 = arith.constant 48 : index
        %parallel_loop3A_443 = tpu.vector_load %arg13[%parallel_loop3A_440, %parallel_loop3A_441, %parallel_loop3A_442] {strides = array<i32>} : memref<3x128x80xf32, #tpu.memory_space<vmem>>, vector<1x1x16xf32>,
        %parallel_loop3A_444 = vector.shape_cast %parallel_loop3A_443 : vector<1x1x16xf32> to vector<16xf32>
        %parallel_loop3A_445 = arith.mulf %parallel_loop3A_444, %parallel_loop3A_438 : vector<16xf32>
        %parallel_loop3A_446 = arith.constant 0 : i32
        %parallel_loop3A_447 = arith.index_cast %parallel_loop3A_446 : i32 to index
        %parallel_loop3A_448 = arith.index_cast %parallel_loop3A_338 : i32 to index
        %parallel_loop3A_449 = arith.constant 48 : index
        %parallel_loop3A_450 = tpu.vector_load %arg13[%parallel_loop3A_447, %parallel_loop3A_448, %parallel_loop3A_449] {strides = array<i32>} : memref<3x128x80xf32, #tpu.memory_space<vmem>>, vector<1x1x16xf32>,
        %parallel_loop3A_451 = vector.shape_cast %parallel_loop3A_450 : vector<1x1x16xf32> to vector<16xf32>
        %parallel_loop3A_452 = vector.shape_cast %parallel_loop3A_445 : vector<16xf32> to vector<1x1x16xf32>
        tpu.vector_store %arg13[%parallel_loop3A_447, %parallel_loop3A_448, %parallel_loop3A_449], %parallel_loop3A_452 {strides = array<i32>} : memref<3x128x80xf32, #tpu.memory_space<vmem>>, vector<1x1x16xf32>,
        %parallel_loop3A_453 = arith.constant 0 : i32
        %parallel_loop3A_454 = vector.broadcast %parallel_loop3A_453 : i32 to vector<16xi32>
        %parallel_loop3A_455 = arith.cmpi slt, %div3A_62, %parallel_loop3A_454 : vector<16xi32>
        %parallel_loop3A_456 = arith.constant 16 : i32
        %parallel_loop3A_457 = vector.broadcast %parallel_loop3A_456 : i32 to vector<16xi32>
        %parallel_loop3A_458 = arith.addi %div3A_62, %parallel_loop3A_457 : vector<16xi32>
        %parallel_loop3A_459 = arith.select %parallel_loop3A_455, %parallel_loop3A_458, %div3A_62 : vector<16xi1>, vector<16xi32>
        %parallel_loop3A_460 = vector.shape_cast %parallel_loop3A_459 : vector<16xi32> to vector<16x1xi32>
        %parallel_loop3A_461 = vector.shape_cast %parallel_loop3A_460 : vector<16x1xi32> to vector<16xi32>
        %parallel_loop3A_462 = tpu.dynamic_gather %parallel_loop3A_356[%parallel_loop3A_461] in [0] : vector<16xf32>, vector<16xi32> -> vector<16xf32>
        %parallel_loop3A_463 = arith.constant 0 : i32
        %parallel_loop3A_464 = arith.index_cast %parallel_loop3A_463 : i32 to index
        %parallel_loop3A_465 = arith.index_cast %parallel_loop3A_338 : i32 to index
        %parallel_loop3A_466 = arith.constant 64 : index
        %parallel_loop3A_467 = tpu.vector_load %arg13[%parallel_loop3A_464, %parallel_loop3A_465, %parallel_loop3A_466] {strides = array<i32>} : memref<3x128x80xf32, #tpu.memory_space<vmem>>, vector<1x1x16xf32>,
        %parallel_loop3A_468 = vector.shape_cast %parallel_loop3A_467 : vector<1x1x16xf32> to vector<16xf32>
        %parallel_loop3A_469 = arith.mulf %parallel_loop3A_468, %parallel_loop3A_462 : vector<16xf32>
        %parallel_loop3A_470 = arith.constant 0 : i32
        %parallel_loop3A_471 = arith.index_cast %parallel_loop3A_470 : i32 to index
        %parallel_loop3A_472 = arith.index_cast %parallel_loop3A_338 : i32 to index
        %parallel_loop3A_473 = arith.constant 64 : index
        %parallel_loop3A_474 = tpu.vector_load %arg13[%parallel_loop3A_471, %parallel_loop3A_472, %parallel_loop3A_473] {strides = array<i32>} : memref<3x128x80xf32, #tpu.memory_space<vmem>>, vector<1x1x16xf32>,
        %parallel_loop3A_475 = vector.shape_cast %parallel_loop3A_474 : vector<1x1x16xf32> to vector<16xf32>
        %parallel_loop3A_476 = vector.shape_cast %parallel_loop3A_469 : vector<16xf32> to vector<1x1x16xf32>
        tpu.vector_store %arg13[%parallel_loop3A_471, %parallel_loop3A_472, %parallel_loop3A_473], %parallel_loop3A_476 {strides = array<i32>} : memref<3x128x80xf32, #tpu.memory_space<vmem>>, vector<1x1x16xf32>,
      } {sc.loop_unroll_factor = 4 : i64, sc.parallel_access}
      %run_scoped3A_219 = arith.constant 0 : i32
      "tpu.region"() ({
        %run_scoped3A_338 = tpu.sem_alloc : memref<!tpu.dma_semaphore, #tpu.memory_space<semaphore_mem>>
        %dma_start3A_339 = arith.constant 0 : i32
        %dma_start3A_340 = arith.constant 0 : i32
        %dma_start3A_341 = tpu.memref_slice %arg13[%run_scoped3A_219, %dma_start3A_339, %dma_start3A_340] : memref<3x128x80xf32, #tpu.memory_space<vmem>> -> memref<1x128x80xf32, #tpu.memory_space<vmem>>
        %dma_start3A_342 = tpu.memref_squeeze %dma_start3A_341 : memref<1x128x80xf32, #tpu.memory_space<vmem>> -> memref<128x80xf32, #tpu.memory_space<vmem>>
        %dma_start3A_343 = arith.constant 0 : i32
        %dma_start3A_344 = tpu.memref_slice %arg10[%add3A_166, %dma_start3A_343] : memref<81x128xi32, #tpu.memory_space<vmem>> -> memref<1x128xi32, #tpu.memory_space<vmem>>
        %dma_start3A_345 = tpu.memref_squeeze %dma_start3A_344 : memref<1x128xi32, #tpu.memory_space<vmem>> -> memref<128xi32, #tpu.memory_space<vmem>>
        %dma_start3A_346 = arith.constant 0 : i32
        %dma_start3A_347 = arith.constant 0 : i32
        %dma_start3A_348 = tpu.memref_slice %arg14[%dma_start3A_346, %dma_start3A_347] : memref<10112x80xf32, #tpu.memory_space<vmem_shared>> -> memref<10112x80xf32, #tpu.memory_space<vmem_shared>>
        tpu.enqueue_indirect_dma source(%dma_start3A_342 : memref<128x80xf32, #tpu.memory_space<vmem>>) target(%dma_start3A_348 : memref<10112x80xf32, #tpu.memory_space<vmem_shared>>) offsets(%dma_start3A_345 : memref<128xi32, #tpu.memory_space<vmem>>) semaphore(%run_scoped3A_338 : memref<!tpu.dma_semaphore, #tpu.memory_space<semaphore_mem>>) {add = true}
        %dma_wait3A_349 = arith.constant 0 : i32
        %dma_wait3A_350 = arith.constant 0 : i32
        %dma_wait3A_351 = tpu.memref_slice %arg13[%run_scoped3A_219, %dma_wait3A_349, %dma_wait3A_350] : memref<3x128x80xf32, #tpu.memory_space<vmem>> -> memref<1x128x80xf32, #tpu.memory_space<vmem>>
        %dma_wait3A_352 = tpu.memref_squeeze %dma_wait3A_351 : memref<1x128x80xf32, #tpu.memory_space<vmem>> -> memref<128x80xf32, #tpu.memory_space<vmem>>
        %dma_wait3A_353 = arith.constant 0 : i32
        %dma_wait3A_354 = tpu.memref_slice %arg10[%add3A_166, %dma_wait3A_353] : memref<81x128xi32, #tpu.memory_space<vmem>> -> memref<1x128xi32, #tpu.memory_space<vmem>>
        %dma_wait3A_355 = tpu.memref_squeeze %dma_wait3A_354 : memref<1x128xi32, #tpu.memory_space<vmem>> -> memref<128xi32, #tpu.memory_space<vmem>>
        %dma_wait3A_356 = arith.constant 0 : i32
        %dma_wait3A_357 = arith.constant 0 : i32
        %dma_wait3A_358 = tpu.memref_slice %arg14[%dma_wait3A_356, %dma_wait3A_357] : memref<10112x80xf32, #tpu.memory_space<vmem_shared>> -> memref<10112x80xf32, #tpu.memory_space<vmem_shared>>
        tpu.wait_indirect_dma semaphore(%run_scoped3A_338 : memref<!tpu.dma_semaphore, #tpu.memory_space<semaphore_mem>>) src(%dma_wait3A_352 : memref<128x80xf32, #tpu.memory_space<vmem>>) dst(%dma_wait3A_358 : memref<10112x80xf32, #tpu.memory_space<vmem_shared>>)
        tpu.yield
      }) : () -> ()
      %mul3A_220 = arith.constant 3 : i32
      %mul3A_221 = arith.muli %add3A_162, %mul3A_220 : i32
      %add3A_222 = arith.constant 1 : i32
      %add3A_223 = arith.addi %mul3A_221, %add3A_222 : i32
      %dma_wait3A_224 = arith.constant 1 : i32
      %dma_wait3A_225 = arith.constant 1 : i32
      %dma_wait3A_226 = arith.constant 0 : i32
      %dma_wait3A_227 = arith.constant 0 : i32
      %dma_wait3A_228 = tpu.memref_slice %arg11[%dma_wait3A_224, %dma_wait3A_226, %dma_wait3A_227] : memref<3x128x16xf32, #tpu.memory_space<vmem>> -> memref<1x128x16xf32, #tpu.memory_space<vmem>>
      %dma_wait3A_229 = tpu.memref_squeeze %dma_wait3A_228 : memref<1x128x16xf32, #tpu.memory_space<vmem>> -> memref<128x16xf32, #tpu.memory_space<vmem>>
      %dma_wait3A_230 = arith.constant 0 : i32
      %dma_wait3A_231 = tpu.memref_slice %arg9[%add3A_223, %dma_wait3A_230] : memref<81x128xi32, #tpu.memory_space<vmem>> -> memref<1x128xi32, #tpu.memory_space<vmem>>
      %dma_wait3A_232 = tpu.memref_squeeze %dma_wait3A_231 : memref<1x128xi32, #tpu.memory_space<vmem>> -> memref<128xi32, #tpu.memory_space<vmem>>
      %dma_wait3A_233 = arith.constant 0 : i32
      %dma_wait3A_234 = arith.constant 0 : i32
      %dma_wait3A_235 = tpu.memref_slice %arg5[%dma_wait3A_233, %dma_wait3A_234] : memref<10112x16xf32, #tpu.memory_space<hbm>> -> memref<10112x16xf32, #tpu.memory_space<hbm>>
      %dma_wait3A_236 = tpu.memref_slice %arg15[%dma_wait3A_225] : memref<3x!tpu.dma_semaphore, #tpu.memory_space<semaphore_mem>> -> memref<1x!tpu.dma_semaphore, #tpu.memory_space<semaphore_mem>>
      %dma_wait3A_237 = tpu.memref_squeeze %dma_wait3A_236 : memref<1x!tpu.dma_semaphore, #tpu.memory_space<semaphore_mem>> -> memref<!tpu.dma_semaphore, #tpu.memory_space<semaphore_mem>>
      tpu.wait_indirect_dma semaphore(%dma_wait3A_237 : memref<!tpu.dma_semaphore, #tpu.memory_space<semaphore_mem>>) src(%dma_wait3A_235 : memref<10112x16xf32, #tpu.memory_space<hbm>>) dst(%dma_wait3A_229 : memref<128x16xf32, #tpu.memory_space<vmem>>)
      %dma_wait3A_238 = arith.constant 1 : i32
      %dma_wait3A_239 = arith.constant 1 : i32
      %dma_wait3A_240 = arith.constant 0 : i32
      %dma_wait3A_241 = arith.constant 0 : i32
      %dma_wait3A_242 = tpu.memref_slice %arg12[%dma_wait3A_238, %dma_wait3A_240, %dma_wait3A_241] : memref<3x128x16xf32, #tpu.memory_space<vmem>> -> memref<1x128x16xf32, #tpu.memory_space<vmem>>
      %dma_wait3A_243 = tpu.memref_squeeze %dma_wait3A_242 : memref<1x128x16xf32, #tpu.memory_space<vmem>> -> memref<128x16xf32, #tpu.memory_space<vmem>>
      %dma_wait3A_244 = arith.constant 0 : i32
      %dma_wait3A_245 = tpu.memref_slice %arg10[%add3A_223, %dma_wait3A_244] : memref<81x128xi32, #tpu.memory_space<vmem>> -> memref<1x128xi32, #tpu.memory_space<vmem>>
      %dma_wait3A_246 = tpu.memref_squeeze %dma_wait3A_245 : memref<1x128xi32, #tpu.memory_space<vmem>> -> memref<128xi32, #tpu.memory_space<vmem>>
      %dma_wait3A_247 = arith.constant 0 : i32
      %dma_wait3A_248 = arith.constant 0 : i32
      %dma_wait3A_249 = tpu.memref_slice %arg6[%dma_wait3A_247, %dma_wait3A_248] : memref<10112x16xf32, #tpu.memory_space<hbm>> -> memref<10112x16xf32, #tpu.memory_space<hbm>>
      %dma_wait3A_250 = tpu.memref_slice %arg16[%dma_wait3A_239] : memref<3x!tpu.dma_semaphore, #tpu.memory_space<semaphore_mem>> -> memref<1x!tpu.dma_semaphore, #tpu.memory_space<semaphore_mem>>
      %dma_wait3A_251 = tpu.memref_squeeze %dma_wait3A_250 : memref<1x!tpu.dma_semaphore, #tpu.memory_space<semaphore_mem>> -> memref<!tpu.dma_semaphore, #tpu.memory_space<semaphore_mem>>
      tpu.wait_indirect_dma semaphore(%dma_wait3A_251 : memref<!tpu.dma_semaphore, #tpu.memory_space<semaphore_mem>>) src(%dma_wait3A_249 : memref<10112x16xf32, #tpu.memory_space<hbm>>) dst(%dma_wait3A_243 : memref<128x16xf32, #tpu.memory_space<vmem>>)
      %dma_wait3A_252 = arith.constant 1 : i32
      %dma_wait3A_253 = arith.constant 1 : i32
      %dma_wait3A_254 = arith.constant 0 : i32
      %dma_wait3A_255 = arith.constant 0 : i32
      %dma_wait3A_256 = tpu.memref_slice %arg13[%dma_wait3A_252, %dma_wait3A_254, %dma_wait3A_255] : memref<3x128x80xf32, #tpu.memory_space<vmem>> -> memref<1x128x80xf32, #tpu.memory_space<vmem>>
      %dma_wait3A_257 = tpu.memref_squeeze %dma_wait3A_256 : memref<1x128x80xf32, #tpu.memory_space<vmem>> -> memref<128x80xf32, #tpu.memory_space<vmem>>
      %dma_wait3A_258 = arith.constant 0 : i32
      %dma_wait3A_259 = tpu.memref_slice %arg9[%add3A_223, %dma_wait3A_258] : memref<81x128xi32, #tpu.memory_space<vmem>> -> memref<1x128xi32, #tpu.memory_space<vmem>>
      %dma_wait3A_260 = tpu.memref_squeeze %dma_wait3A_259 : memref<1x128xi32, #tpu.memory_space<vmem>> -> memref<128xi32, #tpu.memory_space<vmem>>
      %dma_wait3A_261 = arith.constant 0 : i32
      %dma_wait3A_262 = arith.constant 0 : i32
      %dma_wait3A_263 = tpu.memref_slice %arg4[%dma_wait3A_261, %dma_wait3A_262] : memref<10112x80xf32, #tpu.memory_space<hbm>> -> memref<10112x80xf32, #tpu.memory_space<hbm>>
      %dma_wait3A_264 = tpu.memref_slice %arg17[%dma_wait3A_253] : memref<3x!tpu.dma_semaphore, #tpu.memory_space<semaphore_mem>> -> memref<1x!tpu.dma_semaphore, #tpu.memory_space<semaphore_mem>>
      %dma_wait3A_265 = tpu.memref_squeeze %dma_wait3A_264 : memref<1x!tpu.dma_semaphore, #tpu.memory_space<semaphore_mem>> -> memref<!tpu.dma_semaphore, #tpu.memory_space<semaphore_mem>>
      tpu.wait_indirect_dma semaphore(%dma_wait3A_265 : memref<!tpu.dma_semaphore, #tpu.memory_space<semaphore_mem>>) src(%dma_wait3A_263 : memref<10112x80xf32, #tpu.memory_space<hbm>>) dst(%dma_wait3A_257 : memref<128x80xf32, #tpu.memory_space<vmem>>)
      %add3A_266 = arith.constant 3 : i32
      %add3A_267 = arith.addi %add3A_223, %add3A_266 : i32
      %sub3A_268 = arith.constant 1 : i32
      %sub3A_269 = arith.subi %add3A_267, %sub3A_268 : i32
      %lt3A_270 = arith.constant 81 : i32
      %lt3A_271 = arith.cmpi slt, %sub3A_269, %lt3A_270 : i32
      %convert_element_type3A_272 = arith.extui %lt3A_271 : i1 to i32
      %cond3A_273 = arith.constant 0 : i32
      %cond3A_274 = arith.cmpi ne, %convert_element_type3A_272, %cond3A_273 : i32
      scf.if %cond3A_274 {
        %dma_start3A_338 = arith.constant 0 : i32
        %dma_start3A_339 = arith.constant 0 : i32
        %dma_start3A_340 = arith.constant 0 : i32
        %dma_start3A_341 = arith.constant 0 : i32
        %dma_start3A_342 = tpu.memref_slice %arg11[%dma_start3A_338, %dma_start3A_340, %dma_start3A_341] : memref<3x128x16xf32, #tpu.memory_space<vmem>> -> memref<1x128x16xf32, #tpu.memory_space<vmem>>
        %dma_start3A_343 = tpu.memref_squeeze %dma_start3A_342 : memref<1x128x16xf32, #tpu.memory_space<vmem>> -> memref<128x16xf32, #tpu.memory_space<vmem>>
        %dma_start3A_344 = arith.constant 0 : i32
        %dma_start3A_345 = tpu.memref_slice %arg9[%sub3A_269, %dma_start3A_344] : memref<81x128xi32, #tpu.memory_space<vmem>> -> memref<1x128xi32, #tpu.memory_space<vmem>>
        %dma_start3A_346 = tpu.memref_squeeze %dma_start3A_345 : memref<1x128xi32, #tpu.memory_space<vmem>> -> memref<128xi32, #tpu.memory_space<vmem>>
        %dma_start3A_347 = arith.constant 0 : i32
        %dma_start3A_348 = arith.constant 0 : i32
        %dma_start3A_349 = tpu.memref_slice %arg5[%dma_start3A_347, %dma_start3A_348] : memref<10112x16xf32, #tpu.memory_space<hbm>> -> memref<10112x16xf32, #tpu.memory_space<hbm>>
        %dma_start3A_350 = tpu.memref_slice %arg15[%dma_start3A_339] : memref<3x!tpu.dma_semaphore, #tpu.memory_space<semaphore_mem>> -> memref<1x!tpu.dma_semaphore, #tpu.memory_space<semaphore_mem>>
        %dma_start3A_351 = tpu.memref_squeeze %dma_start3A_350 : memref<1x!tpu.dma_semaphore, #tpu.memory_space<semaphore_mem>> -> memref<!tpu.dma_semaphore, #tpu.memory_space<semaphore_mem>>
        tpu.enqueue_indirect_dma source(%dma_start3A_349 : memref<10112x16xf32, #tpu.memory_space<hbm>>) target(%dma_start3A_343 : memref<128x16xf32, #tpu.memory_space<vmem>>) offsets(%dma_start3A_346 : memref<128xi32, #tpu.memory_space<vmem>>) semaphore(%dma_start3A_351 : memref<!tpu.dma_semaphore, #tpu.memory_space<semaphore_mem>>)
        %dma_start3A_352 = arith.constant 0 : i32
        %dma_start3A_353 = arith.constant 0 : i32
        %dma_start3A_354 = arith.constant 0 : i32
        %dma_start3A_355 = arith.constant 0 : i32
        %dma_start3A_356 = tpu.memref_slice %arg12[%dma_start3A_352, %dma_start3A_354, %dma_start3A_355] : memref<3x128x16xf32, #tpu.memory_space<vmem>> -> memref<1x128x16xf32, #tpu.memory_space<vmem>>
        %dma_start3A_357 = tpu.memref_squeeze %dma_start3A_356 : memref<1x128x16xf32, #tpu.memory_space<vmem>> -> memref<128x16xf32, #tpu.memory_space<vmem>>
        %dma_start3A_358 = arith.constant 0 : i32
        %dma_start3A_359 = tpu.memref_slice %arg10[%sub3A_269, %dma_start3A_358] : memref<81x128xi32, #tpu.memory_space<vmem>> -> memref<1x128xi32, #tpu.memory_space<vmem>>
        %dma_start3A_360 = tpu.memref_squeeze %dma_start3A_359 : memref<1x128xi32, #tpu.memory_space<vmem>> -> memref<128xi32, #tpu.memory_space<vmem>>
        %dma_start3A_361 = arith.constant 0 : i32
        %dma_start3A_362 = arith.constant 0 : i32
        %dma_start3A_363 = tpu.memref_slice %arg6[%dma_start3A_361, %dma_start3A_362] : memref<10112x16xf32, #tpu.memory_space<hbm>> -> memref<10112x16xf32, #tpu.memory_space<hbm>>
        %dma_start3A_364 = tpu.memref_slice %arg16[%dma_start3A_353] : memref<3x!tpu.dma_semaphore, #tpu.memory_space<semaphore_mem>> -> memref<1x!tpu.dma_semaphore, #tpu.memory_space<semaphore_mem>>
        %dma_start3A_365 = tpu.memref_squeeze %dma_start3A_364 : memref<1x!tpu.dma_semaphore, #tpu.memory_space<semaphore_mem>> -> memref<!tpu.dma_semaphore, #tpu.memory_space<semaphore_mem>>
        tpu.enqueue_indirect_dma source(%dma_start3A_363 : memref<10112x16xf32, #tpu.memory_space<hbm>>) target(%dma_start3A_357 : memref<128x16xf32, #tpu.memory_space<vmem>>) offsets(%dma_start3A_360 : memref<128xi32, #tpu.memory_space<vmem>>) semaphore(%dma_start3A_365 : memref<!tpu.dma_semaphore, #tpu.memory_space<semaphore_mem>>)
        %dma_start3A_366 = arith.constant 0 : i32
        %dma_start3A_367 = arith.constant 0 : i32
        %dma_start3A_368 = arith.constant 0 : i32
        %dma_start3A_369 = arith.constant 0 : i32
        %dma_start3A_370 = tpu.memref_slice %arg13[%dma_start3A_366, %dma_start3A_368, %dma_start3A_369] : memref<3x128x80xf32, #tpu.memory_space<vmem>> -> memref<1x128x80xf32, #tpu.memory_space<vmem>>
        %dma_start3A_371 = tpu.memref_squeeze %dma_start3A_370 : memref<1x128x80xf32, #tpu.memory_space<vmem>> -> memref<128x80xf32, #tpu.memory_space<vmem>>
        %dma_start3A_372 = arith.constant 0 : i32
        %dma_start3A_373 = tpu.memref_slice %arg9[%sub3A_269, %dma_start3A_372] : memref<81x128xi32, #tpu.memory_space<vmem>> -> memref<1x128xi32, #tpu.memory_space<vmem>>
        %dma_start3A_374 = tpu.memref_squeeze %dma_start3A_373 : memref<1x128xi32, #tpu.memory_space<vmem>> -> memref<128xi32, #tpu.memory_space<vmem>>
        %dma_start3A_375 = arith.constant 0 : i32
        %dma_start3A_376 = arith.constant 0 : i32
        %dma_start3A_377 = tpu.memref_slice %arg4[%dma_start3A_375, %dma_start3A_376] : memref<10112x80xf32, #tpu.memory_space<hbm>> -> memref<10112x80xf32, #tpu.memory_space<hbm>>
        %dma_start3A_378 = tpu.memref_slice %arg17[%dma_start3A_367] : memref<3x!tpu.dma_semaphore, #tpu.memory_space<semaphore_mem>> -> memref<1x!tpu.dma_semaphore, #tpu.memory_space<semaphore_mem>>
        %dma_start3A_379 = tpu.memref_squeeze %dma_start3A_378 : memref<1x!tpu.dma_semaphore, #tpu.memory_space<semaphore_mem>> -> memref<!tpu.dma_semaphore, #tpu.memory_space<semaphore_mem>>
        tpu.enqueue_indirect_dma source(%dma_start3A_377 : memref<10112x80xf32, #tpu.memory_space<hbm>>) target(%dma_start3A_371 : memref<128x80xf32, #tpu.memory_space<vmem>>) offsets(%dma_start3A_374 : memref<128xi32, #tpu.memory_space<vmem>>) semaphore(%dma_start3A_379 : memref<!tpu.dma_semaphore, #tpu.memory_space<semaphore_mem>>)
      } else {
      }
      %parallel_loop3A_275 = arith.constant 0 : i32
      %parallel_loop3A_276 = arith.constant 128 : i32
      %parallel_loop3A_277 = arith.constant 1 : i32
      scf.for %parallel_loop3A_338 = %parallel_loop3A_275 to %parallel_loop3A_276 step %parallel_loop3A_277  : i32 {
        %parallel_loop3A_339 = arith.constant 1 : i32
        %parallel_loop3A_340 = arith.index_cast %parallel_loop3A_339 : i32 to index
        %parallel_loop3A_341 = arith.index_cast %parallel_loop3A_338 : i32 to index
        %parallel_loop3A_342 = arith.constant 0 : index
        %parallel_loop3A_343 = tpu.vector_load %arg11[%parallel_loop3A_340, %parallel_loop3A_341, %parallel_loop3A_342] {strides = array<i32>} : memref<3x128x16xf32, #tpu.memory_space<vmem>>, vector<1x1x16xf32>,
        %parallel_loop3A_344 = vector.shape_cast %parallel_loop3A_343 : vector<1x1x16xf32> to vector<16xf32>
        %parallel_loop3A_345 = arith.constant 1 : i32
        %parallel_loop3A_346 = arith.index_cast %parallel_loop3A_345 : i32 to index
        %parallel_loop3A_347 = arith.index_cast %parallel_loop3A_338 : i32 to index
        %parallel_loop3A_348 = arith.constant 0 : index
        %parallel_loop3A_349 = tpu.vector_load %arg12[%parallel_loop3A_346, %parallel_loop3A_347, %parallel_loop3A_348] {strides = array<i32>} : memref<3x128x16xf32, #tpu.memory_space<vmem>>, vector<1x1x16xf32>,
        %parallel_loop3A_350 = vector.shape_cast %parallel_loop3A_349 : vector<1x1x16xf32> to vector<16xf32>
        %parallel_loop3A_351 = arith.addf %parallel_loop3A_344, %parallel_loop3A_350 : vector<16xf32>
        %parallel_loop3A_352 = arith.constant 2.000000e-01 : f32
        %parallel_loop3A_353 = vector.broadcast %parallel_loop3A_352 : f32 to vector<16xf32>
        %parallel_loop3A_354 = arith.mulf %parallel_loop3A_351, %parallel_loop3A_353 : vector<16xf32>
        %parallel_loop3A_355 = arith.maximumf %parallel_loop3A_351, %parallel_loop3A_354 : vector<16xf32>
        %parallel_loop3A_356 = math.exp %parallel_loop3A_355 : vector<16xf32>
        %parallel_loop3A_357 = arith.constant 0 : i32
        %parallel_loop3A_358 = vector.broadcast %parallel_loop3A_357 : i32 to vector<16xi32>
        %parallel_loop3A_359 = arith.cmpi slt, %div3A_38, %parallel_loop3A_358 : vector<16xi32>
        %parallel_loop3A_360 = arith.constant 16 : i32
        %parallel_loop3A_361 = vector.broadcast %parallel_loop3A_360 : i32 to vector<16xi32>
        %parallel_loop3A_362 = arith.addi %div3A_38, %parallel_loop3A_361 : vector<16xi32>
        %parallel_loop3A_363 = arith.select %parallel_loop3A_359, %parallel_loop3A_362, %div3A_38 : vector<16xi1>, vector<16xi32>
        %parallel_loop3A_364 = vector.shape_cast %parallel_loop3A_363 : vector<16xi32> to vector<16x1xi32>
        %parallel_loop3A_365 = vector.shape_cast %parallel_loop3A_364 : vector<16x1xi32> to vector<16xi32>
        %parallel_loop3A_366 = tpu.dynamic_gather %parallel_loop3A_356[%parallel_loop3A_365] in [0] : vector<16xf32>, vector<16xi32> -> vector<16xf32>
        %parallel_loop3A_367 = arith.constant 1 : i32
        %parallel_loop3A_368 = arith.index_cast %parallel_loop3A_367 : i32 to index
        %parallel_loop3A_369 = arith.index_cast %parallel_loop3A_338 : i32 to index
        %parallel_loop3A_370 = arith.constant 0 : index
        %parallel_loop3A_371 = tpu.vector_load %arg13[%parallel_loop3A_368, %parallel_loop3A_369, %parallel_loop3A_370] {strides = array<i32>} : memref<3x128x80xf32, #tpu.memory_space<vmem>>, vector<1x1x16xf32>,
        %parallel_loop3A_372 = vector.shape_cast %parallel_loop3A_371 : vector<1x1x16xf32> to vector<16xf32>
        %parallel_loop3A_373 = arith.mulf %parallel_loop3A_372, %parallel_loop3A_366 : vector<16xf32>
        %parallel_loop3A_374 = arith.constant 1 : i32
        %parallel_loop3A_375 = arith.index_cast %parallel_loop3A_374 : i32 to index
        %parallel_loop3A_376 = arith.index_cast %parallel_loop3A_338 : i32 to index
        %parallel_loop3A_377 = arith.constant 0 : index
        %parallel_loop3A_378 = tpu.vector_load %arg13[%parallel_loop3A_375, %parallel_loop3A_376, %parallel_loop3A_377] {strides = array<i32>} : memref<3x128x80xf32, #tpu.memory_space<vmem>>, vector<1x1x16xf32>,
        %parallel_loop3A_379 = vector.shape_cast %parallel_loop3A_378 : vector<1x1x16xf32> to vector<16xf32>
        %parallel_loop3A_380 = vector.shape_cast %parallel_loop3A_373 : vector<16xf32> to vector<1x1x16xf32>
        tpu.vector_store %arg13[%parallel_loop3A_375, %parallel_loop3A_376, %parallel_loop3A_377], %parallel_loop3A_380 {strides = array<i32>} : memref<3x128x80xf32, #tpu.memory_space<vmem>>, vector<1x1x16xf32>,
        %parallel_loop3A_381 = arith.constant 0 : i32
        %parallel_loop3A_382 = vector.broadcast %parallel_loop3A_381 : i32 to vector<16xi32>
        %parallel_loop3A_383 = arith.cmpi slt, %div3A_44, %parallel_loop3A_382 : vector<16xi32>
        %parallel_loop3A_384 = arith.constant 16 : i32
        %parallel_loop3A_385 = vector.broadcast %parallel_loop3A_384 : i32 to vector<16xi32>
        %parallel_loop3A_386 = arith.addi %div3A_44, %parallel_loop3A_385 : vector<16xi32>
        %parallel_loop3A_387 = arith.select %parallel_loop3A_383, %parallel_loop3A_386, %div3A_44 : vector<16xi1>, vector<16xi32>
        %parallel_loop3A_388 = vector.shape_cast %parallel_loop3A_387 : vector<16xi32> to vector<16x1xi32>
        %parallel_loop3A_389 = vector.shape_cast %parallel_loop3A_388 : vector<16x1xi32> to vector<16xi32>
        %parallel_loop3A_390 = tpu.dynamic_gather %parallel_loop3A_356[%parallel_loop3A_389] in [0] : vector<16xf32>, vector<16xi32> -> vector<16xf32>
        %parallel_loop3A_391 = arith.constant 1 : i32
        %parallel_loop3A_392 = arith.index_cast %parallel_loop3A_391 : i32 to index
        %parallel_loop3A_393 = arith.index_cast %parallel_loop3A_338 : i32 to index
        %parallel_loop3A_394 = arith.constant 16 : index
        %parallel_loop3A_395 = tpu.vector_load %arg13[%parallel_loop3A_392, %parallel_loop3A_393, %parallel_loop3A_394] {strides = array<i32>} : memref<3x128x80xf32, #tpu.memory_space<vmem>>, vector<1x1x16xf32>,
        %parallel_loop3A_396 = vector.shape_cast %parallel_loop3A_395 : vector<1x1x16xf32> to vector<16xf32>
        %parallel_loop3A_397 = arith.mulf %parallel_loop3A_396, %parallel_loop3A_390 : vector<16xf32>
        %parallel_loop3A_398 = arith.constant 1 : i32
        %parallel_loop3A_399 = arith.index_cast %parallel_loop3A_398 : i32 to index
        %parallel_loop3A_400 = arith.index_cast %parallel_loop3A_338 : i32 to index
        %parallel_loop3A_401 = arith.constant 16 : index
        %parallel_loop3A_402 = tpu.vector_load %arg13[%parallel_loop3A_399, %parallel_loop3A_400, %parallel_loop3A_401] {strides = array<i32>} : memref<3x128x80xf32, #tpu.memory_space<vmem>>, vector<1x1x16xf32>,
        %parallel_loop3A_403 = vector.shape_cast %parallel_loop3A_402 : vector<1x1x16xf32> to vector<16xf32>
        %parallel_loop3A_404 = vector.shape_cast %parallel_loop3A_397 : vector<16xf32> to vector<1x1x16xf32>
        tpu.vector_store %arg13[%parallel_loop3A_399, %parallel_loop3A_400, %parallel_loop3A_401], %parallel_loop3A_404 {strides = array<i32>} : memref<3x128x80xf32, #tpu.memory_space<vmem>>, vector<1x1x16xf32>,
        %parallel_loop3A_405 = arith.constant 0 : i32
        %parallel_loop3A_406 = vector.broadcast %parallel_loop3A_405 : i32 to vector<16xi32>
        %parallel_loop3A_407 = arith.cmpi slt, %div3A_50, %parallel_loop3A_406 : vector<16xi32>
        %parallel_loop3A_408 = arith.constant 16 : i32
        %parallel_loop3A_409 = vector.broadcast %parallel_loop3A_408 : i32 to vector<16xi32>
        %parallel_loop3A_410 = arith.addi %div3A_50, %parallel_loop3A_409 : vector<16xi32>
        %parallel_loop3A_411 = arith.select %parallel_loop3A_407, %parallel_loop3A_410, %div3A_50 : vector<16xi1>, vector<16xi32>
        %parallel_loop3A_412 = vector.shape_cast %parallel_loop3A_411 : vector<16xi32> to vector<16x1xi32>
        %parallel_loop3A_413 = vector.shape_cast %parallel_loop3A_412 : vector<16x1xi32> to vector<16xi32>
        %parallel_loop3A_414 = tpu.dynamic_gather %parallel_loop3A_356[%parallel_loop3A_413] in [0] : vector<16xf32>, vector<16xi32> -> vector<16xf32>
        %parallel_loop3A_415 = arith.constant 1 : i32
        %parallel_loop3A_416 = arith.index_cast %parallel_loop3A_415 : i32 to index
        %parallel_loop3A_417 = arith.index_cast %parallel_loop3A_338 : i32 to index
        %parallel_loop3A_418 = arith.constant 32 : index
        %parallel_loop3A_419 = tpu.vector_load %arg13[%parallel_loop3A_416, %parallel_loop3A_417, %parallel_loop3A_418] {strides = array<i32>} : memref<3x128x80xf32, #tpu.memory_space<vmem>>, vector<1x1x16xf32>,
        %parallel_loop3A_420 = vector.shape_cast %parallel_loop3A_419 : vector<1x1x16xf32> to vector<16xf32>
        %parallel_loop3A_421 = arith.mulf %parallel_loop3A_420, %parallel_loop3A_414 : vector<16xf32>
        %parallel_loop3A_422 = arith.constant 1 : i32
        %parallel_loop3A_423 = arith.index_cast %parallel_loop3A_422 : i32 to index
        %parallel_loop3A_424 = arith.index_cast %parallel_loop3A_338 : i32 to index
        %parallel_loop3A_425 = arith.constant 32 : index
        %parallel_loop3A_426 = tpu.vector_load %arg13[%parallel_loop3A_423, %parallel_loop3A_424, %parallel_loop3A_425] {strides = array<i32>} : memref<3x128x80xf32, #tpu.memory_space<vmem>>, vector<1x1x16xf32>,
        %parallel_loop3A_427 = vector.shape_cast %parallel_loop3A_426 : vector<1x1x16xf32> to vector<16xf32>
        %parallel_loop3A_428 = vector.shape_cast %parallel_loop3A_421 : vector<16xf32> to vector<1x1x16xf32>
        tpu.vector_store %arg13[%parallel_loop3A_423, %parallel_loop3A_424, %parallel_loop3A_425], %parallel_loop3A_428 {strides = array<i32>} : memref<3x128x80xf32, #tpu.memory_space<vmem>>, vector<1x1x16xf32>,
        %parallel_loop3A_429 = arith.constant 0 : i32
        %parallel_loop3A_430 = vector.broadcast %parallel_loop3A_429 : i32 to vector<16xi32>
        %parallel_loop3A_431 = arith.cmpi slt, %div3A_56, %parallel_loop3A_430 : vector<16xi32>
        %parallel_loop3A_432 = arith.constant 16 : i32
        %parallel_loop3A_433 = vector.broadcast %parallel_loop3A_432 : i32 to vector<16xi32>
        %parallel_loop3A_434 = arith.addi %div3A_56, %parallel_loop3A_433 : vector<16xi32>
        %parallel_loop3A_435 = arith.select %parallel_loop3A_431, %parallel_loop3A_434, %div3A_56 : vector<16xi1>, vector<16xi32>
        %parallel_loop3A_436 = vector.shape_cast %parallel_loop3A_435 : vector<16xi32> to vector<16x1xi32>
        %parallel_loop3A_437 = vector.shape_cast %parallel_loop3A_436 : vector<16x1xi32> to vector<16xi32>
        %parallel_loop3A_438 = tpu.dynamic_gather %parallel_loop3A_356[%parallel_loop3A_437] in [0] : vector<16xf32>, vector<16xi32> -> vector<16xf32>
        %parallel_loop3A_439 = arith.constant 1 : i32
        %parallel_loop3A_440 = arith.index_cast %parallel_loop3A_439 : i32 to index
        %parallel_loop3A_441 = arith.index_cast %parallel_loop3A_338 : i32 to index
        %parallel_loop3A_442 = arith.constant 48 : index
        %parallel_loop3A_443 = tpu.vector_load %arg13[%parallel_loop3A_440, %parallel_loop3A_441, %parallel_loop3A_442] {strides = array<i32>} : memref<3x128x80xf32, #tpu.memory_space<vmem>>, vector<1x1x16xf32>,
        %parallel_loop3A_444 = vector.shape_cast %parallel_loop3A_443 : vector<1x1x16xf32> to vector<16xf32>
        %parallel_loop3A_445 = arith.mulf %parallel_loop3A_444, %parallel_loop3A_438 : vector<16xf32>
        %parallel_loop3A_446 = arith.constant 1 : i32
        %parallel_loop3A_447 = arith.index_cast %parallel_loop3A_446 : i32 to index
        %parallel_loop3A_448 = arith.index_cast %parallel_loop3A_338 : i32 to index
        %parallel_loop3A_449 = arith.constant 48 : index
        %parallel_loop3A_450 = tpu.vector_load %arg13[%parallel_loop3A_447, %parallel_loop3A_448, %parallel_loop3A_449] {strides = array<i32>} : memref<3x128x80xf32, #tpu.memory_space<vmem>>, vector<1x1x16xf32>,
        %parallel_loop3A_451 = vector.shape_cast %parallel_loop3A_450 : vector<1x1x16xf32> to vector<16xf32>
        %parallel_loop3A_452 = vector.shape_cast %parallel_loop3A_445 : vector<16xf32> to vector<1x1x16xf32>
        tpu.vector_store %arg13[%parallel_loop3A_447, %parallel_loop3A_448, %parallel_loop3A_449], %parallel_loop3A_452 {strides = array<i32>} : memref<3x128x80xf32, #tpu.memory_space<vmem>>, vector<1x1x16xf32>,
        %parallel_loop3A_453 = arith.constant 0 : i32
        %parallel_loop3A_454 = vector.broadcast %parallel_loop3A_453 : i32 to vector<16xi32>
        %parallel_loop3A_455 = arith.cmpi slt, %div3A_62, %parallel_loop3A_454 : vector<16xi32>
        %parallel_loop3A_456 = arith.constant 16 : i32
        %parallel_loop3A_457 = vector.broadcast %parallel_loop3A_456 : i32 to vector<16xi32>
        %parallel_loop3A_458 = arith.addi %div3A_62, %parallel_loop3A_457 : vector<16xi32>
        %parallel_loop3A_459 = arith.select %parallel_loop3A_455, %parallel_loop3A_458, %div3A_62 : vector<16xi1>, vector<16xi32>
        %parallel_loop3A_460 = vector.shape_cast %parallel_loop3A_459 : vector<16xi32> to vector<16x1xi32>
        %parallel_loop3A_461 = vector.shape_cast %parallel_loop3A_460 : vector<16x1xi32> to vector<16xi32>
        %parallel_loop3A_462 = tpu.dynamic_gather %parallel_loop3A_356[%parallel_loop3A_461] in [0] : vector<16xf32>, vector<16xi32> -> vector<16xf32>
        %parallel_loop3A_463 = arith.constant 1 : i32
        %parallel_loop3A_464 = arith.index_cast %parallel_loop3A_463 : i32 to index
        %parallel_loop3A_465 = arith.index_cast %parallel_loop3A_338 : i32 to index
        %parallel_loop3A_466 = arith.constant 64 : index
        %parallel_loop3A_467 = tpu.vector_load %arg13[%parallel_loop3A_464, %parallel_loop3A_465, %parallel_loop3A_466] {strides = array<i32>} : memref<3x128x80xf32, #tpu.memory_space<vmem>>, vector<1x1x16xf32>,
        %parallel_loop3A_468 = vector.shape_cast %parallel_loop3A_467 : vector<1x1x16xf32> to vector<16xf32>
        %parallel_loop3A_469 = arith.mulf %parallel_loop3A_468, %parallel_loop3A_462 : vector<16xf32>
        %parallel_loop3A_470 = arith.constant 1 : i32
        %parallel_loop3A_471 = arith.index_cast %parallel_loop3A_470 : i32 to index
        %parallel_loop3A_472 = arith.index_cast %parallel_loop3A_338 : i32 to index
        %parallel_loop3A_473 = arith.constant 64 : index
        %parallel_loop3A_474 = tpu.vector_load %arg13[%parallel_loop3A_471, %parallel_loop3A_472, %parallel_loop3A_473] {strides = array<i32>} : memref<3x128x80xf32, #tpu.memory_space<vmem>>, vector<1x1x16xf32>,
        %parallel_loop3A_475 = vector.shape_cast %parallel_loop3A_474 : vector<1x1x16xf32> to vector<16xf32>
        %parallel_loop3A_476 = vector.shape_cast %parallel_loop3A_469 : vector<16xf32> to vector<1x1x16xf32>
        tpu.vector_store %arg13[%parallel_loop3A_471, %parallel_loop3A_472, %parallel_loop3A_473], %parallel_loop3A_476 {strides = array<i32>} : memref<3x128x80xf32, #tpu.memory_space<vmem>>, vector<1x1x16xf32>,
      } {sc.loop_unroll_factor = 4 : i64, sc.parallel_access}
      %run_scoped3A_278 = arith.constant 1 : i32
      "tpu.region"() ({
        %run_scoped3A_338 = tpu.sem_alloc : memref<!tpu.dma_semaphore, #tpu.memory_space<semaphore_mem>>
        %dma_start3A_339 = arith.constant 0 : i32
        %dma_start3A_340 = arith.constant 0 : i32
        %dma_start3A_341 = tpu.memref_slice %arg13[%run_scoped3A_278, %dma_start3A_339, %dma_start3A_340] : memref<3x128x80xf32, #tpu.memory_space<vmem>> -> memref<1x128x80xf32, #tpu.memory_space<vmem>>
        %dma_start3A_342 = tpu.memref_squeeze %dma_start3A_341 : memref<1x128x80xf32, #tpu.memory_space<vmem>> -> memref<128x80xf32, #tpu.memory_space<vmem>>
        %dma_start3A_343 = arith.constant 0 : i32
        %dma_start3A_344 = tpu.memref_slice %arg10[%add3A_223, %dma_start3A_343] : memref<81x128xi32, #tpu.memory_space<vmem>> -> memref<1x128xi32, #tpu.memory_space<vmem>>
        %dma_start3A_345 = tpu.memref_squeeze %dma_start3A_344 : memref<1x128xi32, #tpu.memory_space<vmem>> -> memref<128xi32, #tpu.memory_space<vmem>>
        %dma_start3A_346 = arith.constant 0 : i32
        %dma_start3A_347 = arith.constant 0 : i32
        %dma_start3A_348 = tpu.memref_slice %arg14[%dma_start3A_346, %dma_start3A_347] : memref<10112x80xf32, #tpu.memory_space<vmem_shared>> -> memref<10112x80xf32, #tpu.memory_space<vmem_shared>>
        tpu.enqueue_indirect_dma source(%dma_start3A_342 : memref<128x80xf32, #tpu.memory_space<vmem>>) target(%dma_start3A_348 : memref<10112x80xf32, #tpu.memory_space<vmem_shared>>) offsets(%dma_start3A_345 : memref<128xi32, #tpu.memory_space<vmem>>) semaphore(%run_scoped3A_338 : memref<!tpu.dma_semaphore, #tpu.memory_space<semaphore_mem>>) {add = true}
        %dma_wait3A_349 = arith.constant 0 : i32
        %dma_wait3A_350 = arith.constant 0 : i32
        %dma_wait3A_351 = tpu.memref_slice %arg13[%run_scoped3A_278, %dma_wait3A_349, %dma_wait3A_350] : memref<3x128x80xf32, #tpu.memory_space<vmem>> -> memref<1x128x80xf32, #tpu.memory_space<vmem>>
        %dma_wait3A_352 = tpu.memref_squeeze %dma_wait3A_351 : memref<1x128x80xf32, #tpu.memory_space<vmem>> -> memref<128x80xf32, #tpu.memory_space<vmem>>
        %dma_wait3A_353 = arith.constant 0 : i32
        %dma_wait3A_354 = tpu.memref_slice %arg10[%add3A_223, %dma_wait3A_353] : memref<81x128xi32, #tpu.memory_space<vmem>> -> memref<1x128xi32, #tpu.memory_space<vmem>>
        %dma_wait3A_355 = tpu.memref_squeeze %dma_wait3A_354 : memref<1x128xi32, #tpu.memory_space<vmem>> -> memref<128xi32, #tpu.memory_space<vmem>>
        %dma_wait3A_356 = arith.constant 0 : i32
        %dma_wait3A_357 = arith.constant 0 : i32
        %dma_wait3A_358 = tpu.memref_slice %arg14[%dma_wait3A_356, %dma_wait3A_357] : memref<10112x80xf32, #tpu.memory_space<vmem_shared>> -> memref<10112x80xf32, #tpu.memory_space<vmem_shared>>
        tpu.wait_indirect_dma semaphore(%run_scoped3A_338 : memref<!tpu.dma_semaphore, #tpu.memory_space<semaphore_mem>>) src(%dma_wait3A_352 : memref<128x80xf32, #tpu.memory_space<vmem>>) dst(%dma_wait3A_358 : memref<10112x80xf32, #tpu.memory_space<vmem_shared>>)
        tpu.yield
      }) : () -> ()
      %mul3A_279 = arith.constant 3 : i32
      %mul3A_280 = arith.muli %add3A_162, %mul3A_279 : i32
      %add3A_281 = arith.constant 2 : i32
      %add3A_282 = arith.addi %mul3A_280, %add3A_281 : i32
      %dma_wait3A_283 = arith.constant 2 : i32
      %dma_wait3A_284 = arith.constant 2 : i32
      %dma_wait3A_285 = arith.constant 0 : i32
      %dma_wait3A_286 = arith.constant 0 : i32
      %dma_wait3A_287 = tpu.memref_slice %arg11[%dma_wait3A_283, %dma_wait3A_285, %dma_wait3A_286] : memref<3x128x16xf32, #tpu.memory_space<vmem>> -> memref<1x128x16xf32, #tpu.memory_space<vmem>>
      %dma_wait3A_288 = tpu.memref_squeeze %dma_wait3A_287 : memref<1x128x16xf32, #tpu.memory_space<vmem>> -> memref<128x16xf32, #tpu.memory_space<vmem>>
      %dma_wait3A_289 = arith.constant 0 : i32
      %dma_wait3A_290 = tpu.memref_slice %arg9[%add3A_282, %dma_wait3A_289] : memref<81x128xi32, #tpu.memory_space<vmem>> -> memref<1x128xi32, #tpu.memory_space<vmem>>
      %dma_wait3A_291 = tpu.memref_squeeze %dma_wait3A_290 : memref<1x128xi32, #tpu.memory_space<vmem>> -> memref<128xi32, #tpu.memory_space<vmem>>
      %dma_wait3A_292 = arith.constant 0 : i32
      %dma_wait3A_293 = arith.constant 0 : i32
      %dma_wait3A_294 = tpu.memref_slice %arg5[%dma_wait3A_292, %dma_wait3A_293] : memref<10112x16xf32, #tpu.memory_space<hbm>> -> memref<10112x16xf32, #tpu.memory_space<hbm>>
      %dma_wait3A_295 = tpu.memref_slice %arg15[%dma_wait3A_284] : memref<3x!tpu.dma_semaphore, #tpu.memory_space<semaphore_mem>> -> memref<1x!tpu.dma_semaphore, #tpu.memory_space<semaphore_mem>>
      %dma_wait3A_296 = tpu.memref_squeeze %dma_wait3A_295 : memref<1x!tpu.dma_semaphore, #tpu.memory_space<semaphore_mem>> -> memref<!tpu.dma_semaphore, #tpu.memory_space<semaphore_mem>>
      tpu.wait_indirect_dma semaphore(%dma_wait3A_296 : memref<!tpu.dma_semaphore, #tpu.memory_space<semaphore_mem>>) src(%dma_wait3A_294 : memref<10112x16xf32, #tpu.memory_space<hbm>>) dst(%dma_wait3A_288 : memref<128x16xf32, #tpu.memory_space<vmem>>)
      %dma_wait3A_297 = arith.constant 2 : i32
      %dma_wait3A_298 = arith.constant 2 : i32
      %dma_wait3A_299 = arith.constant 0 : i32
      %dma_wait3A_300 = arith.constant 0 : i32
      %dma_wait3A_301 = tpu.memref_slice %arg12[%dma_wait3A_297, %dma_wait3A_299, %dma_wait3A_300] : memref<3x128x16xf32, #tpu.memory_space<vmem>> -> memref<1x128x16xf32, #tpu.memory_space<vmem>>
      %dma_wait3A_302 = tpu.memref_squeeze %dma_wait3A_301 : memref<1x128x16xf32, #tpu.memory_space<vmem>> -> memref<128x16xf32, #tpu.memory_space<vmem>>
      %dma_wait3A_303 = arith.constant 0 : i32
      %dma_wait3A_304 = tpu.memref_slice %arg10[%add3A_282, %dma_wait3A_303] : memref<81x128xi32, #tpu.memory_space<vmem>> -> memref<1x128xi32, #tpu.memory_space<vmem>>
      %dma_wait3A_305 = tpu.memref_squeeze %dma_wait3A_304 : memref<1x128xi32, #tpu.memory_space<vmem>> -> memref<128xi32, #tpu.memory_space<vmem>>
      %dma_wait3A_306 = arith.constant 0 : i32
      %dma_wait3A_307 = arith.constant 0 : i32
      %dma_wait3A_308 = tpu.memref_slice %arg6[%dma_wait3A_306, %dma_wait3A_307] : memref<10112x16xf32, #tpu.memory_space<hbm>> -> memref<10112x16xf32, #tpu.memory_space<hbm>>
      %dma_wait3A_309 = tpu.memref_slice %arg16[%dma_wait3A_298] : memref<3x!tpu.dma_semaphore, #tpu.memory_space<semaphore_mem>> -> memref<1x!tpu.dma_semaphore, #tpu.memory_space<semaphore_mem>>
      %dma_wait3A_310 = tpu.memref_squeeze %dma_wait3A_309 : memref<1x!tpu.dma_semaphore, #tpu.memory_space<semaphore_mem>> -> memref<!tpu.dma_semaphore, #tpu.memory_space<semaphore_mem>>
      tpu.wait_indirect_dma semaphore(%dma_wait3A_310 : memref<!tpu.dma_semaphore, #tpu.memory_space<semaphore_mem>>) src(%dma_wait3A_308 : memref<10112x16xf32, #tpu.memory_space<hbm>>) dst(%dma_wait3A_302 : memref<128x16xf32, #tpu.memory_space<vmem>>)
      %dma_wait3A_311 = arith.constant 2 : i32
      %dma_wait3A_312 = arith.constant 2 : i32
      %dma_wait3A_313 = arith.constant 0 : i32
      %dma_wait3A_314 = arith.constant 0 : i32
      %dma_wait3A_315 = tpu.memref_slice %arg13[%dma_wait3A_311, %dma_wait3A_313, %dma_wait3A_314] : memref<3x128x80xf32, #tpu.memory_space<vmem>> -> memref<1x128x80xf32, #tpu.memory_space<vmem>>
      %dma_wait3A_316 = tpu.memref_squeeze %dma_wait3A_315 : memref<1x128x80xf32, #tpu.memory_space<vmem>> -> memref<128x80xf32, #tpu.memory_space<vmem>>
      %dma_wait3A_317 = arith.constant 0 : i32
      %dma_wait3A_318 = tpu.memref_slice %arg9[%add3A_282, %dma_wait3A_317] : memref<81x128xi32, #tpu.memory_space<vmem>> -> memref<1x128xi32, #tpu.memory_space<vmem>>
      %dma_wait3A_319 = tpu.memref_squeeze %dma_wait3A_318 : memref<1x128xi32, #tpu.memory_space<vmem>> -> memref<128xi32, #tpu.memory_space<vmem>>
      %dma_wait3A_320 = arith.constant 0 : i32
      %dma_wait3A_321 = arith.constant 0 : i32
      %dma_wait3A_322 = tpu.memref_slice %arg4[%dma_wait3A_320, %dma_wait3A_321] : memref<10112x80xf32, #tpu.memory_space<hbm>> -> memref<10112x80xf32, #tpu.memory_space<hbm>>
      %dma_wait3A_323 = tpu.memref_slice %arg17[%dma_wait3A_312] : memref<3x!tpu.dma_semaphore, #tpu.memory_space<semaphore_mem>> -> memref<1x!tpu.dma_semaphore, #tpu.memory_space<semaphore_mem>>
      %dma_wait3A_324 = tpu.memref_squeeze %dma_wait3A_323 : memref<1x!tpu.dma_semaphore, #tpu.memory_space<semaphore_mem>> -> memref<!tpu.dma_semaphore, #tpu.memory_space<semaphore_mem>>
      tpu.wait_indirect_dma semaphore(%dma_wait3A_324 : memref<!tpu.dma_semaphore, #tpu.memory_space<semaphore_mem>>) src(%dma_wait3A_322 : memref<10112x80xf32, #tpu.memory_space<hbm>>) dst(%dma_wait3A_316 : memref<128x80xf32, #tpu.memory_space<vmem>>)
      %add3A_325 = arith.constant 3 : i32
      %add3A_326 = arith.addi %add3A_282, %add3A_325 : i32
      %sub3A_327 = arith.constant 1 : i32
      %sub3A_328 = arith.subi %add3A_326, %sub3A_327 : i32
      %lt3A_329 = arith.constant 81 : i32
      %lt3A_330 = arith.cmpi slt, %sub3A_328, %lt3A_329 : i32
      %convert_element_type3A_331 = arith.extui %lt3A_330 : i1 to i32
      %cond3A_332 = arith.constant 0 : i32
      %cond3A_333 = arith.cmpi ne, %convert_element_type3A_331, %cond3A_332 : i32
      scf.if %cond3A_333 {
        %dma_start3A_338 = arith.constant 1 : i32
        %dma_start3A_339 = arith.constant 1 : i32
        %dma_start3A_340 = arith.constant 0 : i32
        %dma_start3A_341 = arith.constant 0 : i32
        %dma_start3A_342 = tpu.memref_slice %arg11[%dma_start3A_338, %dma_start3A_340, %dma_start3A_341] : memref<3x128x16xf32, #tpu.memory_space<vmem>> -> memref<1x128x16xf32, #tpu.memory_space<vmem>>
        %dma_start3A_343 = tpu.memref_squeeze %dma_start3A_342 : memref<1x128x16xf32, #tpu.memory_space<vmem>> -> memref<128x16xf32, #tpu.memory_space<vmem>>
        %dma_start3A_344 = arith.constant 0 : i32
        %dma_start3A_345 = tpu.memref_slice %arg9[%sub3A_328, %dma_start3A_344] : memref<81x128xi32, #tpu.memory_space<vmem>> -> memref<1x128xi32, #tpu.memory_space<vmem>>
        %dma_start3A_346 = tpu.memref_squeeze %dma_start3A_345 : memref<1x128xi32, #tpu.memory_space<vmem>> -> memref<128xi32, #tpu.memory_space<vmem>>
        %dma_start3A_347 = arith.constant 0 : i32
        %dma_start3A_348 = arith.constant 0 : i32
        %dma_start3A_349 = tpu.memref_slice %arg5[%dma_start3A_347, %dma_start3A_348] : memref<10112x16xf32, #tpu.memory_space<hbm>> -> memref<10112x16xf32, #tpu.memory_space<hbm>>
        %dma_start3A_350 = tpu.memref_slice %arg15[%dma_start3A_339] : memref<3x!tpu.dma_semaphore, #tpu.memory_space<semaphore_mem>> -> memref<1x!tpu.dma_semaphore, #tpu.memory_space<semaphore_mem>>
        %dma_start3A_351 = tpu.memref_squeeze %dma_start3A_350 : memref<1x!tpu.dma_semaphore, #tpu.memory_space<semaphore_mem>> -> memref<!tpu.dma_semaphore, #tpu.memory_space<semaphore_mem>>
        tpu.enqueue_indirect_dma source(%dma_start3A_349 : memref<10112x16xf32, #tpu.memory_space<hbm>>) target(%dma_start3A_343 : memref<128x16xf32, #tpu.memory_space<vmem>>) offsets(%dma_start3A_346 : memref<128xi32, #tpu.memory_space<vmem>>) semaphore(%dma_start3A_351 : memref<!tpu.dma_semaphore, #tpu.memory_space<semaphore_mem>>)
        %dma_start3A_352 = arith.constant 1 : i32
        %dma_start3A_353 = arith.constant 1 : i32
        %dma_start3A_354 = arith.constant 0 : i32
        %dma_start3A_355 = arith.constant 0 : i32
        %dma_start3A_356 = tpu.memref_slice %arg12[%dma_start3A_352, %dma_start3A_354, %dma_start3A_355] : memref<3x128x16xf32, #tpu.memory_space<vmem>> -> memref<1x128x16xf32, #tpu.memory_space<vmem>>
        %dma_start3A_357 = tpu.memref_squeeze %dma_start3A_356 : memref<1x128x16xf32, #tpu.memory_space<vmem>> -> memref<128x16xf32, #tpu.memory_space<vmem>>
        %dma_start3A_358 = arith.constant 0 : i32
        %dma_start3A_359 = tpu.memref_slice %arg10[%sub3A_328, %dma_start3A_358] : memref<81x128xi32, #tpu.memory_space<vmem>> -> memref<1x128xi32, #tpu.memory_space<vmem>>
        %dma_start3A_360 = tpu.memref_squeeze %dma_start3A_359 : memref<1x128xi32, #tpu.memory_space<vmem>> -> memref<128xi32, #tpu.memory_space<vmem>>
        %dma_start3A_361 = arith.constant 0 : i32
        %dma_start3A_362 = arith.constant 0 : i32
        %dma_start3A_363 = tpu.memref_slice %arg6[%dma_start3A_361, %dma_start3A_362] : memref<10112x16xf32, #tpu.memory_space<hbm>> -> memref<10112x16xf32, #tpu.memory_space<hbm>>
        %dma_start3A_364 = tpu.memref_slice %arg16[%dma_start3A_353] : memref<3x!tpu.dma_semaphore, #tpu.memory_space<semaphore_mem>> -> memref<1x!tpu.dma_semaphore, #tpu.memory_space<semaphore_mem>>
        %dma_start3A_365 = tpu.memref_squeeze %dma_start3A_364 : memref<1x!tpu.dma_semaphore, #tpu.memory_space<semaphore_mem>> -> memref<!tpu.dma_semaphore, #tpu.memory_space<semaphore_mem>>
        tpu.enqueue_indirect_dma source(%dma_start3A_363 : memref<10112x16xf32, #tpu.memory_space<hbm>>) target(%dma_start3A_357 : memref<128x16xf32, #tpu.memory_space<vmem>>) offsets(%dma_start3A_360 : memref<128xi32, #tpu.memory_space<vmem>>) semaphore(%dma_start3A_365 : memref<!tpu.dma_semaphore, #tpu.memory_space<semaphore_mem>>)
        %dma_start3A_366 = arith.constant 1 : i32
        %dma_start3A_367 = arith.constant 1 : i32
        %dma_start3A_368 = arith.constant 0 : i32
        %dma_start3A_369 = arith.constant 0 : i32
        %dma_start3A_370 = tpu.memref_slice %arg13[%dma_start3A_366, %dma_start3A_368, %dma_start3A_369] : memref<3x128x80xf32, #tpu.memory_space<vmem>> -> memref<1x128x80xf32, #tpu.memory_space<vmem>>
        %dma_start3A_371 = tpu.memref_squeeze %dma_start3A_370 : memref<1x128x80xf32, #tpu.memory_space<vmem>> -> memref<128x80xf32, #tpu.memory_space<vmem>>
        %dma_start3A_372 = arith.constant 0 : i32
        %dma_start3A_373 = tpu.memref_slice %arg9[%sub3A_328, %dma_start3A_372] : memref<81x128xi32, #tpu.memory_space<vmem>> -> memref<1x128xi32, #tpu.memory_space<vmem>>
        %dma_start3A_374 = tpu.memref_squeeze %dma_start3A_373 : memref<1x128xi32, #tpu.memory_space<vmem>> -> memref<128xi32, #tpu.memory_space<vmem>>
        %dma_start3A_375 = arith.constant 0 : i32
        %dma_start3A_376 = arith.constant 0 : i32
        %dma_start3A_377 = tpu.memref_slice %arg4[%dma_start3A_375, %dma_start3A_376] : memref<10112x80xf32, #tpu.memory_space<hbm>> -> memref<10112x80xf32, #tpu.memory_space<hbm>>
        %dma_start3A_378 = tpu.memref_slice %arg17[%dma_start3A_367] : memref<3x!tpu.dma_semaphore, #tpu.memory_space<semaphore_mem>> -> memref<1x!tpu.dma_semaphore, #tpu.memory_space<semaphore_mem>>
        %dma_start3A_379 = tpu.memref_squeeze %dma_start3A_378 : memref<1x!tpu.dma_semaphore, #tpu.memory_space<semaphore_mem>> -> memref<!tpu.dma_semaphore, #tpu.memory_space<semaphore_mem>>
        tpu.enqueue_indirect_dma source(%dma_start3A_377 : memref<10112x80xf32, #tpu.memory_space<hbm>>) target(%dma_start3A_371 : memref<128x80xf32, #tpu.memory_space<vmem>>) offsets(%dma_start3A_374 : memref<128xi32, #tpu.memory_space<vmem>>) semaphore(%dma_start3A_379 : memref<!tpu.dma_semaphore, #tpu.memory_space<semaphore_mem>>)
      } else {
      }
      %parallel_loop3A_334 = arith.constant 0 : i32
      %parallel_loop3A_335 = arith.constant 128 : i32
      %parallel_loop3A_336 = arith.constant 1 : i32
      scf.for %parallel_loop3A_338 = %parallel_loop3A_334 to %parallel_loop3A_335 step %parallel_loop3A_336  : i32 {
        %parallel_loop3A_339 = arith.constant 2 : i32
        %parallel_loop3A_340 = arith.index_cast %parallel_loop3A_339 : i32 to index
        %parallel_loop3A_341 = arith.index_cast %parallel_loop3A_338 : i32 to index
        %parallel_loop3A_342 = arith.constant 0 : index
        %parallel_loop3A_343 = tpu.vector_load %arg11[%parallel_loop3A_340, %parallel_loop3A_341, %parallel_loop3A_342] {strides = array<i32>} : memref<3x128x16xf32, #tpu.memory_space<vmem>>, vector<1x1x16xf32>,
        %parallel_loop3A_344 = vector.shape_cast %parallel_loop3A_343 : vector<1x1x16xf32> to vector<16xf32>
        %parallel_loop3A_345 = arith.constant 2 : i32
        %parallel_loop3A_346 = arith.index_cast %parallel_loop3A_345 : i32 to index
        %parallel_loop3A_347 = arith.index_cast %parallel_loop3A_338 : i32 to index
        %parallel_loop3A_348 = arith.constant 0 : index
        %parallel_loop3A_349 = tpu.vector_load %arg12[%parallel_loop3A_346, %parallel_loop3A_347, %parallel_loop3A_348] {strides = array<i32>} : memref<3x128x16xf32, #tpu.memory_space<vmem>>, vector<1x1x16xf32>,
        %parallel_loop3A_350 = vector.shape_cast %parallel_loop3A_349 : vector<1x1x16xf32> to vector<16xf32>
        %parallel_loop3A_351 = arith.addf %parallel_loop3A_344, %parallel_loop3A_350 : vector<16xf32>
        %parallel_loop3A_352 = arith.constant 2.000000e-01 : f32
        %parallel_loop3A_353 = vector.broadcast %parallel_loop3A_352 : f32 to vector<16xf32>
        %parallel_loop3A_354 = arith.mulf %parallel_loop3A_351, %parallel_loop3A_353 : vector<16xf32>
        %parallel_loop3A_355 = arith.maximumf %parallel_loop3A_351, %parallel_loop3A_354 : vector<16xf32>
        %parallel_loop3A_356 = math.exp %parallel_loop3A_355 : vector<16xf32>
        %parallel_loop3A_357 = arith.constant 0 : i32
        %parallel_loop3A_358 = vector.broadcast %parallel_loop3A_357 : i32 to vector<16xi32>
        %parallel_loop3A_359 = arith.cmpi slt, %div3A_38, %parallel_loop3A_358 : vector<16xi32>
        %parallel_loop3A_360 = arith.constant 16 : i32
        %parallel_loop3A_361 = vector.broadcast %parallel_loop3A_360 : i32 to vector<16xi32>
        %parallel_loop3A_362 = arith.addi %div3A_38, %parallel_loop3A_361 : vector<16xi32>
        %parallel_loop3A_363 = arith.select %parallel_loop3A_359, %parallel_loop3A_362, %div3A_38 : vector<16xi1>, vector<16xi32>
        %parallel_loop3A_364 = vector.shape_cast %parallel_loop3A_363 : vector<16xi32> to vector<16x1xi32>
        %parallel_loop3A_365 = vector.shape_cast %parallel_loop3A_364 : vector<16x1xi32> to vector<16xi32>
        %parallel_loop3A_366 = tpu.dynamic_gather %parallel_loop3A_356[%parallel_loop3A_365] in [0] : vector<16xf32>, vector<16xi32> -> vector<16xf32>
        %parallel_loop3A_367 = arith.constant 2 : i32
        %parallel_loop3A_368 = arith.index_cast %parallel_loop3A_367 : i32 to index
        %parallel_loop3A_369 = arith.index_cast %parallel_loop3A_338 : i32 to index
        %parallel_loop3A_370 = arith.constant 0 : index
        %parallel_loop3A_371 = tpu.vector_load %arg13[%parallel_loop3A_368, %parallel_loop3A_369, %parallel_loop3A_370] {strides = array<i32>} : memref<3x128x80xf32, #tpu.memory_space<vmem>>, vector<1x1x16xf32>,
        %parallel_loop3A_372 = vector.shape_cast %parallel_loop3A_371 : vector<1x1x16xf32> to vector<16xf32>
        %parallel_loop3A_373 = arith.mulf %parallel_loop3A_372, %parallel_loop3A_366 : vector<16xf32>
        %parallel_loop3A_374 = arith.constant 2 : i32
        %parallel_loop3A_375 = arith.index_cast %parallel_loop3A_374 : i32 to index
        %parallel_loop3A_376 = arith.index_cast %parallel_loop3A_338 : i32 to index
        %parallel_loop3A_377 = arith.constant 0 : index
        %parallel_loop3A_378 = tpu.vector_load %arg13[%parallel_loop3A_375, %parallel_loop3A_376, %parallel_loop3A_377] {strides = array<i32>} : memref<3x128x80xf32, #tpu.memory_space<vmem>>, vector<1x1x16xf32>,
        %parallel_loop3A_379 = vector.shape_cast %parallel_loop3A_378 : vector<1x1x16xf32> to vector<16xf32>
        %parallel_loop3A_380 = vector.shape_cast %parallel_loop3A_373 : vector<16xf32> to vector<1x1x16xf32>
        tpu.vector_store %arg13[%parallel_loop3A_375, %parallel_loop3A_376, %parallel_loop3A_377], %parallel_loop3A_380 {strides = array<i32>} : memref<3x128x80xf32, #tpu.memory_space<vmem>>, vector<1x1x16xf32>,
        %parallel_loop3A_381 = arith.constant 0 : i32
        %parallel_loop3A_382 = vector.broadcast %parallel_loop3A_381 : i32 to vector<16xi32>
        %parallel_loop3A_383 = arith.cmpi slt, %div3A_44, %parallel_loop3A_382 : vector<16xi32>
        %parallel_loop3A_384 = arith.constant 16 : i32
        %parallel_loop3A_385 = vector.broadcast %parallel_loop3A_384 : i32 to vector<16xi32>
        %parallel_loop3A_386 = arith.addi %div3A_44, %parallel_loop3A_385 : vector<16xi32>
        %parallel_loop3A_387 = arith.select %parallel_loop3A_383, %parallel_loop3A_386, %div3A_44 : vector<16xi1>, vector<16xi32>
        %parallel_loop3A_388 = vector.shape_cast %parallel_loop3A_387 : vector<16xi32> to vector<16x1xi32>
        %parallel_loop3A_389 = vector.shape_cast %parallel_loop3A_388 : vector<16x1xi32> to vector<16xi32>
        %parallel_loop3A_390 = tpu.dynamic_gather %parallel_loop3A_356[%parallel_loop3A_389] in [0] : vector<16xf32>, vector<16xi32> -> vector<16xf32>
        %parallel_loop3A_391 = arith.constant 2 : i32
        %parallel_loop3A_392 = arith.index_cast %parallel_loop3A_391 : i32 to index
        %parallel_loop3A_393 = arith.index_cast %parallel_loop3A_338 : i32 to index
        %parallel_loop3A_394 = arith.constant 16 : index
        %parallel_loop3A_395 = tpu.vector_load %arg13[%parallel_loop3A_392, %parallel_loop3A_393, %parallel_loop3A_394] {strides = array<i32>} : memref<3x128x80xf32, #tpu.memory_space<vmem>>, vector<1x1x16xf32>,
        %parallel_loop3A_396 = vector.shape_cast %parallel_loop3A_395 : vector<1x1x16xf32> to vector<16xf32>
        %parallel_loop3A_397 = arith.mulf %parallel_loop3A_396, %parallel_loop3A_390 : vector<16xf32>
        %parallel_loop3A_398 = arith.constant 2 : i32
        %parallel_loop3A_399 = arith.index_cast %parallel_loop3A_398 : i32 to index
        %parallel_loop3A_400 = arith.index_cast %parallel_loop3A_338 : i32 to index
        %parallel_loop3A_401 = arith.constant 16 : index
        %parallel_loop3A_402 = tpu.vector_load %arg13[%parallel_loop3A_399, %parallel_loop3A_400, %parallel_loop3A_401] {strides = array<i32>} : memref<3x128x80xf32, #tpu.memory_space<vmem>>, vector<1x1x16xf32>,
        %parallel_loop3A_403 = vector.shape_cast %parallel_loop3A_402 : vector<1x1x16xf32> to vector<16xf32>
        %parallel_loop3A_404 = vector.shape_cast %parallel_loop3A_397 : vector<16xf32> to vector<1x1x16xf32>
        tpu.vector_store %arg13[%parallel_loop3A_399, %parallel_loop3A_400, %parallel_loop3A_401], %parallel_loop3A_404 {strides = array<i32>} : memref<3x128x80xf32, #tpu.memory_space<vmem>>, vector<1x1x16xf32>,
        %parallel_loop3A_405 = arith.constant 0 : i32
        %parallel_loop3A_406 = vector.broadcast %parallel_loop3A_405 : i32 to vector<16xi32>
        %parallel_loop3A_407 = arith.cmpi slt, %div3A_50, %parallel_loop3A_406 : vector<16xi32>
        %parallel_loop3A_408 = arith.constant 16 : i32
        %parallel_loop3A_409 = vector.broadcast %parallel_loop3A_408 : i32 to vector<16xi32>
        %parallel_loop3A_410 = arith.addi %div3A_50, %parallel_loop3A_409 : vector<16xi32>
        %parallel_loop3A_411 = arith.select %parallel_loop3A_407, %parallel_loop3A_410, %div3A_50 : vector<16xi1>, vector<16xi32>
        %parallel_loop3A_412 = vector.shape_cast %parallel_loop3A_411 : vector<16xi32> to vector<16x1xi32>
        %parallel_loop3A_413 = vector.shape_cast %parallel_loop3A_412 : vector<16x1xi32> to vector<16xi32>
        %parallel_loop3A_414 = tpu.dynamic_gather %parallel_loop3A_356[%parallel_loop3A_413] in [0] : vector<16xf32>, vector<16xi32> -> vector<16xf32>
        %parallel_loop3A_415 = arith.constant 2 : i32
        %parallel_loop3A_416 = arith.index_cast %parallel_loop3A_415 : i32 to index
        %parallel_loop3A_417 = arith.index_cast %parallel_loop3A_338 : i32 to index
        %parallel_loop3A_418 = arith.constant 32 : index
        %parallel_loop3A_419 = tpu.vector_load %arg13[%parallel_loop3A_416, %parallel_loop3A_417, %parallel_loop3A_418] {strides = array<i32>} : memref<3x128x80xf32, #tpu.memory_space<vmem>>, vector<1x1x16xf32>,
        %parallel_loop3A_420 = vector.shape_cast %parallel_loop3A_419 : vector<1x1x16xf32> to vector<16xf32>
        %parallel_loop3A_421 = arith.mulf %parallel_loop3A_420, %parallel_loop3A_414 : vector<16xf32>
        %parallel_loop3A_422 = arith.constant 2 : i32
        %parallel_loop3A_423 = arith.index_cast %parallel_loop3A_422 : i32 to index
        %parallel_loop3A_424 = arith.index_cast %parallel_loop3A_338 : i32 to index
        %parallel_loop3A_425 = arith.constant 32 : index
        %parallel_loop3A_426 = tpu.vector_load %arg13[%parallel_loop3A_423, %parallel_loop3A_424, %parallel_loop3A_425] {strides = array<i32>} : memref<3x128x80xf32, #tpu.memory_space<vmem>>, vector<1x1x16xf32>,
        %parallel_loop3A_427 = vector.shape_cast %parallel_loop3A_426 : vector<1x1x16xf32> to vector<16xf32>
        %parallel_loop3A_428 = vector.shape_cast %parallel_loop3A_421 : vector<16xf32> to vector<1x1x16xf32>
        tpu.vector_store %arg13[%parallel_loop3A_423, %parallel_loop3A_424, %parallel_loop3A_425], %parallel_loop3A_428 {strides = array<i32>} : memref<3x128x80xf32, #tpu.memory_space<vmem>>, vector<1x1x16xf32>,
        %parallel_loop3A_429 = arith.constant 0 : i32
        %parallel_loop3A_430 = vector.broadcast %parallel_loop3A_429 : i32 to vector<16xi32>
        %parallel_loop3A_431 = arith.cmpi slt, %div3A_56, %parallel_loop3A_430 : vector<16xi32>
        %parallel_loop3A_432 = arith.constant 16 : i32
        %parallel_loop3A_433 = vector.broadcast %parallel_loop3A_432 : i32 to vector<16xi32>
        %parallel_loop3A_434 = arith.addi %div3A_56, %parallel_loop3A_433 : vector<16xi32>
        %parallel_loop3A_435 = arith.select %parallel_loop3A_431, %parallel_loop3A_434, %div3A_56 : vector<16xi1>, vector<16xi32>
        %parallel_loop3A_436 = vector.shape_cast %parallel_loop3A_435 : vector<16xi32> to vector<16x1xi32>
        %parallel_loop3A_437 = vector.shape_cast %parallel_loop3A_436 : vector<16x1xi32> to vector<16xi32>
        %parallel_loop3A_438 = tpu.dynamic_gather %parallel_loop3A_356[%parallel_loop3A_437] in [0] : vector<16xf32>, vector<16xi32> -> vector<16xf32>
        %parallel_loop3A_439 = arith.constant 2 : i32
        %parallel_loop3A_440 = arith.index_cast %parallel_loop3A_439 : i32 to index
        %parallel_loop3A_441 = arith.index_cast %parallel_loop3A_338 : i32 to index
        %parallel_loop3A_442 = arith.constant 48 : index
        %parallel_loop3A_443 = tpu.vector_load %arg13[%parallel_loop3A_440, %parallel_loop3A_441, %parallel_loop3A_442] {strides = array<i32>} : memref<3x128x80xf32, #tpu.memory_space<vmem>>, vector<1x1x16xf32>,
        %parallel_loop3A_444 = vector.shape_cast %parallel_loop3A_443 : vector<1x1x16xf32> to vector<16xf32>
        %parallel_loop3A_445 = arith.mulf %parallel_loop3A_444, %parallel_loop3A_438 : vector<16xf32>
        %parallel_loop3A_446 = arith.constant 2 : i32
        %parallel_loop3A_447 = arith.index_cast %parallel_loop3A_446 : i32 to index
        %parallel_loop3A_448 = arith.index_cast %parallel_loop3A_338 : i32 to index
        %parallel_loop3A_449 = arith.constant 48 : index
        %parallel_loop3A_450 = tpu.vector_load %arg13[%parallel_loop3A_447, %parallel_loop3A_448, %parallel_loop3A_449] {strides = array<i32>} : memref<3x128x80xf32, #tpu.memory_space<vmem>>, vector<1x1x16xf32>,
        %parallel_loop3A_451 = vector.shape_cast %parallel_loop3A_450 : vector<1x1x16xf32> to vector<16xf32>
        %parallel_loop3A_452 = vector.shape_cast %parallel_loop3A_445 : vector<16xf32> to vector<1x1x16xf32>
        tpu.vector_store %arg13[%parallel_loop3A_447, %parallel_loop3A_448, %parallel_loop3A_449], %parallel_loop3A_452 {strides = array<i32>} : memref<3x128x80xf32, #tpu.memory_space<vmem>>, vector<1x1x16xf32>,
        %parallel_loop3A_453 = arith.constant 0 : i32
        %parallel_loop3A_454 = vector.broadcast %parallel_loop3A_453 : i32 to vector<16xi32>
        %parallel_loop3A_455 = arith.cmpi slt, %div3A_62, %parallel_loop3A_454 : vector<16xi32>
        %parallel_loop3A_456 = arith.constant 16 : i32
        %parallel_loop3A_457 = vector.broadcast %parallel_loop3A_456 : i32 to vector<16xi32>
        %parallel_loop3A_458 = arith.addi %div3A_62, %parallel_loop3A_457 : vector<16xi32>
        %parallel_loop3A_459 = arith.select %parallel_loop3A_455, %parallel_loop3A_458, %div3A_62 : vector<16xi1>, vector<16xi32>
        %parallel_loop3A_460 = vector.shape_cast %parallel_loop3A_459 : vector<16xi32> to vector<16x1xi32>
        %parallel_loop3A_461 = vector.shape_cast %parallel_loop3A_460 : vector<16x1xi32> to vector<16xi32>
        %parallel_loop3A_462 = tpu.dynamic_gather %parallel_loop3A_356[%parallel_loop3A_461] in [0] : vector<16xf32>, vector<16xi32> -> vector<16xf32>
        %parallel_loop3A_463 = arith.constant 2 : i32
        %parallel_loop3A_464 = arith.index_cast %parallel_loop3A_463 : i32 to index
        %parallel_loop3A_465 = arith.index_cast %parallel_loop3A_338 : i32 to index
        %parallel_loop3A_466 = arith.constant 64 : index
        %parallel_loop3A_467 = tpu.vector_load %arg13[%parallel_loop3A_464, %parallel_loop3A_465, %parallel_loop3A_466] {strides = array<i32>} : memref<3x128x80xf32, #tpu.memory_space<vmem>>, vector<1x1x16xf32>,
        %parallel_loop3A_468 = vector.shape_cast %parallel_loop3A_467 : vector<1x1x16xf32> to vector<16xf32>
        %parallel_loop3A_469 = arith.mulf %parallel_loop3A_468, %parallel_loop3A_462 : vector<16xf32>
        %parallel_loop3A_470 = arith.constant 2 : i32
        %parallel_loop3A_471 = arith.index_cast %parallel_loop3A_470 : i32 to index
        %parallel_loop3A_472 = arith.index_cast %parallel_loop3A_338 : i32 to index
        %parallel_loop3A_473 = arith.constant 64 : index
        %parallel_loop3A_474 = tpu.vector_load %arg13[%parallel_loop3A_471, %parallel_loop3A_472, %parallel_loop3A_473] {strides = array<i32>} : memref<3x128x80xf32, #tpu.memory_space<vmem>>, vector<1x1x16xf32>,
        %parallel_loop3A_475 = vector.shape_cast %parallel_loop3A_474 : vector<1x1x16xf32> to vector<16xf32>
        %parallel_loop3A_476 = vector.shape_cast %parallel_loop3A_469 : vector<16xf32> to vector<1x1x16xf32>
        tpu.vector_store %arg13[%parallel_loop3A_471, %parallel_loop3A_472, %parallel_loop3A_473], %parallel_loop3A_476 {strides = array<i32>} : memref<3x128x80xf32, #tpu.memory_space<vmem>>, vector<1x1x16xf32>,
      } {sc.loop_unroll_factor = 4 : i64, sc.parallel_access}
      %run_scoped3A_337 = arith.constant 2 : i32
      "tpu.region"() ({
        %run_scoped3A_338 = tpu.sem_alloc : memref<!tpu.dma_semaphore, #tpu.memory_space<semaphore_mem>>
        %dma_start3A_339 = arith.constant 0 : i32
        %dma_start3A_340 = arith.constant 0 : i32
        %dma_start3A_341 = tpu.memref_slice %arg13[%run_scoped3A_337, %dma_start3A_339, %dma_start3A_340] : memref<3x128x80xf32, #tpu.memory_space<vmem>> -> memref<1x128x80xf32, #tpu.memory_space<vmem>>
        %dma_start3A_342 = tpu.memref_squeeze %dma_start3A_341 : memref<1x128x80xf32, #tpu.memory_space<vmem>> -> memref<128x80xf32, #tpu.memory_space<vmem>>
        %dma_start3A_343 = arith.constant 0 : i32
        %dma_start3A_344 = tpu.memref_slice %arg10[%add3A_282, %dma_start3A_343] : memref<81x128xi32, #tpu.memory_space<vmem>> -> memref<1x128xi32, #tpu.memory_space<vmem>>
        %dma_start3A_345 = tpu.memref_squeeze %dma_start3A_344 : memref<1x128xi32, #tpu.memory_space<vmem>> -> memref<128xi32, #tpu.memory_space<vmem>>
        %dma_start3A_346 = arith.constant 0 : i32
        %dma_start3A_347 = arith.constant 0 : i32
        %dma_start3A_348 = tpu.memref_slice %arg14[%dma_start3A_346, %dma_start3A_347] : memref<10112x80xf32, #tpu.memory_space<vmem_shared>> -> memref<10112x80xf32, #tpu.memory_space<vmem_shared>>
        tpu.enqueue_indirect_dma source(%dma_start3A_342 : memref<128x80xf32, #tpu.memory_space<vmem>>) target(%dma_start3A_348 : memref<10112x80xf32, #tpu.memory_space<vmem_shared>>) offsets(%dma_start3A_345 : memref<128xi32, #tpu.memory_space<vmem>>) semaphore(%run_scoped3A_338 : memref<!tpu.dma_semaphore, #tpu.memory_space<semaphore_mem>>) {add = true}
        %dma_wait3A_349 = arith.constant 0 : i32
        %dma_wait3A_350 = arith.constant 0 : i32
        %dma_wait3A_351 = tpu.memref_slice %arg13[%run_scoped3A_337, %dma_wait3A_349, %dma_wait3A_350] : memref<3x128x80xf32, #tpu.memory_space<vmem>> -> memref<1x128x80xf32, #tpu.memory_space<vmem>>
        %dma_wait3A_352 = tpu.memref_squeeze %dma_wait3A_351 : memref<1x128x80xf32, #tpu.memory_space<vmem>> -> memref<128x80xf32, #tpu.memory_space<vmem>>
        %dma_wait3A_353 = arith.constant 0 : i32
        %dma_wait3A_354 = tpu.memref_slice %arg10[%add3A_282, %dma_wait3A_353] : memref<81x128xi32, #tpu.memory_space<vmem>> -> memref<1x128xi32, #tpu.memory_space<vmem>>
        %dma_wait3A_355 = tpu.memref_squeeze %dma_wait3A_354 : memref<1x128xi32, #tpu.memory_space<vmem>> -> memref<128xi32, #tpu.memory_space<vmem>>
        %dma_wait3A_356 = arith.constant 0 : i32
        %dma_wait3A_357 = arith.constant 0 : i32
        %dma_wait3A_358 = tpu.memref_slice %arg14[%dma_wait3A_356, %dma_wait3A_357] : memref<10112x80xf32, #tpu.memory_space<vmem_shared>> -> memref<10112x80xf32, #tpu.memory_space<vmem_shared>>
        tpu.wait_indirect_dma semaphore(%run_scoped3A_338 : memref<!tpu.dma_semaphore, #tpu.memory_space<semaphore_mem>>) src(%dma_wait3A_352 : memref<128x80xf32, #tpu.memory_space<vmem>>) dst(%dma_wait3A_358 : memref<10112x80xf32, #tpu.memory_space<vmem_shared>>)
        tpu.yield
      }) : () -> ()
    }
    %scan3A_156 = arith.constant 27 : i32
    %barrier3A_157 = arith.constant 0 : index
    tpu.barrier barrier_id(%barrier3A_157)
    "tpu.region"() ({
      %run_scoped3A_158 = tpu.sem_alloc : memref<!tpu.dma_semaphore, #tpu.memory_space<semaphore_mem>>
      %dma_start3A_159 = arith.constant 0 : i32
      %dma_start3A_160 = tpu.memref_slice %arg7[%arg0, %mul3A_19, %dma_start3A_159] : memref<2x10112x128xf32, #tpu.memory_space<hbm>> -> memref<1x632x80xf32, #tpu.memory_space<hbm>>
      %dma_start3A_161 = tpu.memref_squeeze %dma_start3A_160 : memref<1x632x80xf32, #tpu.memory_space<hbm>> -> memref<632x80xf32, #tpu.memory_space<hbm>>
      %dma_start3A_162 = arith.constant 0 : i32
      %dma_start3A_163 = tpu.memref_slice %arg14[%mul3A_19, %dma_start3A_162] : memref<10112x80xf32, #tpu.memory_space<vmem_shared>> -> memref<632x80xf32, #tpu.memory_space<vmem_shared>>
      tpu.enqueue_dma source(%dma_start3A_163 : memref<632x80xf32, #tpu.memory_space<vmem_shared>>) target(%dma_start3A_161 : memref<632x80xf32, #tpu.memory_space<hbm>>) target_semaphore(%run_scoped3A_158 : memref<!tpu.dma_semaphore, #tpu.memory_space<semaphore_mem>>)
      %dma_wait3A = arith.constant 0 : i32
      %dma_wait3A_164 = tpu.memref_slice %arg7[%arg0, %mul3A_19, %dma_wait3A] : memref<2x10112x128xf32, #tpu.memory_space<hbm>> -> memref<1x632x80xf32, #tpu.memory_space<hbm>>
      %dma_wait3A_165 = tpu.memref_squeeze %dma_wait3A_164 : memref<1x632x80xf32, #tpu.memory_space<hbm>> -> memref<632x80xf32, #tpu.memory_space<hbm>>
      %dma_wait3A_166 = arith.constant 0 : i32
      %dma_wait3A_167 = tpu.memref_slice %arg14[%mul3A_19, %dma_wait3A_166] : memref<10112x80xf32, #tpu.memory_space<vmem_shared>> -> memref<632x80xf32, #tpu.memory_space<vmem_shared>>
      tpu.wait_dma2 semaphore(%run_scoped3A_158 : memref<!tpu.dma_semaphore, #tpu.memory_space<semaphore_mem>>) src(%dma_wait3A_167 : memref<632x80xf32, #tpu.memory_space<vmem_shared>>) dst(%dma_wait3A_165 : memref<632x80xf32, #tpu.memory_space<hbm>>)
      tpu.yield
    }) : () -> ()
    return
  }
}

module attributes {stable_mosaic.version = 14 : i64} {
  func.func @_prep_body(%arg0: i32, %arg1: memref<1000x128xf32, #tpu.memory_space<vmem>>, %arg2: memref<128x80xf32, #tpu.memory_space<vmem>>, %arg3: memref<80x16xf32, #tpu.memory_space<vmem>>, %arg4: memref<80x16xf32, #tpu.memory_space<vmem>>, %arg5: memref<2x320000xi32, #tpu.memory_space<vmem>>, %arg6: memref<1000x80xf32, #tpu.memory_space<vmem>>, %arg7: memref<1000x16xf32, #tpu.memory_space<vmem>>, %arg8: memref<1000x16xf32, #tpu.memory_space<vmem>>, %arg9: memref<320000xi32, #tpu.memory_space<vmem>>) attributes {dimension_semantics = [#tpu.dimension_semantics<arbitrary>], iteration_bounds = array<i64: 10>, scalar_prefetch = 0 : i64, scratch_operands = 0 : i64, tpu.core_type = #tpu.core_type<tc>, window_params = [{transform_indices = @transform_0, window_bounds = array<i64: 1000, 128>}, {pipeline_mode = #tpu.pipeline_mode<synchronous>, transform_indices = @transform_1, window_bounds = array<i64: 128, 80>}, {pipeline_mode = #tpu.pipeline_mode<synchronous>, transform_indices = @transform_2, window_bounds = array<i64: 80, 16>}, {pipeline_mode = #tpu.pipeline_mode<synchronous>, transform_indices = @transform_3, window_bounds = array<i64: 80, 16>}, {pipeline_mode = #tpu.pipeline_mode<synchronous>, transform_indices = @transform_4, window_bounds = array<i64: 2, 320000>}, {transform_indices = @transform_5, window_bounds = array<i64: 1000, 80>}, {transform_indices = @transform_6, window_bounds = array<i64: 1000, 16>}, {transform_indices = @transform_7, window_bounds = array<i64: 1000, 16>}, {pipeline_mode = #tpu.pipeline_mode<synchronous>, transform_indices = @transform_8, window_bounds = array<i64: 320000>}]} {
    %get3A = arith.constant 0 : index
    %get3A_0 = arith.constant 0 : index
    %get3A_1 = vector.load %arg1[%get3A, %get3A_0] : memref<1000x128xf32, #tpu.memory_space<vmem>>, vector<1000x128xf32>
    %get3A_2 = arith.constant 0 : index
    %get3A_3 = arith.constant 0 : index
    %get3A_4 = vector.load %arg2[%get3A_2, %get3A_3] : memref<128x80xf32, #tpu.memory_space<vmem>>, vector<128x80xf32>
    %dot_general3A = arith.constant dense<0.000000e+00> : vector<1000x80xf32>
    %dot_general3A_5 = tpu.matmul %get3A_1, %get3A_4, %dot_general3A {dimension_numbers = #tpu.dot_dimension_numbers<[1], [0], [0], [1], [0, 0, 1, 1], [], []>, transpose_lhs_hint = false} : vector<1000x128xf32>, vector<128x80xf32>, vector<1000x80xf32> -> vector<1000x80xf32>
    %get3A_6 = arith.constant 0 : index
    %get3A_7 = arith.constant 0 : index
    %get3A_8 = vector.load %arg3[%get3A_6, %get3A_7] : memref<80x16xf32, #tpu.memory_space<vmem>>, vector<80x16xf32>
    %dot_general3A_9 = arith.constant dense<0.000000e+00> : vector<1000x16xf32>
    %dot_general3A_10 = tpu.matmul %dot_general3A_5, %get3A_8, %dot_general3A_9 {dimension_numbers = #tpu.dot_dimension_numbers<[1], [0], [0], [1], [0, 0, 1, 1], [], []>, transpose_lhs_hint = false} : vector<1000x80xf32>, vector<80x16xf32>, vector<1000x16xf32> -> vector<1000x16xf32>
    %swap3A = arith.constant 0 : index
    %swap3A_11 = arith.constant 0 : index
    %swap3A_12 = vector.load %arg7[%swap3A, %swap3A_11] : memref<1000x16xf32, #tpu.memory_space<vmem>>, vector<1000x16xf32>
    tpu.vector_store %arg7[%swap3A, %swap3A_11], %dot_general3A_10 {strides = array<i32>} : memref<1000x16xf32, #tpu.memory_space<vmem>>, vector<1000x16xf32>,
    %get3A_13 = arith.constant 0 : index
    %get3A_14 = arith.constant 0 : index
    %get3A_15 = vector.load %arg4[%get3A_13, %get3A_14] : memref<80x16xf32, #tpu.memory_space<vmem>>, vector<80x16xf32>
    %dot_general3A_16 = arith.constant dense<0.000000e+00> : vector<1000x16xf32>
    %dot_general3A_17 = tpu.matmul %dot_general3A_5, %get3A_15, %dot_general3A_16 {dimension_numbers = #tpu.dot_dimension_numbers<[1], [0], [0], [1], [0, 0, 1, 1], [], []>, transpose_lhs_hint = false} : vector<1000x80xf32>, vector<80x16xf32>, vector<1000x16xf32> -> vector<1000x16xf32>
    %swap3A_18 = arith.constant 0 : index
    %swap3A_19 = arith.constant 0 : index
    %swap3A_20 = vector.load %arg8[%swap3A_18, %swap3A_19] : memref<1000x16xf32, #tpu.memory_space<vmem>>, vector<1000x16xf32>
    tpu.vector_store %arg8[%swap3A_18, %swap3A_19], %dot_general3A_17 {strides = array<i32>} : memref<1000x16xf32, #tpu.memory_space<vmem>>, vector<1000x16xf32>,
    %iota3A = tpu.iota {dimensions = array<i32: 1>} : vector<1000x80xi32>
    %jit3A = arith.constant 10 : i32
    %eq3A = arith.constant 0 : i32
    %eq3A_21 = arith.cmpi eq, %jit3A, %eq3A : i32
    %jit3A_22 = arith.constant 1 : i32
    %select_n3A = arith.select %eq3A_21, %jit3A_22, %jit3A : i32
    %rem3A = vector.broadcast %select_n3A : i32 to vector<1000x80xi32>
    %rem3A_23 = arith.remsi %iota3A, %rem3A : vector<1000x80xi32>
    %ne3A = arith.constant 0 : i32
    %ne3A_24 = vector.broadcast %ne3A : i32 to vector<1000x80xi32>
    %ne3A_25 = arith.cmpi ne, %rem3A_23, %ne3A_24 : vector<1000x80xi32>
    %lt3A = arith.constant 0 : i32
    %lt3A_26 = vector.broadcast %lt3A : i32 to vector<1000x80xi32>
    %lt3A_27 = arith.cmpi slt, %rem3A_23, %lt3A_26 : vector<1000x80xi32>
    %lt3A_28 = arith.constant 0 : i32
    %lt3A_29 = arith.cmpi slt, %select_n3A, %lt3A_28 : i32
    %ne3A_30 = vector.broadcast %lt3A_29 : i1 to vector<1000x80xi1>
    %ne3A_31 = vector.broadcast %ne3A_30 : vector<1000x80xi1> to vector<1000x80xi1>
    %ne3A_32 = arith.xori %lt3A_27, %ne3A_31 : vector<1000x80xi1>
    %and3A = arith.andi %ne3A_32, %ne3A_25 : vector<1000x80xi1>
    %add3A = vector.broadcast %select_n3A : i32 to vector<1000x80xi32>
    %add3A_33 = arith.addi %rem3A_23, %add3A : vector<1000x80xi32>
    %select_n3A_34 = arith.select %and3A, %add3A_33, %rem3A_23 : vector<1000x80xi1>, vector<1000x80xi32>
    %eq3A_35 = arith.constant 9 : i32
    %eq3A_36 = vector.broadcast %eq3A_35 : i32 to vector<1000x80xi32>
    %eq3A_37 = arith.cmpi eq, %select_n3A_34, %eq3A_36 : vector<1000x80xi32>
    %jit3A_38 = arith.constant 1.000000e+00 : f32
    %jit3A_39 = arith.constant 0.000000e+00 : f32
    %broadcast_in_dim3A = vector.broadcast %jit3A_38 : f32 to vector<1000x80xf32>
    %broadcast_in_dim3A_40 = vector.broadcast %jit3A_39 : f32 to vector<1000x80xf32>
    %select_n3A_41 = arith.select %eq3A_37, %broadcast_in_dim3A, %broadcast_in_dim3A_40 : vector<1000x80xi1>, vector<1000x80xf32>
    %add3A_42 = arith.addf %dot_general3A_5, %select_n3A_41 : vector<1000x80xf32>
    %swap3A_43 = arith.constant 0 : index
    %swap3A_44 = arith.constant 0 : index
    %swap3A_45 = vector.load %arg6[%swap3A_43, %swap3A_44] : memref<1000x80xf32, #tpu.memory_space<vmem>>, vector<1000x80xf32>
    tpu.vector_store %arg6[%swap3A_43, %swap3A_44], %add3A_42 {strides = array<i32>} : memref<1000x80xf32, #tpu.memory_space<vmem>>, vector<1000x80xf32>,
    %eq3A_46 = arith.constant 0 : i32
    %eq3A_47 = arith.cmpi eq, %arg0, %eq3A_46 : i32
    %convert_element_type3A = arith.extui %eq3A_47 : i1 to i32
    %cond3A = arith.constant 0 : i32
    %cond3A_48 = arith.cmpi ne, %convert_element_type3A, %cond3A : i32
    scf.if %cond3A_48 {
      %get3A_49 = arith.constant 1 : index
      %get3A_50 = arith.constant 0 : index
      %get3A_51 = vector.load %arg5[%get3A_49, %get3A_50] : memref<2x320000xi32, #tpu.memory_space<vmem>>, vector<1x320000xi32>
      %get3A_52 = vector.shape_cast %get3A_51 : vector<1x320000xi32> to vector<320000xi32>
      %shift_left3A = arith.constant 16 : i32
      %shift_left3A_53 = vector.broadcast %shift_left3A : i32 to vector<320000xi32>
      %shift_left3A_54 = arith.shli %get3A_52, %shift_left3A_53 : vector<320000xi32>
      %get3A_55 = arith.constant 0 : index
      %get3A_56 = arith.constant 0 : index
      %get3A_57 = vector.load %arg5[%get3A_55, %get3A_56] : memref<2x320000xi32, #tpu.memory_space<vmem>>, vector<1x320000xi32>
      %get3A_58 = vector.shape_cast %get3A_57 : vector<1x320000xi32> to vector<320000xi32>
      %and3A_59 = arith.constant 65535 : i32
      %and3A_60 = vector.broadcast %and3A_59 : i32 to vector<320000xi32>
      %and3A_61 = arith.andi %get3A_58, %and3A_60 : vector<320000xi32>
      %or3A = arith.ori %shift_left3A_54, %and3A_61 : vector<320000xi32>
      %swap3A_62 = arith.constant 0 : index
      %swap3A_63 = vector.load %arg9[%swap3A_62] : memref<320000xi32, #tpu.memory_space<vmem>>, vector<320000xi32>
      tpu.vector_store %arg9[%swap3A_62], %or3A {strides = array<i32>} : memref<320000xi32, #tpu.memory_space<vmem>>, vector<320000xi32>,
    } else {
    }
    return
  }
  func.func @transform_0(%arg0: i32) -> (i32, i32) {
    %c0_i32 = arith.constant 0 : i32
    %c0_i32_0 = arith.constant 0 : i32
    return %arg0, %c0_i32 : i32, i32
  }
  func.func @transform_1(%arg0: i32) -> (i32, i32) {
    %c0_i32 = arith.constant 0 : i32
    %c0_i32_0 = arith.constant 0 : i32
    %c0_i32_1 = arith.constant 0 : i32
    return %c0_i32, %c0_i32_0 : i32, i32
  }
  func.func @transform_2(%arg0: i32) -> (i32, i32) {
    %c0_i32 = arith.constant 0 : i32
    %c0_i32_0 = arith.constant 0 : i32
    %c0_i32_1 = arith.constant 0 : i32
    return %c0_i32, %c0_i32_0 : i32, i32
  }
  func.func @transform_3(%arg0: i32) -> (i32, i32) {
    %c0_i32 = arith.constant 0 : i32
    %c0_i32_0 = arith.constant 0 : i32
    %c0_i32_1 = arith.constant 0 : i32
    return %c0_i32, %c0_i32_0 : i32, i32
  }
  func.func @transform_4(%arg0: i32) -> (i32, i32) {
    %c0_i32 = arith.constant 0 : i32
    %c0_i32_0 = arith.constant 0 : i32
    %c0_i32_1 = arith.constant 0 : i32
    return %c0_i32, %c0_i32_0 : i32, i32
  }
  func.func @transform_5(%arg0: i32) -> (i32, i32) {
    %c0_i32 = arith.constant 0 : i32
    %c0_i32_0 = arith.constant 0 : i32
    return %arg0, %c0_i32 : i32, i32
  }
  func.func @transform_6(%arg0: i32) -> (i32, i32) {
    %c0_i32 = arith.constant 0 : i32
    %c0_i32_0 = arith.constant 0 : i32
    return %arg0, %c0_i32 : i32, i32
  }
  func.func @transform_7(%arg0: i32) -> (i32, i32) {
    %c0_i32 = arith.constant 0 : i32
    %c0_i32_0 = arith.constant 0 : i32
    return %arg0, %c0_i32 : i32, i32
  }
  func.func @transform_8(%arg0: i32) -> i32 {
    %c0_i32 = arith.constant 0 : i32
    %c0_i32_0 = arith.constant 0 : i32
    return %c0_i32 : i32
  }
}

module attributes {stable_mosaic.version = 14 : i64} {
  func.func @_final_body(%arg0: i32, %arg1: memref<2x1000x128xf32, #tpu.memory_space<vmem>>, %arg2: memref<80x16xf32, #tpu.memory_space<vmem>>, %arg3: memref<16x80xf32, #tpu.memory_space<vmem>>, %arg4: memref<80x16xf32, #tpu.memory_space<vmem>>, %arg5: memref<1x16xf32, #tpu.memory_space<vmem>>, %arg6: memref<1000x9xf32, #tpu.memory_space<vmem>>) attributes {dimension_semantics = [#tpu.dimension_semantics<arbitrary>], iteration_bounds = array<i64: 10>, scalar_prefetch = 0 : i64, scratch_operands = 0 : i64, tpu.core_type = #tpu.core_type<tc>, window_params = [{transform_indices = @transform_0, window_bounds = array<i64: 2, 1000, 128>}, {pipeline_mode = #tpu.pipeline_mode<synchronous>, transform_indices = @transform_1, window_bounds = array<i64: 80, 16>}, {pipeline_mode = #tpu.pipeline_mode<synchronous>, transform_indices = @transform_2, window_bounds = array<i64: 16, 80>}, {pipeline_mode = #tpu.pipeline_mode<synchronous>, transform_indices = @transform_3, window_bounds = array<i64: 80, 16>}, {pipeline_mode = #tpu.pipeline_mode<synchronous>, transform_indices = @transform_4, window_bounds = array<i64: 1, 16>}, {transform_indices = @transform_5, window_bounds = array<i64: 1000, 9>}]} {
    %get3A = arith.constant 0 : index
    %get3A_0 = arith.constant 0 : index
    %get3A_1 = arith.constant 0 : index
    %get3A_2 = vector.load %arg1[%get3A, %get3A_0, %get3A_1] : memref<2x1000x128xf32, #tpu.memory_space<vmem>>, vector<1x1000x80xf32>
    %get3A_3 = vector.shape_cast %get3A_2 : vector<1x1000x80xf32> to vector<1000x80xf32>
    %get3A_4 = arith.constant 1 : index
    %get3A_5 = arith.constant 0 : index
    %get3A_6 = arith.constant 0 : index
    %get3A_7 = vector.load %arg1[%get3A_4, %get3A_5, %get3A_6] : memref<2x1000x128xf32, #tpu.memory_space<vmem>>, vector<1x1000x80xf32>
    %get3A_8 = vector.shape_cast %get3A_7 : vector<1x1000x80xf32> to vector<1000x80xf32>
    %add3A = arith.addf %get3A_3, %get3A_8 : vector<1000x80xf32>
    %get3A_9 = arith.constant 0 : index
    %get3A_10 = arith.constant 0 : index
    %get3A_11 = vector.load %arg2[%get3A_9, %get3A_10] : memref<80x16xf32, #tpu.memory_space<vmem>>, vector<80x16xf32>
    %dot_general3A = arith.constant dense<0.000000e+00> : vector<1000x16xf32>
    %dot_general3A_12 = tpu.matmul %add3A, %get3A_11, %dot_general3A {dimension_numbers = #tpu.dot_dimension_numbers<[1], [0], [0], [1], [0, 0, 1, 1], [], []>, transpose_lhs_hint = false} : vector<1000x80xf32>, vector<80x16xf32>, vector<1000x16xf32> -> vector<1000x16xf32>
    %add3A_13 = arith.constant 1.000000e-16 : f32
    %add3A_14 = vector.broadcast %add3A_13 : f32 to vector<1000x16xf32>
    %add3A_15 = arith.addf %dot_general3A_12, %add3A_14 : vector<1000x16xf32>
    %div3A = arith.constant 1.000000e+00 : f32
    %div3A_16 = vector.broadcast %div3A : f32 to vector<1000x16xf32>
    %div3A_17 = arith.divf %div3A_16, %add3A_15 : vector<1000x16xf32>
    %get3A_18 = arith.constant 0 : index
    %get3A_19 = arith.constant 0 : index
    %get3A_20 = vector.load %arg3[%get3A_18, %get3A_19] : memref<16x80xf32, #tpu.memory_space<vmem>>, vector<16x80xf32>
    %dot_general3A_21 = arith.constant dense<0.000000e+00> : vector<1000x80xf32>
    %dot_general3A_22 = tpu.matmul %div3A_17, %get3A_20, %dot_general3A_21 {dimension_numbers = #tpu.dot_dimension_numbers<[1], [0], [0], [1], [0, 0, 1, 1], [], []>, transpose_lhs_hint = false} : vector<1000x16xf32>, vector<16x80xf32>, vector<1000x80xf32> -> vector<1000x80xf32>
    %mul3A = arith.mulf %add3A, %dot_general3A_22 : vector<1000x80xf32>
    %get3A_23 = arith.constant 0 : index
    %get3A_24 = arith.constant 0 : index
    %get3A_25 = vector.load %arg4[%get3A_23, %get3A_24] : memref<80x16xf32, #tpu.memory_space<vmem>>, vector<80x16xf32>
    %dot_general3A_26 = arith.constant dense<0.000000e+00> : vector<1000x16xf32>
    %dot_general3A_27 = tpu.matmul %mul3A, %get3A_25, %dot_general3A_26 {dimension_numbers = #tpu.dot_dimension_numbers<[1], [0], [0], [1], [0, 0, 1, 1], [], []>, transpose_lhs_hint = false} : vector<1000x80xf32>, vector<80x16xf32>, vector<1000x16xf32> -> vector<1000x16xf32>
    %get3A_28 = arith.constant 0 : index
    %get3A_29 = arith.constant 0 : index
    %get3A_30 = vector.load %arg5[%get3A_28, %get3A_29] : memref<1x16xf32, #tpu.memory_space<vmem>>, vector<1x16xf32>
    %add3A_31 = vector.broadcast %get3A_30 : vector<1x16xf32> to vector<1000x16xf32>
    %add3A_32 = arith.addf %dot_general3A_27, %add3A_31 : vector<1000x16xf32>
    %iota3A = tpu.iota {dimensions = array<i32: 1>} : vector<1000x16xi32>
    %lt3A = arith.constant 9 : i32
    %lt3A_33 = vector.broadcast %lt3A : i32 to vector<1000x16xi32>
    %lt3A_34 = arith.cmpi slt, %iota3A, %lt3A_33 : vector<1000x16xi32>
    %jit3A = arith.constant 0xFF800000 : f32
    %broadcast_in_dim3A = vector.broadcast %jit3A : f32 to vector<1000x16xf32>
    %select_n3A = arith.select %lt3A_34, %add3A_32, %broadcast_in_dim3A : vector<1000x16xi1>, vector<1000x16xf32>
    %reduce_max3A = arith.constant dense<0xFF800000> : vector<1000xf32>
    %reduce_max3A_35 = vector.multi_reduction <maximumf>, %select_n3A, %reduce_max3A [1] : vector<1000x16xf32> to vector<1000xf32>
    %broadcast_in_dim3A_36 = vector.shape_cast %reduce_max3A_35 : vector<1000xf32> to vector<1000x1xf32>
    %sub3A = vector.broadcast %broadcast_in_dim3A_36 : vector<1000x1xf32> to vector<1000x16xf32>
    %sub3A_37 = arith.subf %select_n3A, %sub3A : vector<1000x16xf32>
    %exp3A = math.exp %sub3A_37 : vector<1000x16xf32>
    %reduce_sum3A = arith.constant dense<0.000000e+00> : vector<1000xf32>
    %reduce_sum3A_38 = vector.multi_reduction <add>, %exp3A, %reduce_sum3A [1] : vector<1000x16xf32> to vector<1000xf32>
    %broadcast_in_dim3A_39 = vector.shape_cast %reduce_sum3A_38 : vector<1000xf32> to vector<1000x1xf32>
    %sub3A_40 = vector.broadcast %broadcast_in_dim3A_36 : vector<1000x1xf32> to vector<1000x16xf32>
    %sub3A_41 = arith.subf %select_n3A, %sub3A_40 : vector<1000x16xf32>
    %log3A = math.log %broadcast_in_dim3A_39 : vector<1000x1xf32>
    %sub3A_42 = vector.broadcast %log3A : vector<1000x1xf32> to vector<1000x16xf32>
    %sub3A_43 = arith.subf %sub3A_41, %sub3A_42 : vector<1000x16xf32>
    %slice3A = vector.extract_strided_slice %sub3A_43 {offsets = [0, 0], sizes = [1000, 9], strides = [1, 1]} : vector<1000x16xf32> to vector<1000x9xf32>
    %swap3A = arith.constant 0 : index
    %swap3A_44 = arith.constant 0 : index
    %swap3A_45 = vector.load %arg6[%swap3A, %swap3A_44] : memref<1000x9xf32, #tpu.memory_space<vmem>>, vector<1000x9xf32>
    tpu.vector_store %arg6[%swap3A, %swap3A_44], %slice3A {strides = array<i32>} : memref<1000x9xf32, #tpu.memory_space<vmem>>, vector<1000x9xf32>,
    return
  }
  func.func @transform_0(%arg0: i32) -> (i32, i32, i32) {
    %c0_i32 = arith.constant 0 : i32
    %c0_i32_0 = arith.constant 0 : i32
    %c0_i32_1 = arith.constant 0 : i32
    return %c0_i32, %arg0, %c0_i32_0 : i32, i32, i32
  }
  func.func @transform_1(%arg0: i32) -> (i32, i32) {
    %c0_i32 = arith.constant 0 : i32
    %c0_i32_0 = arith.constant 0 : i32
    %c0_i32_1 = arith.constant 0 : i32
    return %c0_i32, %c0_i32_0 : i32, i32
  }
  func.func @transform_2(%arg0: i32) -> (i32, i32) {
    %c0_i32 = arith.constant 0 : i32
    %c0_i32_0 = arith.constant 0 : i32
    %c0_i32_1 = arith.constant 0 : i32
    return %c0_i32, %c0_i32_0 : i32, i32
  }
  func.func @transform_3(%arg0: i32) -> (i32, i32) {
    %c0_i32 = arith.constant 0 : i32
    %c0_i32_0 = arith.constant 0 : i32
    %c0_i32_1 = arith.constant 0 : i32
    return %c0_i32, %c0_i32_0 : i32, i32
  }
  func.func @transform_4(%arg0: i32) -> (i32, i32) {
    %c0_i32 = arith.constant 0 : i32
    %c0_i32_0 = arith.constant 0 : i32
    %c0_i32_1 = arith.constant 0 : i32
    return %c0_i32, %c0_i32_0 : i32, i32
  }
  func.func @transform_5(%arg0: i32) -> (i32, i32) {
    %c0_i32 = arith.constant 0 : i32
    %c0_i32_0 = arith.constant 0 : i32
    return %arg0, %c0_i32 : i32, i32
  }
}

</mosaic_0001>

<sc_bundles>
// kernel: kernel.5.cloned.1.call-start
scs
__scs_entry_jumppad:
0x0: {  	(pc) =	sbr.rel $0x88, $3  }
0x1: {  	(tag) =	ssettag $0x0;
	lr =	simm.s32 $0x1  }
0x2: {  	[smem:$0x3F9B] =	sst lr;
	_ =	strace $0xD0000000  }
0x3: {  	_ = 	snop  }
0x4: {  	_ = 	snop  }
0x5: {  	_ = 	snop  }
0x6: {  	_ = 	snop  }
0x7: {  	_ = 	snop  }
__scs_overlays_trampoline_lowered:
0x8: {  	[smem:$0x3FAA] =	sst s0  }
0x9: {  	[smem:$0x3FAB] =	sst s1  }
0xa: {  	[smem:$0x3FAC] =	sst s2  }
0xb: {  	[smem:$0x3FAD] =	sst s3  }
0xc: {  	[smem:$0x3FAE] =	sst s4  }
0xd: {  	[smem:$0x3FAF] =	sst s5  }
0xe: {  	[smem:$0x3FB0] =	sst s6  }
0xf: {  	[smem:$0x3FB1] =	sst s7  }
0x10: {  	[smem:$0x3FB2] =	sst s8  }
0x11: {  	[smem:$0x3FB3] =	sst s9;
	s0 =	simm.s32 @!p0 $0x0  }
0x12: {  	s1 =	sld [smem:$0x3F99];
	s0 =	simm.s32 @p0 $0x1  }
0x13: {  	[smem:$0x3FB4] =	sst s0;
	s0 =	simm.s32 @!p1 $0x0  }
0x14: {  	s2 =	sld [smem:$0x3F98];
	s0 =	simm.s32 @p1 $0x1  }
0x15: {  	[smem:$0x3FB5] =	sst s0;
	s0 =	simm.s32 @!p2 $0x0  }
0x16: {  	s3 =	sld [smem:$0x3FDB];
	s0 =	simm.s32 @p2 $0x1  }
0x17: {  	s4 =	simm.s32 $0x1BF5;
	[smem:$0x3FB7] =	sst s0  }
0x18: {  	s0 =	sld [smem:$0x3F9A];
	_ =	swait.ge [sflag:s4], $0x0  }
0x19: {  	s7 =	sld [smem:$0x3F9B]  }
0x1a: {  	s8 =	sadd.s32 $0xFFFFE003, lr  }
0x1b: {  	s9 =	sadd.s32 $0xFFFFFEF7, lr;
	s5 =	simm.s32 $0xFFFFFFFF;
	p2 =	slt.u32 s8, $0xFFFFF086  }
0x1c: {  	p1 =	slt.u32 s9, $0xF7A;
	s5 =	simm.s32 @!p2 $0x0  }
0x1d: {  	s5 =	simm.s32 @p1 $0x1;
	p0 =	seq.s32 s7, s2  }
0x1e: {  	s7 =	smul.u32 @!p0 $0xF7A, s2;
	p2 =	seq.s32 @!p0 s5, $0x0  }
0x1f: {  	s9 =	smul.u32 $0xF7A, s1;
	s8 =	simm.s32 @!p0 $0x1BF5;
	p2 =	por !p2, p0  }
0x20: {  	[sflag:s8] =	ssyncset.s32 @!p0 $0xFFFFF086;
	s6 =	sadd.s32 @!p0 s3, s7;
	s7 =	simm.s32 @!p0 $0x108  }
0x21: {  	s3 =	sadd.s32 s3, s9;
	s6 =	sadd.s32 @!p0 $0x88, s6;
	s7 =	simm.s32 @p2 $0x1082  }
0x22: {  	[simem:s7], [sflag:s8] =	dma.local @!p0 [hbm:s6], $0xF7A  }
0x23: {  	s9 =	sor.u32 $0xD0000000, s2;
	s6 =	simm.s32 $0x108;
	_ =	swait.ge @!p0 [sflag:s8], $0x0  }
0x24: {  	s3 =	sadd.s32 $0x88, s3;
	s6 =	simm.s32 @!p1 $0x1082;
	[sflag:s4] =	ssyncset.s32 $0xFFFFF086  }
0x25: {  	[simem:s6], [sflag:s4] =	dma.local [hbm:s3], $0xF7A  }
0x26: {  	[smem:$0x3F9B] =	sst s1;
	(tag) =	ssettag s2;
	_ =	strace s9  }
0x27: {  	s1 =	sld [smem:$0x3FAB]  }
0x28: {  	s2 =	sld [smem:$0x3FAC]  }
0x29: {  	s4 =	sld [smem:$0x3FAE]  }
0x2a: {  	p0 =	seq.s32 s5, $0x0;
	s5 =	sld [smem:$0x3FAF]  }
0x2b: {  	s6 =	sld [smem:$0x3FB0]  }
0x2c: {  	s7 =	sld [smem:$0x3FB1]  }
0x2d: {  	s3 =	simm.s32 $0x108;
	s8 =	sld [smem:$0x3FB2]  }
0x2e: {  	s3 =	simm.s32 @!p0 $0x1082;
	s9 =	sld [smem:$0x3FB3]  }
0x2f: {  	lr =	sadd.s32 s0, s3;
	s0 =	sld [smem:$0x3FAA]  }
0x30: {  	s3 =	sld [smem:$0x3FAD]  }
0x31: {  	[smem:$0x3FB6] =	sst s10  }
0x32: {  	s10 =	sld [smem:$0x3FB4];
	_ =	sdelay $0x3  }
0x33: {  	p0 =	seq.s32 s10, $0x1;
	s10 =	sld [smem:$0x3FB6];
	_ =	sdelay $0x3  }
0x34: {  	[smem:$0x3FB6] =	sst s10  }
0x35: {  	s10 =	sld [smem:$0x3FB5];
	_ =	sdelay $0x3  }
0x36: {  	p1 =	seq.s32 s10, $0x1;
	s10 =	sld [smem:$0x3FB6];
	_ =	sdelay $0x3  }
0x37: {  	[smem:$0x3FB6] =	sst s10  }
0x38: {  	s10 =	sld [smem:$0x3FB7]  }
0x39: {  	_ = 	snop;
	(pc) =	sbr.ind lr, $3  }
0x3a: {  	_ = 	snop  }
0x3b: {  	_ = 	snop  }
0x3c: {  	p2 =	seq.s32 s10, $0x1;
	s10 =	sld [smem:$0x3FB6]  }
0x3d: {  	_ =	shalt  }
0x3e: {  	_ =	shalt  }
0x3f: {  	_ =	shalt  }
0x40: {  	_ =	shalt  }
0x41: {  	_ =	shalt  }
0x42: {  	_ =	shalt  }
0x43: {  	_ =	shalt  }
0x44: {  	_ =	shalt  }
0x45: {  	_ =	shalt  }
0x46: {  	_ =	shalt  }
0x47: {  	_ =	shalt  }
0x48: {  	_ =	shalt  }
0x49: {  	_ =	shalt  }
0x4a: {  	_ =	shalt  }
0x4b: {  	_ =	shalt  }
0x4c: {  	_ =	shalt  }
0x4d: {  	_ =	shalt  }
0x4e: {  	_ =	shalt  }
0x4f: {  	_ =	shalt  }
0x50: {  	_ =	shalt  }
0x51: {  	_ =	shalt  }
0x52: {  	_ =	shalt  }
0x53: {  	_ =	shalt  }
0x54: {  	_ =	shalt  }
0x55: {  	_ =	shalt  }
0x56: {  	_ =	shalt  }
0x57: {  	_ =	shalt  }
0x58: {  	_ =	shalt  }
0x59: {  	_ =	shalt  }
0x5a: {  	_ =	shalt  }
0x5b: {  	_ =	shalt  }
0x5c: {  	_ =	shalt  }
0x5d: {  	_ =	shalt  }
0x5e: {  	_ =	shalt  }
0x5f: {  	_ =	shalt  }
0x60: {  	_ =	shalt  }
0x61: {  	_ =	shalt  }
0x62: {  	_ =	shalt  }
0x63: {  	_ =	shalt  }
0x64: {  	_ =	shalt  }
0x65: {  	_ =	shalt  }
0x66: {  	_ =	shalt  }
0x67: {  	_ =	shalt  }
0x68: {  	_ =	shalt  }
0x69: {  	_ =	shalt  }
0x6a: {  	_ =	shalt  }
0x6b: {  	_ =	shalt  }
0x6c: {  	_ =	shalt  }
0x6d: {  	_ =	shalt  }
0x6e: {  	_ =	shalt  }
0x6f: {  	_ =	shalt  }
0x70: {  	_ =	shalt  }
0x71: {  	_ =	shalt  }
0x72: {  	_ =	shalt  }
0x73: {  	_ =	shalt  }
0x74: {  	_ =	shalt  }
0x75: {  	_ =	shalt  }
0x76: {  	_ =	shalt  }
0x77: {  	_ =	shalt  }
0x78: {  	_ =	shalt  }
0x79: {  	_ =	shalt  }
0x7a: {  	_ =	shalt  }
0x7b: {  	_ =	shalt  }
0x7c: {  	_ =	shalt  }
0x7d: {  	_ =	shalt  }
0x7e: {  	_ =	shalt  }
0x7f: {  	_ =	shalt  }
0x80: {  	_ =	shalt  }
0x81: {  	_ =	shalt  }
0x82: {  	_ =	shalt  }
0x83: {  	_ =	shalt  }
0x84: {  	_ =	shalt  }
0x85: {  	_ =	shalt  }
0x86: {  	_ =	shalt  }
0x87: {  	_ =	shalt  }
.Lfunc_end0:
.L_simem_size_0:
called_computation_lowered:
.L_overlay_start_0:
0x88: {  	s2 =	sld [smem:$0x3FD9]  }
0x89: {  	s3 =	sld [smem:$0x3FFE];
	_ =	sdelay $0x1  }
0x8a: {  	s1 =	srdreg.scid  }
0x8b: {  	s0 =	sand.u32 $0x1, s1  }
0x8c: {  	s17 =	sshll.u32 s0, $0xA;
	s2 =	sadd.s32 s3, s2  }
0x8d: {  	s2 =	sadd.s32 s2, s17  }
0x8e: {  	[smem:$0x3FC2] =	sst s2  }
0x8f: {  	_ = 	snop  }
0x90: {  	s2 =	sld [smem:$0x3FD0];
	(tm) =	ssettm $0x1  }
0x91: {  	s18 =	sld [smem:$0x3FFB];
	_ =	sdelay $0x3  }
0x92: {  	_ =	strace s18  }
0x93: {  	s3 =	sld [smem:$0x3FFC];
	_ =	sdelay $0x3  }
0x94: {  	_ =	strace s3  }
0x95: {  	s3 =	sld [smem:$0x3FFD];
	_ =	sdelay $0x3  }
0x96: {  	_ =	strace s3  }
0x97: {  	_ =	strace $0x8FFFFFFF  }
0x98: {  	s19 =	sld [smem:$0x3FDB];
	_ =	sdelay $0x1  }
0x99: {  	s4 =	simm.s32 $_scs_section_size  }
0x9a: {  	s5 =	simm.s32 $_size__tile_overlayer_lowered;
	s6 =	simm.s32 $_tile_overlayer_lowered  }
0x9b: {  	s22 =	simm.s32 $0x1BFF;
	s21 =	sshll.u32 s6, $0x1;
	s3 =	sadd.s32 s4, s19  }
0x9c: {  	s7 =	simm.s32 $0x0;
	s20 =	sshll.u32 s5, $0x1;
	s5 =	sadd.s32 s21, s3  }
0x9d: {  	[timem:s7], [sflag:s22] =	dma.local [hbm:s5], s20  }
0x9e: {  	_ =	swait.ge [sflag:s22], s20  }
0x9f: {  	s4 =	ssub.s32 $0x0, s20;
	[sflag:s22] =	ssyncset.done $0x0  }
0xa0: {  	[sflag:s22] =	ssyncadd.s32 s4;
	_ =	sdelay $0x1  }
0xa1: {  	s23 =	simm.s32 $0x1B8B  }
0xa2: {  	_ =	swait.ge [sflag:s23], $0x1  }
0xa3: {  	[sflag:s23] =	ssyncset.done $0x0  }
0xa4: {  	s25 =	simm.s32 $0x1B8E;
	s24 =	sld [smem:$0x3FFE];
	[sflag:s23] =	ssyncadd.s32 $0xFFFFFFFF  }
0xa5: {  	s26 =	simm.s32 $execute0_lowered;
	[smem:$0x3FD2] =	sst s25  }
0xa6: {  	s5 =	sshll.u32 s26, $0x1;
	_ =	strace $0x80000046;
	[dreg:$0x1] =	wrdreg $0xFFFFFFFF  }
0xa7: {  	s28 =	simm.s32 $_size_execute0_lowered;
	s3 =	sadd.s32 s3, s5;
	[dreg:$0x0] =	wrdreg $0x0  }
0xa8: {  	s5 =	sshll.u32 s28, $0x1;
	[dreg:$0x2] =	wrdreg s3  }
0xa9: {  	[dreg:$0x3] =	wrdreg s5  }
0xaa: {  	[dreg:$0x4] =	wrdreg $0xC0  }
0xab: {  	_ =	task [dreg:s7], $0x5FFFF  }
0xac: {  	[dreg:$0x1] =	wrdreg $0xFFFFFFFF  }
0xad: {  	[dreg:$0x0] =	wrdreg $0x60  }
0xae: {  	[dreg:$0x2] =	wrdreg s24  }
0xaf: {  	[dreg:$0x3] =	wrdreg s2  }
0xb0: {  	[dreg:$0x4] =	wrdreg $0x121800  }
0xb1: {  	[dreg:$0x5] =	wrdreg $0x9  }
0xb2: {  	_ =	task.clear_ibuf [dreg:s7], $0x6FFFF;
	_ =	strace $0x90000046  }
0xb3: {  	s29 =	simm.s32 $0x9;
	_ =	strace $0x80000048  }
0xb4: {  	_ =	swait.ge [sflag:s29], $0x1  }
0xb5: {  	[sflag:s29] =	ssyncadd.s32 $0xFFFFFFFF  }
0xb6: {  	_ =	strace $0x90000048  }
0xb7: {  	_ =	sfence  }
0xb8: {  	s30 =	sld [smem:$0x0];
	_ =	sdelay $0x2  }
0xb9: {  	s31 =	sshll.u32 s1, $0xD;
	s1 =	sshrl.u32 s1, $0x2  }
0xba: {  	s3 =	sand.u32 $0x4000, s31;
	s1 =	sadd.s32 s1, s30  }
0xbb: {  	s0 =	sor.u32 s3, s0;
	s1 =	sshll.u32 s1, $0x11  }
0xbc: {  	s0 =	sor.u32 s1, s0  }
0xbd: {  	s0 =	sadd.s32 $0x8F2B, s0  }
0xbe: {  	[sflag:s0] =	ssyncadd.remote.s32 $0x1  }
0xbf: {  	_ =	sfence.sel $0xFFFF  }
0xc0: {  	[dreg:$0x0] =	wrdreg $0xFFFFFFFF;
	(pc) =	sbr.abs _section_cstart, $3  }
0xc1: {  	[dreg:$0x1] =	wrdreg $0xFFFFFFFF  }
0xc2: {  	_ =	task.clear_ibuf [dreg:s7], $0x2FFFF;
	_ =	strace $0x9FFFFFFF  }
0xc3: {  	(tm) =	ssettm $0x7FFFFFFF  }
tec
execute0_lowered:
.L_overlay_start_1:
0x0: {  	(tag) =	ssettag $0x1  }
0x1: {  	s1 =	rddreg [dreg:$0x0]  }
0x2: {  	s0 =	srdreg.scid;
	s2 =	rddreg [dreg:$0x1]  }
0x3: {  	s9 =	stileid.u32;
	s3 =	rddreg [dreg:$0x2];
	s11 =	simm.s32 $0x0  }
0x4: {  	s18 =	simm.s32 $0xA980;
	s19 =	simm.s32 $0xA;
	s28 =	simm.s32 $0x5180  }
0x5: {  	s30 =	simm.s32 $0xD180;
	s31 =	simm.s32 $0x1;
	s29 =	simm.s32 $0x2  }
0x6: {  	s0 =	sand.u32 $0x1, s0;
	[smem:$0x7FF] =	sst s11;
	s8 =	smul.u32 $0x13C00, s9  }
0x7: {  	s6 =	sadd.s32 $0x1FA00, s1;
	s20 =	sadd.s32 $0x1FAB0, s1;
	s4 =	sshll.u32 s0, $0x4  }
0x8: {  	s7 =	smul.u32 $0x13C000, s0;
	_ =	strace $0x80000047;
	[dreg:$0x5] =	wrdreg s6  }
0x9: {  	s6 =	sadd.s32 $0x6E00, s1;
	s0 =	ssub.s32 $0x2, s0;
	[dreg:$0x6] =	wrdreg s20  }
0xa: {  	s20 =	simm.s32 $0x80;
	s4 =	sor.u32 s9, s4;
	s9 =	smul.u32 $0x31600, s9  }
0xb: {  	s10 =	sshrl.u32 s0, $0x1;
	s5 =	smul.u32 $0x510, s4;
	s8 =	sadd.s32 s8, s7  }
0xc: {  	s7 =	sadd.s32 $0x1E00, s1;
	s0 =	ssub.s32 s0, s10;
	s8 =	sshrl.u32 s8, $0x3  }
0xd: {  	s9 =	sshrl.u32 s9, $0x2;
	s0 =	smax.u32 s0, $0x1;
	s5 =	sadd.s32 s5, s1  }
0xe: {  	s8 =	sadd.s32 s8, s1;
	s1 =	sadd.s32 $0x32DE0, s1;
	[dreg:$0xf] =	wrdreg s0  }
0xf: {  	p0 =	sgt.u32 s4, $0x1D;
	s16 =	sadd.s32 s9, s3;
	[dreg:$0x7] =	wrdreg s1  }
0x10: {  	p2 =	sne.s32 @p0 s4, $0x1E;
	s21 =	sadd.s32 $0x29600, s5;
	[dreg:$0x8] =	wrdreg s16  }
0x11: {  	p1 =	por !p2, !p0;
	s22 =	sadd.s32 $0x2800, s16;
	[dreg:$0x9] =	wrdreg s21  }
0x12: {  	vm0 =	vcmask $0x2700;
	v0 =	vimm.s32 $0x1;
	p2 =	por p2, !p0;
	s23 =	sadd.s32 $0x5000, s16;
	[dreg:$0xa] =	wrdreg s22  }
0x13: {  	vm1 =	vcmask $0xF00;
	v1 =	vimm.s32 $0x3;
	v2 =	vimm.s32 $0x5050404;
	s0 =	simm.s32 $0x5;
	s24 =	sadd.s32 $0x7800, s16;
	[dreg:$0xb] =	wrdreg s23  }
0x14: {  	vm2 =	vcmask $0x3710;
	v3 =	vlaneseq.u32;
	vm14 =	vcmask $0x2F10;
	s9 =	simm.s32 $0x9;
	s25 =	sadd.s32 $0xA000, s16;
	[dreg:$0xc] =	wrdreg s24  }
0x15: {  	v5 =	vimm.s32 $0x7;
	vm15 =	vcmask $0x1700;
	v2 =	vunpack.c.0.s8.s32 v2;
	s26 =	sadd.s32 $0x33400, s8;
	s1 =	simm.s32 $0x4;
	[dreg:$0xd] =	wrdreg s25  }
0x16: {  	v1 =	vsel vm1, $0x1, v1;
	v0 =	vsel vm0, $0x0, v0;
	v4 =	vshrl.u32 v3, $0x3;
	s5 =	simm.s32 $0x8;
	s8 =	simm.s32 $0x6;
	[dreg:$0xe] =	wrdreg s26  }
0x17: {  	v3 =	vimm.f32 $0.0e+00;
	v5 =	vsel vm15, $0x6, v5;
	v2 =	vnsel vm1, $0x6, v2;
	s25 =	simm.s32 $0x2900;
	s22 =	simm.s32 $0x7;
	s23 =	simm.s32 $0x8980  }
0x18: {  	v1 =	vsel vm2, $0x2, v1;
	v4 =	vadd.s32 $0x3, v4;
	v2 =	vsel vm14, $0x5, v2;
	s24 =	simm.s32 $0xA180;
	s26 =	simm.s32 $0xF980;
	s21 =	simm.s32 $0x3  }
.LBB2_1:
0x19: {  	s4 =	simm.s32 @!p1 $0x0;
	s10 =	rddreg [dreg:$0x6]  }
0x1a: {  	[tilespmem:s4], [sflag:$0xA] =	stream.linear.gather @!p1 [hbm4b:s10+s4], $0x2880, $0x38;
	[tilespmem:$0x1E700] =	vst v63  }
0x1b: {  	[dreg:$0x4] =	wrdreg s11;
	s4 =	simm.s32 @!p1 $0xA  }
0x1c: {  	_ =	swait.ge @!p1 [sflag:s4], $0x2880  }
0x1d: {  	[sflag:s4] =	ssyncset.done @!p1 $0x0  }
0x1e: {  	s10 =	rddreg [dreg:$0x7];
	[sflag:s4] =	ssyncadd.s32 @!p1 $0xFFFFD780;
	s4 =	simm.s32 @!p2 $0x0  }
0x1f: {  	[tilespmem:s4], [sflag:$0xA] =	stream.linear.gather @!p2 [hbm4b:s10+s4], $0x2300, $0x38;
	[tilespmem:$0x1E700] =	vst v63  }
0x20: {  	s10 =	simm.s32 @!p2 $0xA  }
0x21: {  	_ =	swait.ge @!p2 [sflag:s10], $0x2300  }
0x22: {  	[sflag:s10] =	ssyncset.done @!p2 $0x0  }
0x23: {  	s11 =	simm.s32 @!p2 $0x2300;
	s12 =	rddreg [dreg:$0x5];
	[sflag:s10] =	ssyncadd.s32 @!p2 $0xFFFFDD00  }
0x24: {  	[tilespmem:s11], [sflag:$0xA] =	stream.linear.gather @!p2 [hbm4b:s12+s4], $0x580, $0x38;
	[tilespmem:$0x1E700] =	vst v63  }
0x25: {  	_ =	swait.ge @!p2 [sflag:s10], $0x580  }
0x26: {  	[sflag:s10] =	ssyncset.done @!p2 $0x0  }
0x27: {  	s4 =	simm.s32 @!p0 $0x0;
	[sflag:s10] =	ssyncadd.s32 @!p2 $0xFFFFFA80;
	s10 =	rddreg [dreg:$0x9]  }
0x28: {  	[tilespmem:s4], [sflag:$0xA] =	stream.linear.gather @!p0 [hbm4b:s10+s4], $0x2880, $0x38;
	[tilespmem:$0x1E700] =	vst v63  }
0x29: {  	s4 =	simm.s32 @!p0 $0xA  }
0x2a: {  	_ =	swait.ge @!p0 [sflag:s4], $0x2880  }
0x2b: {  	[sflag:s4] =	ssyncset.done @!p0 $0x0  }
0x2c: {  	[sflag:s4] =	ssyncadd.s32 @!p0 $0xFFFFD780  }
0x2d: {  	v6 =	vld [tilespmem:s20+$0x0];
	_ =	sdelay $0x3  }
0x2e: {  	v7 =	vld [tilespmem:s20+$0xFFFFFF80]  }
0x2f: {  	v8 =	vand.u32 $0xFFFF, v6  }
0x30: {  	v6 =	vshrl.u32 v6, $0x10;
	[tilespmem:s25+$0x0] =	vst v8  }
0x31: {  	[tilespmem:s28+$0x0] =	vst v6  }
0x32: {  	v6 =	vld [tilespmem:s20+$0x10]  }
0x33: {  	v8 =	vand.u32 $0xFFFF, v7  }
0x34: {  	v7 =	vshrl.u32 v7, $0x10;
	[tilespmem:s25+$0xFFFFFF80] =	vst v8  }
0x35: {  	[tilespmem:s28+$0xFFFFFF80] =	vst v7  }
0x36: {  	v7 =	vld [tilespmem:s20+$0xFFFFFF90]  }
0x37: {  	v8 =	vand.u32 $0xFFFF, v6  }
0x38: {  	v6 =	vshrl.u32 v6, $0x10;
	[tilespmem:s25+$0x10] =	vst v8  }
0x39: {  	[tilespmem:s28+$0x10] =	vst v6  }
0x3a: {  	v6 =	vld [tilespmem:s20+$0x20]  }
0x3b: {  	v8 =	vand.u32 $0xFFFF, v7  }
0x3c: {  	v7 =	vshrl.u32 v7, $0x10;
	[tilespmem:s25+$0xFFFFFF90] =	vst v8  }
0x3d: {  	[tilespmem:s28+$0xFFFFFF90] =	vst v7  }
0x3e: {  	v7 =	vld [tilespmem:s20+$0xFFFFFFA0]  }
0x3f: {  	v8 =	vand.u32 $0xFFFF, v6  }
0x40: {  	v6 =	vshrl.u32 v6, $0x10;
	[tilespmem:s25+$0x20] =	vst v8  }
0x41: {  	[tilespmem:s28+$0x20] =	vst v6  }
0x42: {  	v6 =	vld [tilespmem:s20+$0x30]  }
0x43: {  	v8 =	vand.u32 $0xFFFF, v7  }
0x44: {  	v7 =	vshrl.u32 v7, $0x10;
	[tilespmem:s25+$0xFFFFFFA0] =	vst v8  }
0x45: {  	[tilespmem:s28+$0xFFFFFFA0] =	vst v7  }
0x46: {  	v7 =	vld [tilespmem:s20+$0xFFFFFFB0]  }
0x47: {  	s12 =	simm.s32 $0x180;
	v8 =	vand.u32 $0xFFFF, v6  }
0x48: {  	v6 =	vshrl.u32 v6, $0x10;
	[tilespmem:s25+$0x30] =	vst v8;
	v8 =	vld [tilespmem:s12+$0x0]  }
0x49: {  	[tilespmem:s28+$0x30] =	vst v6  }
0x4a: {  	v6 =	vld [tilespmem:s20+$0x40]  }
0x4b: {  	v9 =	vand.u32 $0xFFFF, v7  }
0x4c: {  	v10 =	vld [tilespmem:s12+$0xFFFFFF80];
	v7 =	vshrl.u32 v7, $0x10;
	[tilespmem:s25+$0xFFFFFFB0] =	vst v9  }
0x4d: {  	s11 =	simm.s32 $0x2A00;
	[tilespmem:s28+$0xFFFFFFB0] =	vst v7;
	v7 =	vand.u32 $0xFFFF, v8  }
0x4e: {  	s13 =	simm.s32 $0x5280;
	v9 =	vld [tilespmem:s20+$0xFFFFFFC0];
	[tilespmem:s11+$0x0] =	vst v7;
	v7 =	vshrl.u32 v8, $0x10  }
0x4f: {  	[tilespmem:s13+$0x0] =	vst v7;
	v7 =	vand.u32 $0xFFFF, v6  }
0x50: {  	v6 =	vshrl.u32 v6, $0x10;
	v8 =	vld [tilespmem:s12+$0x10];
	[tilespmem:s25+$0x40] =	vst v7  }
0x51: {  	v7 =	vand.u32 $0xFFFF, v10;
	[tilespmem:s28+$0x40] =	vst v6  }
0x52: {  	v6 =	vshrl.u32 v10, $0x10;
	[tilespmem:s11+$0xFFFFFF80] =	vst v7;
	v7 =	vld [tilespmem:s20+$0x50]  }
0x53: {  	v10 =	vand.u32 $0xFFFF, v9;
	[tilespmem:s13+$0xFFFFFF80] =	vst v6  }
0x54: {  	v6 =	vshrl.u32 v9, $0x10;
	[tilespmem:s25+$0xFFFFFFC0] =	vst v10;
	v9 =	vld [tilespmem:s12+$0xFFFFFF90]  }
0x55: {  	[tilespmem:s28+$0xFFFFFFC0] =	vst v6;
	v10 =	vand.u32 $0xFFFF, v8  }
0x56: {  	v6 =	vshrl.u32 v8, $0x10;
	v8 =	vld [tilespmem:s20+$0xFFFFFFD0];
	[tilespmem:s11+$0x10] =	vst v10  }
0x57: {  	[tilespmem:s13+$0x10] =	vst v6;
	v6 =	vand.u32 $0xFFFF, v7  }
0x58: {  	v10 =	vld [tilespmem:s12+$0x20];
	[tilespmem:s25+$0x50] =	vst v6;
	v6 =	vshrl.u32 v7, $0x10  }
0x59: {  	v7 =	vand.u32 $0xFFFF, v9;
	[tilespmem:s28+$0x50] =	vst v6  }
0x5a: {  	v6 =	vshrl.u32 v9, $0x10;
	[tilespmem:s11+$0xFFFFFF90] =	vst v7;
	v7 =	vld [tilespmem:s20+$0x60]  }
0x5b: {  	[tilespmem:s13+$0xFFFFFF90] =	vst v6;
	v6 =	vand.u32 $0xFFFF, v8  }
0x5c: {  	v8 =	vshrl.u32 v8, $0x10;
	v9 =	vld [tilespmem:s12+$0xFFFFFFA0];
	[tilespmem:s25+$0xFFFFFFD0] =	vst v6  }
0x5d: {  	[tilespmem:s28+$0xFFFFFFD0] =	vst v8;
	v6 =	vand.u32 $0xFFFF, v10  }
0x5e: {  	v8 =	vld [tilespmem:s20+$0xFFFFFFE0];
	[tilespmem:s11+$0x20] =	vst v6;
	v6 =	vshrl.u32 v10, $0x10  }
0x5f: {  	[tilespmem:s13+$0x20] =	vst v6;
	v6 =	vand.u32 $0xFFFF, v7  }
0x60: {  	v10 =	vld [tilespmem:s12+$0x30];
	[tilespmem:s25+$0x60] =	vst v6;
	v6 =	vshrl.u32 v7, $0x10  }
0x61: {  	v7 =	vand.u32 $0xFFFF, v9;
	[tilespmem:s28+$0x60] =	vst v6  }
0x62: {  	v9 =	vshrl.u32 v9, $0x10;
	[tilespmem:s11+$0xFFFFFFA0] =	vst v7;
	v6 =	vld [tilespmem:s20+$0x70]  }
0x63: {  	[tilespmem:s13+$0xFFFFFFA0] =	vst v9;
	v7 =	vand.u32 $0xFFFF, v8  }
0x64: {  	v8 =	vshrl.u32 v8, $0x10;
	[tilespmem:s25+$0xFFFFFFE0] =	vst v7;
	v9 =	vld [tilespmem:s12+$0xFFFFFFB0]  }
0x65: {  	[tilespmem:s28+$0xFFFFFFE0] =	vst v8;
	v7 =	vand.u32 $0xFFFF, v10  }
0x66: {  	s14 =	simm.s32 $0x2900;
	v8 =	vshrl.u32 v10, $0x10;
	[tilespmem:s11+$0x30] =	vst v7;
	v7 =	vld [tilespmem:s20+$0xFFFFFFF0]  }
0x67: {  	s15 =	simm.s32 $0x5180;
	s10 =	simm.s32 $0x280;
	s4 =	simm.s32 $0x2;
	[tilespmem:s13+$0x30] =	vst v8;
	v8 =	vand.u32 $0xFFFF, v6  }
.LBB2_2:
0x68: {  	v10 =	vld [tilespmem:s10+$0x0];
	[tilespmem:s14+$0x70] =	vst v8;
	v6 =	vshrl.u32 v6, $0x10  }
0x69: {  	v8 =	vld [tilespmem:s10+$0xFFFFFF80];
	v11 =	vand.u32 $0xFFFF, v9;
	v9 =	vshrl.u32 v9, $0x10;
	[tilespmem:s15+$0x70] =	vst v6  }
0x6a: {  	[tilespmem:s11+$0xFFFFFFB0] =	vst v11;
	v6 =	vld [tilespmem:s12+$0x40]  }
0x6b: {  	[tilespmem:s13+$0xFFFFFFB0] =	vst v9;
	v9 =	vand.u32 $0xFFFF, v7;
	v7 =	vshrl.u32 v7, $0x10  }
0x6c: {  	v11 =	vld [tilespmem:s12+$0xFFFFFFC0];
	[tilespmem:s14+$0xFFFFFFF0] =	vst v9;
	s14 =	smov.u32 s11  }
0x6d: {  	s11 =	sadd.s32 $0x100, s11;
	v9 =	vand.u32 $0xFFFF, v10;
	[tilespmem:s15+$0xFFFFFFF0] =	vst v7;
	s15 =	smov.u32 s13  }
0x6e: {  	s13 =	sadd.s32 $0x100, s13;
	v7 =	vand.u32 $0xFFFF, v8;
	v8 =	vshrl.u32 v8, $0x10;
	[tilespmem:s11+$0x0] =	vst v9;
	v9 =	vshrl.u32 v10, $0x10  }
0x6f: {  	[tilespmem:s13+$0x0] =	vst v9;
	v9 =	vand.u32 $0xFFFF, v6  }
0x70: {  	v6 =	vshrl.u32 v6, $0x10;
	v10 =	vld [tilespmem:s10+$0x10];
	[tilespmem:s14+$0x40] =	vst v9  }
0x71: {  	v9 =	vand.u32 $0xFFFF, v11;
	v11 =	vshrl.u32 v11, $0x10;
	[tilespmem:s15+$0x40] =	vst v6  }
0x72: {  	s4 =	sadd.s32 $0x2, s4;
	[tilespmem:s11+$0xFFFFFF80] =	vst v7;
	v6 =	vld [tilespmem:s12+$0x50]  }
0x73: {  	p3 =	slt.u32 s4, $0x4E;
	[tilespmem:s13+$0xFFFFFF80] =	vst v8  }
0x74: {  	v7 =	vld [tilespmem:s10+$0xFFFFFF90];
	[tilespmem:s14+$0xFFFFFFC0] =	vst v9  }
0x75: {  	v8 =	vand.u32 $0xFFFF, v10;
	[tilespmem:s15+$0xFFFFFFC0] =	vst v11  }
0x76: {  	[tilespmem:s11+$0x10] =	vst v8;
	v8 =	vshrl.u32 v10, $0x10;
	v9 =	vld [tilespmem:s12+$0xFFFFFFD0]  }
0x77: {  	[tilespmem:s13+$0x10] =	vst v8;
	v8 =	vand.u32 $0xFFFF, v6  }
0x78: {  	v6 =	vshrl.u32 v6, $0x10;
	v10 =	vld [tilespmem:s10+$0x20];
	[tilespmem:s14+$0x50] =	vst v8  }
0x79: {  	v8 =	vand.u32 $0xFFFF, v7;
	v7 =	vshrl.u32 v7, $0x10;
	[tilespmem:s15+$0x50] =	vst v6  }
0x7a: {  	[tilespmem:s11+$0xFFFFFF90] =	vst v8;
	v6 =	vld [tilespmem:s12+$0x60]  }
0x7b: {  	[tilespmem:s13+$0xFFFFFF90] =	vst v7;
	v7 =	vand.u32 $0xFFFF, v9;
	v8 =	vshrl.u32 v9, $0x10  }
0x7c: {  	v9 =	vld [tilespmem:s10+$0xFFFFFFA0];
	[tilespmem:s14+$0xFFFFFFD0] =	vst v7  }
0x7d: {  	v7 =	vand.u32 $0xFFFF, v10;
	[tilespmem:s15+$0xFFFFFFD0] =	vst v8  }
0x7e: {  	[tilespmem:s11+$0x20] =	vst v7;
	v7 =	vshrl.u32 v10, $0x10;
	v8 =	vld [tilespmem:s12+$0xFFFFFFE0]  }
0x7f: {  	[tilespmem:s13+$0x20] =	vst v7;
	v7 =	vand.u32 $0xFFFF, v6  }
0x80: {  	v6 =	vshrl.u32 v6, $0x10;
	v10 =	vld [tilespmem:s10+$0x30];
	[tilespmem:s14+$0x60] =	vst v7  }
0x81: {  	v7 =	vand.u32 $0xFFFF, v9;
	v9 =	vshrl.u32 v9, $0x10;
	[tilespmem:s15+$0x60] =	vst v6  }
0x82: {  	[tilespmem:s11+$0xFFFFFFA0] =	vst v7;
	v6 =	vld [tilespmem:s12+$0x70]  }
.Ltmp0:
0x83: {  	[tilespmem:s13+$0xFFFFFFA0] =	vst v9;
	v7 =	vand.u32 $0xFFFF, v8;
	v8 =	vshrl.u32 v8, $0x10;
	(pc) =	sbr.rel @p3 .LBB2_2-.Ltmp0, $4  }
0x84: {  	v9 =	vld [tilespmem:s10+$0xFFFFFFB0];
	[tilespmem:s14+$0xFFFFFFE0] =	vst v7  }
0x85: {  	v7 =	vand.u32 $0xFFFF, v10;
	[tilespmem:s15+$0xFFFFFFE0] =	vst v8  }
0x86: {  	v8 =	vshrl.u32 v10, $0x10;
	[tilespmem:s11+$0x30] =	vst v7;
	v7 =	vld [tilespmem:s12+$0xFFFFFFF0];
	s12 =	smov.u32 s10  }
0x87: {  	s10 =	sadd.s32 $0x100, s10;
	[tilespmem:s13+$0x30] =	vst v8;
	v8 =	vand.u32 $0xFFFF, v6  }
0x88: {  	_ = 	snop  }
0x89: {  	v10 =	vand.u32 $0xFFFF, v9  }
0x8a: {  	v50 =	vld [tilespmem:s12+$0x40];
	v49 =	vshrl.u32 v9, $0x10;
	[tilespmem:s11+$0xFFFFFFB0] =	vst v10  }
0x8b: {  	[tilespmem:s13+$0xFFFFFFB0] =	vst v49  }
0x8c: {  	v9 =	vld [tilespmem:s12+$0xFFFFFFC0];
	_ =	sdelay $0x2  }
0x8d: {  	v11 =	vand.u32 $0xFFFF, v50  }
0x8e: {  	v10 =	vshrl.u32 v50, $0x10;
	[tilespmem:s11+$0x40] =	vst v11  }
0x8f: {  	[tilespmem:s13+$0x40] =	vst v10;
	v51 =	vand.u32 $0xFFFF, v9  }
0x90: {  	v10 =	vld [tilespmem:s12+$0x50];
	v9 =	vshrl.u32 v9, $0x10;
	[tilespmem:s11+$0xFFFFFFC0] =	vst v51  }
0x91: {  	[tilespmem:s13+$0xFFFFFFC0] =	vst v9  }
0x92: {  	v9 =	vld [tilespmem:s12+$0xFFFFFFD0];
	_ =	sdelay $0x2  }
0x93: {  	v52 =	vand.u32 $0xFFFF, v10  }
0x94: {  	v10 =	vshrl.u32 v10, $0x10;
	[tilespmem:s11+$0x50] =	vst v52  }
0x95: {  	[tilespmem:s13+$0x50] =	vst v10;
	v53 =	vand.u32 $0xFFFF, v9  }
0x96: {  	v11 =	vld [tilespmem:s12+$0x60];
	v9 =	vshrl.u32 v9, $0x10;
	[tilespmem:s11+$0xFFFFFFD0] =	vst v53  }
0x97: {  	[tilespmem:s13+$0xFFFFFFD0] =	vst v9  }
0x98: {  	v9 =	vld [tilespmem:s12+$0xFFFFFFE0];
	_ =	sdelay $0x2  }
0x99: {  	v54 =	vand.u32 $0xFFFF, v11  }
0x9a: {  	v55 =	vshrl.u32 v11, $0x10;
	[tilespmem:s11+$0x60] =	vst v54  }
0x9b: {  	[tilespmem:s13+$0x60] =	vst v55;
	v56 =	vand.u32 $0xFFFF, v9  }
0x9c: {  	v57 =	vld [tilespmem:s12+$0x70];
	v9 =	vshrl.u32 v9, $0x10;
	[tilespmem:s11+$0xFFFFFFE0] =	vst v56  }
0x9d: {  	[tilespmem:s13+$0xFFFFFFE0] =	vst v9  }
0x9e: {  	[tilespmem:s14+$0x70] =	vst v8;
	v6 =	vshrl.u32 v6, $0x10;
	v58 =	vld [tilespmem:s12+$0xFFFFFFF0]  }
0x9f: {  	[tilespmem:s15+$0x70] =	vst v6;
	v6 =	vand.u32 $0xFFFF, v7  }
0xa0: {  	v7 =	vshrl.u32 v7, $0x10;
	[tilespmem:s14+$0xFFFFFFF0] =	vst v6  }
0xa1: {  	[tilespmem:s15+$0xFFFFFFF0] =	vst v7;
	v6 =	vand.u32 $0xFFFF, v57  }
0xa2: {  	[tilespmem:s11+$0x70] =	vst v6;
	v6 =	vshrl.u32 v57, $0x10  }
0xa3: {  	[tilespmem:s13+$0x70] =	vst v6;
	v6 =	vand.u32 $0xFFFF, v58  }
0xa4: {  	v7 =	vshrl.u32 v58, $0x10;
	[tilespmem:s11+$0xFFFFFFF0] =	vst v6  }
0xa5: {  	[tilespmem:s13+$0xFFFFFFF0] =	vst v7  }
0xa6: {  	v6 =	vld [tilespmem:$0x2800];
	_ =	sdelay $0x1  }
0xa7: {  	v7 =	vld [tilespmem:$0x2810];
	_ =	sdelay $0x1  }
0xa8: {  	v59 =	vld [tilespmem:$0x2820]  }
0xa9: {  	v60 =	vand.u32 $0xFFFF, v6  }
0xaa: {  	v61 =	vld [tilespmem:$0x2830];
	v6 =	vshrl.u32 v6, $0x10;
	[tilespmem:$0x5080] =	vst v60  }
0xab: {  	[tilespmem:$0x7900] =	vst v6;
	v6 =	vand.u32 $0xFFFF, v7  }
0xac: {  	[tilespmem:$0x5090] =	vst v6;
	v6 =	vshrl.u32 v7, $0x10;
	v7 =	vld [tilespmem:$0x2840]  }
0xad: {  	[tilespmem:$0x7910] =	vst v6;
	v6 =	vand.u32 $0xFFFF, v59  }
0xae: {  	v62 =	vld [tilespmem:$0x2850];
	[tilespmem:$0x50A0] =	vst v6;
	v6 =	vshrl.u32 v59, $0x10  }
0xaf: {  	[tilespmem:$0x7920] =	vst v6;
	v6 =	vand.u32 $0xFFFF, v61  }
0xb0: {  	v63 =	vld [tilespmem:$0x2860];
	[tilespmem:$0x50B0] =	vst v6;
	v6 =	vshrl.u32 v61, $0x10  }
0xb1: {  	[tilespmem:$0x7930] =	vst v6;
	v6 =	vand.u32 $0xFFFF, v7  }
0xb2: {  	[tilespmem:$0x50C0] =	vst v6;
	v6 =	vshrl.u32 v7, $0x10;
	v7 =	vld [tilespmem:$0x2870]  }
0xb3: {  	[tilespmem:$0x7940] =	vst v6;
	v6 =	vand.u32 $0xFFFF, v62  }
0xb4: {  	[tilespmem:$0x50D0] =	vst v6;
	v6 =	vshrl.u32 v62, $0x10  }
0xb5: {  	[tilespmem:$0x7950] =	vst v6;
	v6 =	vand.u32 $0xFFFF, v63  }
0xb6: {  	[tilespmem:$0x50E0] =	vst v6;
	v6 =	vshrl.u32 v63, $0x10  }
0xb7: {  	[tilespmem:$0x7960] =	vst v6;
	v6 =	vand.u32 $0xFFFF, v7  }
0xb8: {  	[tilespmem:$0x50F0] =	vst v6;
	v6 =	vshrl.u32 v7, $0x10  }
0xb9: {  	s10 =	simm.s32 $0x140;
	s4 =	simm.s32 $0x0;
	[tilespmem:$0x7970] =	vst v6  }
.LBB2_4:
0xba: {  	p3 =	sne.s32 s10, $0x9EC0;
	[tilespmem:s4+$0xA9C0] =	vst v3;
	s11 =	smov.u32 s10;
	s10 =	sadd.s32 $0x140, s10  }
.Ltmp1:
0xbb: {  	[tilespmem:s4+$0xA9B0] =	vst v3;
	(pc) =	sbr.rel @p3 .LBB2_4-.Ltmp1, $4  }
0xbc: {  	[tilespmem:s4+$0xA9A0] =	vst v3  }
0xbd: {  	[tilespmem:s4+$0xA980] =	vst v3  }
0xbe: {  	[tilespmem:s4+$0xA990] =	vst v3  }
0xbf: {  	s4 =	sshra.s32 s11, $0x2  }
0xc0: {  	[tilespmem:s4+$0xA9C0] =	vst v3  }
0xc1: {  	[tilespmem:s4+$0xA9B0] =	vst v3  }
0xc2: {  	[tilespmem:s4+$0xA9A0] =	vst v3  }
0xc3: {  	[tilespmem:s4+$0xA980] =	vst v3  }
0xc4: {  	[tilespmem:s4+$0xA990] =	vst v3  }
0xc5: {  	[spmem:s16] =	stream.linear.scatter [tilespmem:s18], [sflag:$0xA], $0x2800, $0x38;
	[tilespmem:$0x1E700] =	vst v63  }
0xc6: {  	_ =	swait.ge [sflag:s19], $0x2800  }
0xc7: {  	[sflag:s19] =	ssyncset.done $0x0  }
0xc8: {  	s10 =	rddreg [dreg:$0xa];
	[sflag:s19] =	ssyncadd.s32 $0xFFFFD800  }
0xc9: {  	[spmem:s10] =	stream.linear.scatter [tilespmem:s18], [sflag:$0xA], $0x2800, $0x38;
	[tilespmem:$0x1E700] =	vst v63  }
0xca: {  	_ =	swait.ge [sflag:s19], $0x2800  }
0xcb: {  	[sflag:s19] =	ssyncset.done $0x0  }
0xcc: {  	s11 =	rddreg [dreg:$0xb];
	[sflag:s19] =	ssyncadd.s32 $0xFFFFD800  }
0xcd: {  	[spmem:s11] =	stream.linear.scatter [tilespmem:s18], [sflag:$0xA], $0x2800, $0x38;
	[tilespmem:$0x1E700] =	vst v63  }
0xce: {  	_ =	swait.ge [sflag:s19], $0x2800  }
0xcf: {  	[sflag:s19] =	ssyncset.done $0x0  }
0xd0: {  	s12 =	rddreg [dreg:$0xc];
	[sflag:s19] =	ssyncadd.s32 $0xFFFFD800  }
0xd1: {  	[spmem:s12] =	stream.linear.scatter [tilespmem:s18], [sflag:$0xA], $0x2800, $0x38;
	[tilespmem:$0x1E700] =	vst v63  }
0xd2: {  	_ =	swait.ge [sflag:s19], $0x2800  }
0xd3: {  	[sflag:s19] =	ssyncset.done $0x0  }
0xd4: {  	s13 =	rddreg [dreg:$0xd];
	[sflag:s19] =	ssyncadd.s32 $0xFFFFD800  }
0xd5: {  	[spmem:s13] =	stream.linear.scatter [tilespmem:s18], [sflag:$0xA], $0x2580, $0x38;
	[tilespmem:$0x1E700] =	vst v63  }
0xd6: {  	_ =	swait.ge [sflag:s19], $0x2580  }
0xd7: {  	[sflag:s19] =	ssyncset.done $0x0  }
0xd8: {  	[sflag:s19] =	ssyncadd.s32 $0xFFFFDA80  }
0xd9: {  	s14 =	simm.s32 $0x2880;
	s10 =	simm.s32 $0x7980;
	[bflag:$0x0] =	sbarrier.arrive $0xFFFF  }
0xda: {  	[tilespmem:s10], [sflag:$0x1] =	stream.indirect.gather [hbm4b:s2+s20], $0x10, s14, s20, $0xb8;
	[tilespmem:$0x1E700] =	vst v63  }
0xdb: {  	s15 =	simm.s32 $0x5100;
	s11 =	simm.s32 $0x9180  }
0xdc: {  	[tilespmem:s11], [sflag:$0x4] =	stream.indirect.gather [hbm4b:s7+s20], $0x10, s15, s20, $0xb8;
	[tilespmem:$0x1E700] =	vst v63  }
0xdd: {  	_ = 	snop  }
0xde: {  	[tilespmem:s18], [sflag:$0x7] =	stream.indirect.gather [hbm4b:s6+s20], $0x50, s14, s20, $0xb8;
	[tilespmem:$0x1E700] =	vst v63  }
0xdf: {  	s16 =	simm.s32 $0x8180  }
0xe0: {  	[tilespmem:s16], [sflag:$0x2] =	stream.indirect.gather [hbm4b:s2+s20], $0x10, s25, s20, $0xb8;
	[tilespmem:$0x1E700] =	vst v63  }
0xe1: {  	s17 =	simm.s32 $0x9980  }
0xe2: {  	[tilespmem:s17], [sflag:$0x5] =	stream.indirect.gather [hbm4b:s7+s20], $0x10, s28, s20, $0xb8;
	[tilespmem:$0x1E700] =	vst v63  }
0xe3: {  	s11 =	simm.s32 $0x0  }
0xe4: {  	[tilespmem:s30], [sflag:$0x8] =	stream.indirect.gather [hbm4b:s6+s20], $0x50, s25, s20, $0xb8;
	[tilespmem:$0x1E700] =	vst v63  }
.LBB2_6:
0xe5: {  	_ =	swait.ge [sflag:s31], $0x800  }
0xe6: {  	[sflag:s31] =	ssyncset.done $0x0  }
0xe7: {  	[sflag:s31] =	ssyncadd.s32 $0xFFFFF800  }
0xe8: {  	_ =	swait.ge [sflag:s1], $0x800  }
0xe9: {  	s4 =	smul.u32 $0x3, s11;
	[sflag:s1] =	ssyncset.done $0x0  }
0xea: {  	[sflag:s1] =	ssyncadd.s32 $0xFFFFF800  }
0xeb: {  	s4 =	sadd.s32 $0x2, s4;
	_ =	swait.ge [sflag:s22], $0x2800  }
0xec: {  	s12 =	sshll.u32 s4, $0x7;
	[sflag:s22] =	ssyncset.done $0x0  }
0xed: {  	s4 =	sadd.s32 $0x2880, s12;
	[sflag:s22] =	ssyncadd.s32 $0xFFFFD800  }
0xee: {  	[tilespmem:s23], [sflag:$0x3] =	stream.indirect.gather [hbm4b:s2+s20], $0x10, s4, s20, $0xb8;
	[tilespmem:$0x1E700] =	vst v63  }
0xef: {  	s10 =	sadd.s32 $0x5100, s12  }
0xf0: {  	[tilespmem:s24], [sflag:$0x6] =	stream.indirect.gather [hbm4b:s7+s20], $0x10, s10, s20, $0xb8;
	[tilespmem:$0x1E700] =	vst v63  }
0xf1: {  	s15 =	simm.s32 $0x79A0  }
0xf2: {  	[tilespmem:s26], [sflag:$0x9] =	stream.indirect.gather [hbm4b:s6+s20], $0x50, s4, s20, $0xb8;
	[tilespmem:$0x1E700] =	vst v63  }
0xf3: {  	s16 =	simm.s32 $0x91A0;
	v6 =	vld [tilespmem:s15+$0x10]  }
0xf4: {  	v7 =	vld [tilespmem:s16+$0x10];
	_ =	sdelay $0x1  }
0xf5: {  	v8 =	vld [tilespmem:s16+$0xFFFFFFE0]  }
0xf6: {  	v9 =	vld [tilespmem:s15+$0xFFFFFFF0]  }
0xf7: {  	v10 =	vld [tilespmem:s16+$0xFFFFFFF0]  }
0xf8: {  	v11 =	vld [tilespmem:s15+$0x0];
	v6 =	vadd.f32 v7, v6  }
0xf9: {  	v12 =	vld [tilespmem:s16+$0x0]  }
0xfa: {  	v7 =	vld [tilespmem:s15+$0xFFFFFFE0];
	v13 =	vmul.f32 $2.000000030e-01, v6;
	_ =	sdelay $0x1  }
0xfb: {  	v9 =	vadd.f32 v10, v9;
	v6 =	vmax.f32 v6, v13  }
0xfc: {  	v6 =	vmul.f32 $1.442695020e+00, v6  }
0xfd: {  	v11 =	vadd.f32 v12, v11;
	v10 =	vmul.f32 $2.000000030e-01, v9  }
0xfe: {  	v7 =	vadd.f32 v8, v7;
	(erf) = vpow2.f32 v6  }
0xff: {  	v8 =	vmax.f32 v9, v10;
	v9 =	vmul.f32 $2.000000030e-01, v11  }
0x100: {  	v8 =	vmul.f32 $1.442695020e+00, v8;
	v6 =	vmul.f32 $2.000000030e-01, v7  }
0x101: {  	s17 =	simm.s32 $0x79E0  }
0x102: {  	s14 =	simm.s32 $0x91E0;
	v19 =	vld [tilespmem:s17+$0x10];
	v9 =	vmax.f32 v11, v9;
	(erf) = vpow2.f32 v8;
	v6 =	vmax.f32 v7, v6  }
0x103: {  	v22 =	vld [tilespmem:s14+$0x10];
	v7 =	vmul.f32 $1.442695020e+00, v9;
	v6 =	vmul.f32 $1.442695020e+00, v6  }
0x104: {  	s13 =	simm.s32 $0xAA20  }
0x105: {  	v16 =	vld [tilespmem:s13+$0xFFFFFFB0];
	(erf) = vpow2.f32 v7  }
0x106: {  	v17 =	vld [tilespmem:s13+$0xFFFFFFC0];
	(erf) = vpow2.f32 v6  }
0x107: {  	v8 =	vld [tilespmem:s13+$0x90];
	v6 =	vpop (erf)  }
0x108: {  	v26 =	vld [tilespmem:s14+$0xFFFFFFE0];
	v19 =	vadd.f32 v22, v19;
	v15 =	vperm.xlane v6, v5  }
0x109: {  	v29 =	vld [tilespmem:s17+$0xFFFFFFF0]  }
0x10a: {  	v32 =	vld [tilespmem:s14+$0xFFFFFFF0];
	v59 =	vmul.f32 $2.000000030e-01, v19  }
0x10b: {  	v35 =	vld [tilespmem:s17+$0x0];
	v14 =	vperm.xlane v6, v0;
	v18 =	vperm.xlane v6, v1  }
0x10c: {  	v12 =	vld [tilespmem:s13+$0xFFFFFF90];
	v7 =	vperm.xlane v6, v4;
	v8 =	vmul.f32 v8, v15;
	v15 =	vpop (erf)  }
0x10d: {  	v9 =	vld [tilespmem:s13+$0xFFFFFF60];
	v20 =	vperm.xlane v15, v0;
	v21 =	vperm.xlane v15, v1  }
0x10e: {  	v10 =	vld [tilespmem:s13+$0xFFFFFF70];
	v23 =	vperm.xlane v15, v4;
	v24 =	vperm.xlane v15, v2;
	v25 =	vpop (erf)  }
0x10f: {  	v13 =	vld [tilespmem:s13+$0xFFFFFFA0];
	v15 =	vperm.xlane v15, v5;
	v27 =	vperm.xlane v25, v0;
	v28 =	vpop (erf)  }
0x110: {  	v11 =	vld [tilespmem:s13+$0xFFFFFF80];
	v30 =	vperm.xlane v28, v0;
	v31 =	vperm.xlane v28, v1  }
0x111: {  	v38 =	vld [tilespmem:s13+$0xFFFFFFD0];
	v33 =	vperm.xlane v28, v4;
	v34 =	vperm.xlane v28, v2  }
0x112: {  	v37 =	vld [tilespmem:s14+$0x0];
	v28 =	vperm.xlane v28, v5;
	v9 =	vmul.f32 v9, v30  }
0x113: {  	v58 =	vld [tilespmem:s17+$0xFFFFFFE0];
	[tilespmem:s13+$0x90] =	vst v8;
	v16 =	vmul.f32 v16, v20;
	v10 =	vmul.f32 v10, v31  }
0x114: {  	v61 =	vld [tilespmem:s13+$0xFFFFFFE0];
	[tilespmem:s13+$0xFFFFFF60] =	vst v9;
	v9 =	vmul.f32 v12, v34;
	v12 =	vmul.f32 v13, v28;
	v13 =	vmax.f32 v19, v59  }
0x115: {  	v8 =	vmul.f32 v11, v33;
	v11 =	vadd.f32 v32, v29;
	[tilespmem:s13+$0xFFFFFFB0] =	vst v16;
	v13 =	vmul.f32 $1.442695020e+00, v13  }
0x116: {  	v63 =	vld [tilespmem:s13+$0x0];
	v36 =	vperm.xlane v25, v1;
	v16 =	vmul.f32 v38, v23;
	[tilespmem:s13+$0xFFFFFF70] =	vst v10  }
0x117: {  	v62 =	vadd.f32 v37, v35;
	v20 =	vld [tilespmem:s13+$0x10];
	v10 =	vmul.f32 $2.000000030e-01, v11;
	[tilespmem:s13+$0xFFFFFF80] =	vst v8;
	(erf) = vpow2.f32 v13  }
0x118: {  	v22 =	vperm.xlane v25, v4;
	v23 =	vld [tilespmem:s13+$0x40];
	v8 =	vmul.f32 v17, v21;
	v17 =	vadd.f32 v26, v58;
	[tilespmem:s13+$0xFFFFFFD0] =	vst v16  }
0x119: {  	v19 =	vld [tilespmem:s13+$0xFFFFFFF0];
	v21 =	vmul.f32 v61, v24;
	[tilespmem:s13+$0xFFFFFF90] =	vst v9;
	v9 =	vmax.f32 v11, v10;
	v10 =	vmul.f32 $2.000000030e-01, v62  }
0x11a: {  	[tilespmem:s13+$0xFFFFFFA0] =	vst v12;
	v11 =	vmul.f32 $2.000000030e-01, v17;
	v12 =	vld [tilespmem:s13+$0x30];
	v9 =	vmul.f32 $1.442695020e+00, v9  }
0x11b: {  	s15 =	simm.s32 $0xAB60;
	v60 =	vperm.xlane v25, v2;
	v16 =	vmul.f32 v63, v27;
	[tilespmem:s13+$0xFFFFFFC0] =	vst v8;
	v13 =	vld [tilespmem:s13+$0x20];
	v10 =	vmax.f32 v62, v10  }
0x11c: {  	[tilespmem:s13+$0xFFFFFFE0] =	vst v21;
	v21 =	vld [tilespmem:s15+$0x90];
	v8 =	vmax.f32 v17, v11;
	v10 =	vmul.f32 $1.442695020e+00, v10;
	(erf) = vpow2.f32 v9  }
0x11d: {  	v17 =	vperm.xlane v25, v5;
	v9 =	vld [tilespmem:s13+$0x50];
	v8 =	vmul.f32 $1.442695020e+00, v8  }
0x11e: {  	v11 =	vmul.f32 v19, v15;
	v15 =	vld [tilespmem:s13+$0x60];
	(erf) = vpow2.f32 v10  }
0x11f: {  	v24 =	vld [tilespmem:s15+$0xFFFFFFB0];
	[tilespmem:s13+$0x0] =	vst v16;
	v19 =	vmul.f32 v20, v36;
	(erf) = vpow2.f32 v8  }
0x120: {  	v16 =	vld [tilespmem:s15+$0xFFFFFF60];
	[tilespmem:s13+$0xFFFFFFF0] =	vst v11;
	v12 =	vmul.f32 v12, v60;
	v8 =	vmul.f32 v13, v22;
	v22 =	vpop (erf)  }
0x121: {  	v25 =	vld [tilespmem:s15+$0xFFFFFFC0];
	[tilespmem:s13+$0x10] =	vst v19;
	v13 =	vmul.f32 v23, v17;
	v23 =	vperm.xlane v22, v5  }
0x122: {  	v6 =	vperm.xlane v6, v2;
	v20 =	vld [tilespmem:s15+$0xFFFFFFA0];
	[tilespmem:s13+$0x30] =	vst v12;
	v14 =	vmul.f32 v9, v14  }
0x123: {  	v10 =	vld [tilespmem:s13+$0x70];
	[tilespmem:s13+$0x20] =	vst v8;
	v15 =	vmul.f32 v15, v18;
	v23 =	vmul.f32 v21, v23  }
0x124: {  	v11 =	vld [tilespmem:s13+$0x80];
	[tilespmem:s13+$0x40] =	vst v13;
	v8 =	vperm.xlane v22, v0;
	v9 =	vperm.xlane v22, v1  }
0x125: {  	v19 =	vld [tilespmem:s15+$0xFFFFFF90];
	[tilespmem:s13+$0x50] =	vst v14;
	v12 =	vperm.xlane v22, v4;
	v13 =	vperm.xlane v22, v2;
	v26 =	vpop (erf)  }
0x126: {  	v17 =	vld [tilespmem:s15+$0xFFFFFF70];
	[tilespmem:s13+$0x60] =	vst v15;
	v22 =	vperm.xlane v26, v0;
	v21 =	vperm.xlane v26, v1  }
0x127: {  	s10 =	simm.s32 $0x7A20;
	s16 =	simm.s32 $0x4;
	v18 =	vld [tilespmem:s15+$0xFFFFFF80];
	v15 =	vperm.xlane v26, v4;
	v14 =	vperm.xlane v26, v2;
	[tilespmem:s15+$0x90] =	vst v23;
	v23 =	vpop (erf)  }
.LBB2_7:
0x128: {  	v27 =	vld [tilespmem:s10+$0x10];
	v26 =	vperm.xlane v26, v5;
	v28 =	vperm.xlane v23, v0;
	s14 =	sadd.s32 $0x40, s14;
	v29 =	vpop (erf)  }
0x129: {  	s16 =	sadd.s32 $0x4, s16;
	v30 =	vld [tilespmem:s14+$0x10];
	v31 =	vperm.xlane v29, v0;
	v32 =	vperm.xlane v29, v1  }
0x12a: {  	p3 =	slt.u32 s16, $0x7C;
	v34 =	vperm.xlane v29, v4;
	v35 =	vperm.xlane v29, v2;
	v33 =	vld [tilespmem:s14+$0xFFFFFFE0]  }
0x12b: {  	v37 =	vperm.xlane v23, v1;
	v29 =	vperm.xlane v29, v5;
	v36 =	vld [tilespmem:s10+$0xFFFFFFF0]  }
0x12c: {  	v39 =	vperm.xlane v23, v4;
	v40 =	vperm.xlane v23, v2;
	v38 =	vld [tilespmem:s14+$0xFFFFFFF0]  }
0x12d: {  	v23 =	vperm.xlane v23, v5;
	v16 =	vmul.f32 v16, v31;
	v41 =	vld [tilespmem:s10+$0x0]  }
0x12e: {  	v17 =	vmul.f32 v17, v32;
	v18 =	vmul.f32 v18, v34;
	v31 =	vld [tilespmem:s14+$0x0];
	v27 =	vadd.f32 v30, v27  }
0x12f: {  	v30 =	vld [tilespmem:s10+$0xFFFFFFE0];
	[tilespmem:s15+$0xFFFFFF60] =	vst v16;
	v16 =	vmul.f32 v19, v35;
	v19 =	vmul.f32 v20, v29  }
0x130: {  	v20 =	vmul.f32 $2.000000030e-01, v27;
	[tilespmem:s15+$0xFFFFFF70] =	vst v17;
	v17 =	vmul.f32 v24, v22;
	v22 =	vld [tilespmem:s15+$0xFFFFFFD0]  }
0x131: {  	v10 =	vmul.f32 v10, v7;
	v24 =	vadd.f32 v38, v36;
	[tilespmem:s15+$0xFFFFFF80] =	vst v18;
	v18 =	vmul.f32 v25, v21;
	v21 =	vld [tilespmem:s15+$0xFFFFFFE0]  }
0x132: {  	v11 =	vmul.f32 v11, v6;
	v7 =	vmovc v12;
	v6 =	vmov v13;
	v20 =	vmax.f32 v27, v20;
	[tilespmem:s15+$0xFFFFFF90] =	vst v16;
	v16 =	vld [tilespmem:s15+$0xFFFFFFF0]  }
0x133: {  	v12 =	vmul.f32 $2.000000030e-01, v24;
	v13 =	vadd.f32 v31, v41;
	v20 =	vmul.f32 $1.442695020e+00, v20;
	[tilespmem:s15+$0xFFFFFFA0] =	vst v19;
	v19 =	vld [tilespmem:s15+$0x0]  }
0x134: {  	v25 =	vadd.f32 v33, v30;
	[tilespmem:s15+$0xFFFFFFB0] =	vst v17;
	v17 =	vld [tilespmem:s15+$0x10]  }
0x135: {  	v12 =	vmax.f32 v24, v12;
	v24 =	vmul.f32 $2.000000030e-01, v13;
	(erf) = vpow2.f32 v20;
	[tilespmem:s15+$0xFFFFFFC0] =	vst v18;
	v18 =	vld [tilespmem:s15+$0x20]  }
0x136: {  	v20 =	vmul.f32 $2.000000030e-01, v25;
	v12 =	vmul.f32 $1.442695020e+00, v12;
	v27 =	vld [tilespmem:s15+$0x30];
	[tilespmem:s13+$0x70] =	vst v10  }
0x137: {  	v14 =	vmul.f32 v21, v14;
	v10 =	vmax.f32 v13, v24;
	v13 =	vmul.f32 v22, v15;
	v15 =	vld [tilespmem:s15+$0x40];
	[tilespmem:s13+$0x80] =	vst v11;
	s13 =	smov.u32 s15  }
0x138: {  	v11 =	vmax.f32 v25, v20;
	v10 =	vmul.f32 $1.442695020e+00, v10;
	(erf) = vpow2.f32 v12;
	v12 =	vld [tilespmem:s15+$0x50]  }
0x139: {  	v11 =	vmul.f32 $1.442695020e+00, v11;
	[tilespmem:s15+$0xFFFFFFD0] =	vst v13;
	v13 =	vmul.f32 v16, v26;
	v20 =	vld [tilespmem:s15+$0x60]  }
0x13a: {  	(erf) = vpow2.f32 v10;
	[tilespmem:s15+$0xFFFFFFE0] =	vst v14;
	v14 =	vmul.f32 v19, v28;
	v10 =	vld [tilespmem:s15+$0x70]  }
0x13b: {  	s15 =	sadd.s32 $0x140, s15;
	(erf) = vpow2.f32 v11;
	[tilespmem:s13+$0xFFFFFFF0] =	vst v13;
	v13 =	vmul.f32 v17, v37;
	v11 =	vld [tilespmem:s13+$0x80]  }
0x13c: {  	v19 =	vmul.f32 v27, v40;
	v21 =	vld [tilespmem:s15+$0x90];
	[tilespmem:s13+$0x0] =	vst v14;
	v14 =	vmul.f32 v18, v39  }
0x13d: {  	v16 =	vld [tilespmem:s15+$0xFFFFFF60];
	[tilespmem:s13+$0x10] =	vst v13;
	v13 =	vmul.f32 v15, v23;
	v15 =	vmul.f32 v12, v8  }
0x13e: {  	v17 =	vld [tilespmem:s15+$0xFFFFFF70];
	v22 =	vpop (erf);
	[tilespmem:s13+$0x20] =	vst v14;
	v14 =	vmul.f32 v20, v9  }
.Ltmp2:
0x13f: {  	v18 =	vld [tilespmem:s15+$0xFFFFFF80];
	v8 =	vperm.xlane v22, v0;
	v23 =	vperm.xlane v22, v5;
	[tilespmem:s13+$0x30] =	vst v19;
	(pc) =	sbr.rel @p3 .LBB2_7-.Ltmp2, $4  }
0x140: {  	v9 =	vperm.xlane v22, v1;
	v12 =	vperm.xlane v22, v4;
	v19 =	vld [tilespmem:s15+$0xFFFFFF90];
	[tilespmem:s13+$0x40] =	vst v13  }
0x141: {  	v13 =	vperm.xlane v22, v2;
	v20 =	vld [tilespmem:s15+$0xFFFFFFA0];
	v27 =	vmul.f32 v21, v23;
	v26 =	vpop (erf);
	[tilespmem:s13+$0x50] =	vst v15  }
0x142: {  	v22 =	vperm.xlane v26, v0;
	v24 =	vld [tilespmem:s15+$0xFFFFFFB0];
	v21 =	vperm.xlane v26, v1;
	[tilespmem:s13+$0x60] =	vst v14  }
0x143: {  	s10 =	sadd.s32 $0x40, s10;
	v15 =	vperm.xlane v26, v4;
	v14 =	vperm.xlane v26, v2;
	v25 =	vld [tilespmem:s15+$0xFFFFFFC0];
	[tilespmem:s15+$0x90] =	vst v27;
	v23 =	vpop (erf)  }
0x144: {  	v27 =	vpop (erf);
	v7 =	vmul.f32 v10, v7  }
0x145: {  	v6 =	vmul.f32 v11, v6;
	v28 =	vperm.xlane v27, v0  }
0x146: {  	v29 =	vperm.xlane v27, v1;
	v30 =	vperm.xlane v27, v4  }
0x147: {  	v54 =	vperm.xlane v27, v2;
	[tilespmem:s13+$0x70] =	vst v7;
	v16 =	vmul.f32 v16, v28  }
0x148: {  	v27 =	vperm.xlane v27, v5;
	[tilespmem:s13+$0x80] =	vst v6;
	v17 =	vmul.f32 v17, v29  }
0x149: {  	[tilespmem:s15+$0xFFFFFF60] =	vst v16;
	v16 =	vmul.f32 v19, v54;
	v19 =	vld [tilespmem:s15+$0xFFFFFFD0]  }
0x14a: {  	v18 =	vmul.f32 v18, v30;
	[tilespmem:s15+$0xFFFFFF70] =	vst v17;
	v17 =	vmul.f32 v20, v27;
	v20 =	vld [tilespmem:s15+$0xFFFFFFE0]  }
0x14b: {  	[tilespmem:s15+$0xFFFFFF90] =	vst v16;
	v16 =	vmul.f32 v25, v21;
	v21 =	vld [tilespmem:s15+$0xFFFFFFF0]  }
0x14c: {  	v10 =	vld [tilespmem:s15+$0x0];
	[tilespmem:s15+$0xFFFFFF80] =	vst v18  }
0x14d: {  	v11 =	vld [tilespmem:s15+$0x10];
	v18 =	vmul.f32 v24, v22;
	[tilespmem:s15+$0xFFFFFFA0] =	vst v17  }
0x14e: {  	v17 =	vld [tilespmem:s15+$0x20];
	[tilespmem:s15+$0xFFFFFFC0] =	vst v16;
	v16 =	vperm.xlane v26, v5;
	v7 =	vmul.f32 v19, v15  }
0x14f: {  	[tilespmem:s15+$0xFFFFFFB0] =	vst v18;
	v18 =	vld [tilespmem:s15+$0x30];
	v15 =	vperm.xlane v23, v0;
	v14 =	vmul.f32 v20, v14  }
0x150: {  	v6 =	vperm.xlane v23, v1;
	v19 =	vld [tilespmem:s15+$0x40];
	[tilespmem:s15+$0xFFFFFFD0] =	vst v7;
	v7 =	vmul.f32 v21, v16  }
0x151: {  	v20 =	vld [tilespmem:s15+$0x50];
	v16 =	vperm.xlane v23, v4;
	[tilespmem:s15+$0xFFFFFFE0] =	vst v14;
	v10 =	vmul.f32 v10, v15  }
0x152: {  	v6 =	vmul.f32 v11, v6;
	v14 =	vperm.xlane v23, v2;
	v15 =	vld [tilespmem:s15+$0x60];
	[tilespmem:s15+$0xFFFFFFF0] =	vst v7  }
0x153: {  	v11 =	vld [tilespmem:s15+$0x70];
	v7 =	vperm.xlane v23, v5;
	[tilespmem:s15+$0x0] =	vst v10;
	v10 =	vmul.f32 v17, v16  }
0x154: {  	[tilespmem:s15+$0x10] =	vst v6;
	v16 =	vld [tilespmem:s15+$0x80];
	v14 =	vmul.f32 v18, v14  }
0x155: {  	v6 =	vmul.f32 v19, v7;
	[tilespmem:s15+$0x20] =	vst v10  }
0x156: {  	v7 =	vmul.f32 v20, v8;
	[tilespmem:s15+$0x30] =	vst v14  }
0x157: {  	v8 =	vmul.f32 v15, v9;
	[tilespmem:s15+$0x40] =	vst v6  }
0x158: {  	s4 =	smul.u32 $0x600, s11;
	[tilespmem:s15+$0x50] =	vst v7;
	v6 =	vmul.f32 v11, v12  }
0x159: {  	[tilespmem:s15+$0x60] =	vst v8;
	v7 =	vmul.f32 v16, v13  }
0x15a: {  	s14 =	sshra.s32 s4, $0x2;
	[tilespmem:s15+$0x70] =	vst v6  }
0x15b: {  	s4 =	sadd.s32 $0x5100, s14;
	[tilespmem:s15+$0x80] =	vst v7  }
0x15c: {  	[spmem:s3] =	stream.indirect.scatter.add.f32 [tilespmem:s18], [sflag:$0xA], $0x50, s4, s20, $0xb8;
	[tilespmem:$0x1E700] =	vst v63  }
0x15d: {  	_ =	swait.ge [sflag:s19], $0x2800  }
0x15e: {  	[sflag:s19] =	ssyncset.done $0x0  }
0x15f: {  	[sflag:s19] =	ssyncadd.s32 $0xFFFFD800  }
0x160: {  	_ =	swait.ge [sflag:s29], $0x800  }
0x161: {  	[sflag:s29] =	ssyncset.done $0x0  }
0x162: {  	[sflag:s29] =	ssyncadd.s32 $0xFFFFF800  }
0x163: {  	_ =	swait.ge [sflag:s0], $0x800  }
0x164: {  	[sflag:s0] =	ssyncset.done $0x0  }
0x165: {  	p3 =	seq.s32 s11, $0x1A;
	[sflag:s0] =	ssyncadd.s32 $0xFFFFF800  }
0x166: {  	s13 =	smul.u32 @!p3 $0x180, s11;
	_ =	swait.ge [sflag:s5], $0x2800  }
0x167: {  	s10 =	simm.s32 @!p3 $0x80;
	[sflag:s5] =	ssyncset.done $0x0  }
0x168: {  	s15 =	simm.s32 @!p3 $0x7980;
	s4 =	sadd.s32 @!p3 $0x2A00, s13;
	[sflag:s5] =	ssyncadd.s32 $0xFFFFD800  }
0x169: {  	[tilespmem:s15], [sflag:$0x1] =	stream.indirect.gather @!p3 [hbm4b:s2+s10], $0x10, s4, s10, $0xb8;
	[tilespmem:$0x1E700] =	vst v63  }
0x16a: {  	s16 =	simm.s32 @!p3 $0x9180;
	s15 =	sadd.s32 @!p3 $0x5280, s13  }
0x16b: {  	[tilespmem:s16], [sflag:$0x4] =	stream.indirect.gather @!p3 [hbm4b:s7+s10], $0x10, s15, s10, $0xb8;
	[tilespmem:$0x1E700] =	vst v63  }
0x16c: {  	s15 =	simm.s32 @!p3 $0xA980  }
0x16d: {  	[tilespmem:s15], [sflag:$0x7] =	stream.indirect.gather @!p3 [hbm4b:s6+s10], $0x50, s4, s10, $0xb8;
	[tilespmem:$0x1E700] =	vst v63  }
0x16e: {  	s15 =	simm.s32 $0x81B0  }
0x16f: {  	s16 =	simm.s32 $0x99B0;
	v6 =	vld [tilespmem:s15+$0x0]  }
0x170: {  	v7 =	vld [tilespmem:s16+$0x0];
	_ =	sdelay $0x1  }
0x171: {  	v8 =	vld [tilespmem:s16+$0xFFFFFFD0]  }
0x172: {  	v9 =	vld [tilespmem:s15+$0xFFFFFFE0]  }
0x173: {  	v10 =	vld [tilespmem:s16+$0xFFFFFFE0]  }
0x174: {  	v11 =	vld [tilespmem:s15+$0xFFFFFFF0];
	v6 =	vadd.f32 v7, v6  }
0x175: {  	v12 =	vld [tilespmem:s16+$0xFFFFFFF0]  }
0x176: {  	v7 =	vld [tilespmem:s15+$0xFFFFFFD0];
	v13 =	vmul.f32 $2.000000030e-01, v6;
	_ =	sdelay $0x1  }
0x177: {  	v9 =	vadd.f32 v10, v9;
	v6 =	vmax.f32 v6, v13  }
0x178: {  	v6 =	vmul.f32 $1.442695020e+00, v6  }
0x179: {  	v11 =	vadd.f32 v12, v11;
	v10 =	vmul.f32 $2.000000030e-01, v9  }
0x17a: {  	v7 =	vadd.f32 v8, v7;
	(erf) = vpow2.f32 v6  }
0x17b: {  	v8 =	vmax.f32 v9, v10;
	v9 =	vmul.f32 $2.000000030e-01, v11  }
0x17c: {  	v8 =	vmul.f32 $1.442695020e+00, v8;
	v6 =	vmul.f32 $2.000000030e-01, v7  }
0x17d: {  	s17 =	simm.s32 $0x81F0  }
0x17e: {  	v19 =	vld [tilespmem:s17+$0x0];
	s16 =	simm.s32 $0x99F0;
	v9 =	vmax.f32 v11, v9;
	(erf) = vpow2.f32 v8;
	v6 =	vmax.f32 v7, v6  }
0x17f: {  	v22 =	vld [tilespmem:s16+$0x0];
	v7 =	vmul.f32 $1.442695020e+00, v9;
	v6 =	vmul.f32 $1.442695020e+00, v6;
	_ =	sdelay $0x1  }
0x180: {  	v56 =	vld [tilespmem:s17+$0xFFFFFFE0];
	(erf) = vpow2.f32 v7  }
0x181: {  	v35 =	vld [tilespmem:s17+$0xFFFFFFF0];
	s15 =	simm.s32 $0xD2B0;
	(erf) = vpow2.f32 v6  }
0x182: {  	v8 =	vld [tilespmem:s15+$0x0];
	v6 =	vpop (erf)  }
0x183: {  	v58 =	vld [tilespmem:s17+$0xFFFFFFD0];
	v19 =	vadd.f32 v22, v19;
	v15 =	vperm.xlane v6, v5  }
0x184: {  	v26 =	vld [tilespmem:s16+$0xFFFFFFD0]  }
0x185: {  	v32 =	vld [tilespmem:s16+$0xFFFFFFE0];
	v59 =	vmul.f32 $2.000000030e-01, v19  }
0x186: {  	v12 =	vld [tilespmem:s15+$0xFFFFFF00];
	v14 =	vperm.xlane v6, v0;
	v18 =	vperm.xlane v6, v1  }
0x187: {  	v16 =	vld [tilespmem:s15+$0xFFFFFF20];
	v7 =	vperm.xlane v6, v4;
	v8 =	vmul.f32 v8, v15;
	v15 =	vpop (erf)  }
0x188: {  	v9 =	vld [tilespmem:s15+$0xFFFFFED0];
	v20 =	vperm.xlane v15, v0;
	v21 =	vperm.xlane v15, v1  }
0x189: {  	v10 =	vld [tilespmem:s15+$0xFFFFFEE0];
	v23 =	vperm.xlane v15, v4;
	v24 =	vperm.xlane v15, v2;
	v25 =	vpop (erf)  }
0x18a: {  	v13 =	vld [tilespmem:s15+$0xFFFFFF10];
	v15 =	vperm.xlane v15, v5;
	v27 =	vperm.xlane v25, v0;
	v55 =	vpop (erf)  }
0x18b: {  	v11 =	vld [tilespmem:s15+$0xFFFFFEF0];
	v57 =	vperm.xlane v55, v0;
	v31 =	vperm.xlane v55, v1  }
0x18c: {  	v38 =	vld [tilespmem:s15+$0xFFFFFF40];
	v33 =	vperm.xlane v55, v4;
	v34 =	vperm.xlane v55, v2  }
0x18d: {  	v37 =	vld [tilespmem:s16+$0xFFFFFFF0];
	v28 =	vperm.xlane v55, v5;
	v9 =	vmul.f32 v9, v57  }
0x18e: {  	v17 =	vld [tilespmem:s15+$0xFFFFFF30];
	[tilespmem:s15+$0x0] =	vst v8;
	v16 =	vmul.f32 v16, v20;
	v10 =	vmul.f32 v10, v31  }
0x18f: {  	v61 =	vld [tilespmem:s15+$0xFFFFFF50];
	[tilespmem:s15+$0xFFFFFED0] =	vst v9;
	v9 =	vmul.f32 v12, v34;
	v12 =	vmul.f32 v13, v28;
	v13 =	vmax.f32 v19, v59  }
0x190: {  	v8 =	vmul.f32 v11, v33;
	v11 =	vadd.f32 v32, v56;
	[tilespmem:s15+$0xFFFFFF20] =	vst v16;
	v13 =	vmul.f32 $1.442695020e+00, v13  }
0x191: {  	v63 =	vld [tilespmem:s15+$0xFFFFFF70];
	v36 =	vperm.xlane v25, v1;
	v16 =	vmul.f32 v38, v23;
	[tilespmem:s15+$0xFFFFFEE0] =	vst v10  }
0x192: {  	v62 =	vadd.f32 v37, v35;
	v20 =	vld [tilespmem:s15+$0xFFFFFF80];
	v10 =	vmul.f32 $2.000000030e-01, v11;
	[tilespmem:s15+$0xFFFFFEF0] =	vst v8;
	(erf) = vpow2.f32 v13  }
0x193: {  	v22 =	vperm.xlane v25, v4;
	v23 =	vld [tilespmem:s15+$0xFFFFFFB0];
	v8 =	vmul.f32 v17, v21;
	v17 =	vadd.f32 v26, v58;
	[tilespmem:s15+$0xFFFFFF40] =	vst v16  }
0x194: {  	v19 =	vld [tilespmem:s15+$0xFFFFFF60];
	v21 =	vmul.f32 v61, v24;
	[tilespmem:s15+$0xFFFFFF00] =	vst v9;
	v9 =	vmax.f32 v11, v10;
	v10 =	vmul.f32 $2.000000030e-01, v62  }
0x195: {  	[tilespmem:s15+$0xFFFFFF10] =	vst v12;
	v11 =	vmul.f32 $2.000000030e-01, v17;
	v12 =	vld [tilespmem:s15+$0xFFFFFFA0];
	v9 =	vmul.f32 $1.442695020e+00, v9  }
0x196: {  	s17 =	simm.s32 $0xD3F0;
	v60 =	vperm.xlane v25, v2;
	v16 =	vmul.f32 v63, v27;
	[tilespmem:s15+$0xFFFFFF30] =	vst v8;
	v13 =	vld [tilespmem:s15+$0xFFFFFF90];
	v10 =	vmax.f32 v62, v10  }
0x197: {  	[tilespmem:s15+$0xFFFFFF50] =	vst v21;
	v21 =	vld [tilespmem:s17+$0x0];
	v8 =	vmax.f32 v17, v11;
	v10 =	vmul.f32 $1.442695020e+00, v10;
	(erf) = vpow2.f32 v9  }
0x198: {  	v17 =	vperm.xlane v25, v5;
	v9 =	vld [tilespmem:s15+$0xFFFFFFC0];
	v8 =	vmul.f32 $1.442695020e+00, v8  }
0x199: {  	v11 =	vmul.f32 v19, v15;
	v15 =	vld [tilespmem:s15+$0xFFFFFFD0];
	(erf) = vpow2.f32 v10  }
0x19a: {  	v24 =	vld [tilespmem:s17+$0xFFFFFF20];
	[tilespmem:s15+$0xFFFFFF70] =	vst v16;
	v19 =	vmul.f32 v20, v36;
	(erf) = vpow2.f32 v8  }
0x19b: {  	v16 =	vld [tilespmem:s17+$0xFFFFFED0];
	[tilespmem:s15+$0xFFFFFF60] =	vst v11;
	v12 =	vmul.f32 v12, v60;
	v8 =	vmul.f32 v13, v22;
	v22 =	vpop (erf)  }
0x19c: {  	v25 =	vld [tilespmem:s17+$0xFFFFFF30];
	[tilespmem:s15+$0xFFFFFF80] =	vst v19;
	v13 =	vmul.f32 v23, v17;
	v23 =	vperm.xlane v22, v5  }
0x19d: {  	v6 =	vperm.xlane v6, v2;
	v20 =	vld [tilespmem:s17+$0xFFFFFF10];
	[tilespmem:s15+$0xFFFFFFA0] =	vst v12;
	v14 =	vmul.f32 v9, v14  }
0x19e: {  	v10 =	vld [tilespmem:s15+$0xFFFFFFE0];
	[tilespmem:s15+$0xFFFFFF90] =	vst v8;
	v15 =	vmul.f32 v15, v18;
	v23 =	vmul.f32 v21, v23  }
0x19f: {  	v11 =	vld [tilespmem:s15+$0xFFFFFFF0];
	[tilespmem:s15+$0xFFFFFFB0] =	vst v13;
	v8 =	vperm.xlane v22, v0;
	v9 =	vperm.xlane v22, v1  }
0x1a0: {  	v19 =	vld [tilespmem:s17+$0xFFFFFF00];
	[tilespmem:s15+$0xFFFFFFC0] =	vst v14;
	v12 =	vperm.xlane v22, v4;
	v13 =	vperm.xlane v22, v2;
	v26 =	vpop (erf)  }
0x1a1: {  	v17 =	vld [tilespmem:s17+$0xFFFFFEE0];
	[tilespmem:s15+$0xFFFFFFD0] =	vst v15;
	v22 =	vperm.xlane v26, v0;
	v21 =	vperm.xlane v26, v1  }
0x1a2: {  	s10 =	simm.s32 $0x4;
	s4 =	simm.s32 $0x8230;
	v18 =	vld [tilespmem:s17+$0xFFFFFEF0];
	v15 =	vperm.xlane v26, v4;
	v14 =	vperm.xlane v26, v2;
	[tilespmem:s17+$0x0] =	vst v23;
	v23 =	vpop (erf)  }
.LBB2_9:
0x1a3: {  	v27 =	vld [tilespmem:s4+$0x0];
	v26 =	vperm.xlane v26, v5;
	v28 =	vperm.xlane v23, v0;
	s16 =	sadd.s32 $0x40, s16;
	v29 =	vpop (erf)  }
0x1a4: {  	s10 =	sadd.s32 $0x4, s10;
	v30 =	vld [tilespmem:s16+$0x0];
	v31 =	vperm.xlane v29, v0;
	v32 =	vperm.xlane v29, v1  }
0x1a5: {  	p4 =	slt.u32 s10, $0x7C;
	v34 =	vperm.xlane v29, v4;
	v35 =	vperm.xlane v29, v2;
	v33 =	vld [tilespmem:s16+$0xFFFFFFD0]  }
0x1a6: {  	v37 =	vperm.xlane v23, v1;
	v29 =	vperm.xlane v29, v5;
	v36 =	vld [tilespmem:s4+$0xFFFFFFE0]  }
0x1a7: {  	v39 =	vperm.xlane v23, v4;
	v40 =	vperm.xlane v23, v2;
	v38 =	vld [tilespmem:s16+$0xFFFFFFE0]  }
0x1a8: {  	v23 =	vperm.xlane v23, v5;
	v16 =	vmul.f32 v16, v31;
	v41 =	vld [tilespmem:s4+$0xFFFFFFF0]  }
0x1a9: {  	v17 =	vmul.f32 v17, v32;
	v18 =	vmul.f32 v18, v34;
	v31 =	vld [tilespmem:s16+$0xFFFFFFF0];
	v27 =	vadd.f32 v30, v27  }
0x1aa: {  	v30 =	vld [tilespmem:s4+$0xFFFFFFD0];
	[tilespmem:s17+$0xFFFFFED0] =	vst v16;
	v16 =	vmul.f32 v19, v35;
	v19 =	vmul.f32 v20, v29  }
0x1ab: {  	v20 =	vmul.f32 $2.000000030e-01, v27;
	[tilespmem:s17+$0xFFFFFEE0] =	vst v17;
	v17 =	vmul.f32 v24, v22;
	v22 =	vld [tilespmem:s17+$0xFFFFFF40]  }
0x1ac: {  	v10 =	vmul.f32 v10, v7;
	v24 =	vadd.f32 v38, v36;
	[tilespmem:s17+$0xFFFFFEF0] =	vst v18;
	v18 =	vmul.f32 v25, v21;
	v21 =	vld [tilespmem:s17+$0xFFFFFF50]  }
0x1ad: {  	v11 =	vmul.f32 v11, v6;
	v7 =	vmovc v12;
	v6 =	vmov v13;
	v20 =	vmax.f32 v27, v20;
	[tilespmem:s17+$0xFFFFFF00] =	vst v16;
	v16 =	vld [tilespmem:s17+$0xFFFFFF60]  }
0x1ae: {  	v12 =	vmul.f32 $2.000000030e-01, v24;
	v13 =	vadd.f32 v31, v41;
	v20 =	vmul.f32 $1.442695020e+00, v20;
	[tilespmem:s17+$0xFFFFFF10] =	vst v19;
	v19 =	vld [tilespmem:s17+$0xFFFFFF70]  }
0x1af: {  	v25 =	vadd.f32 v33, v30;
	[tilespmem:s17+$0xFFFFFF20] =	vst v17;
	v17 =	vld [tilespmem:s17+$0xFFFFFF80]  }
0x1b0: {  	v12 =	vmax.f32 v24, v12;
	v24 =	vmul.f32 $2.000000030e-01, v13;
	(erf) = vpow2.f32 v20;
	[tilespmem:s17+$0xFFFFFF30] =	vst v18;
	v18 =	vld [tilespmem:s17+$0xFFFFFF90]  }
0x1b1: {  	v20 =	vmul.f32 $2.000000030e-01, v25;
	v12 =	vmul.f32 $1.442695020e+00, v12;
	v27 =	vld [tilespmem:s17+$0xFFFFFFA0];
	[tilespmem:s15+$0xFFFFFFE0] =	vst v10  }
0x1b2: {  	v14 =	vmul.f32 v21, v14;
	v10 =	vmax.f32 v13, v24;
	v13 =	vmul.f32 v22, v15;
	v15 =	vld [tilespmem:s17+$0xFFFFFFB0];
	[tilespmem:s15+$0xFFFFFFF0] =	vst v11;
	s15 =	smov.u32 s17  }
0x1b3: {  	v11 =	vmax.f32 v25, v20;
	v10 =	vmul.f32 $1.442695020e+00, v10;
	(erf) = vpow2.f32 v12;
	v12 =	vld [tilespmem:s17+$0xFFFFFFC0]  }
0x1b4: {  	v11 =	vmul.f32 $1.442695020e+00, v11;
	[tilespmem:s17+$0xFFFFFF40] =	vst v13;
	v13 =	vmul.f32 v16, v26;
	v20 =	vld [tilespmem:s17+$0xFFFFFFD0]  }
0x1b5: {  	(erf) = vpow2.f32 v10;
	[tilespmem:s17+$0xFFFFFF50] =	vst v14;
	v14 =	vmul.f32 v19, v28;
	v10 =	vld [tilespmem:s17+$0xFFFFFFE0]  }
0x1b6: {  	s17 =	sadd.s32 $0x140, s17;
	(erf) = vpow2.f32 v11;
	[tilespmem:s15+$0xFFFFFF60] =	vst v13;
	v13 =	vmul.f32 v17, v37;
	v11 =	vld [tilespmem:s15+$0xFFFFFFF0]  }
0x1b7: {  	v19 =	vmul.f32 v27, v40;
	v21 =	vld [tilespmem:s17+$0x0];
	[tilespmem:s15+$0xFFFFFF70] =	vst v14;
	v14 =	vmul.f32 v18, v39  }
0x1b8: {  	v16 =	vld [tilespmem:s17+$0xFFFFFED0];
	[tilespmem:s15+$0xFFFFFF80] =	vst v13;
	v13 =	vmul.f32 v15, v23;
	v15 =	vmul.f32 v12, v8  }
0x1b9: {  	v17 =	vld [tilespmem:s17+$0xFFFFFEE0];
	v22 =	vpop (erf);
	[tilespmem:s15+$0xFFFFFF90] =	vst v14;
	v14 =	vmul.f32 v20, v9  }
.Ltmp3:
0x1ba: {  	v18 =	vld [tilespmem:s17+$0xFFFFFEF0];
	v8 =	vperm.xlane v22, v0;
	v23 =	vperm.xlane v22, v5;
	[tilespmem:s15+$0xFFFFFFA0] =	vst v19;
	(pc) =	sbr.rel @p4 .LBB2_9-.Ltmp3, $4  }
0x1bb: {  	v9 =	vperm.xlane v22, v1;
	v12 =	vperm.xlane v22, v4;
	v19 =	vld [tilespmem:s17+$0xFFFFFF00];
	[tilespmem:s15+$0xFFFFFFB0] =	vst v13  }
0x1bc: {  	v13 =	vperm.xlane v22, v2;
	v20 =	vld [tilespmem:s17+$0xFFFFFF10];
	v27 =	vmul.f32 v21, v23;
	v26 =	vpop (erf);
	[tilespmem:s15+$0xFFFFFFC0] =	vst v15  }
0x1bd: {  	v22 =	vperm.xlane v26, v0;
	v24 =	vld [tilespmem:s17+$0xFFFFFF20];
	v21 =	vperm.xlane v26, v1;
	[tilespmem:s15+$0xFFFFFFD0] =	vst v14  }
0x1be: {  	s4 =	sadd.s32 $0x40, s4;
	v15 =	vperm.xlane v26, v4;
	v14 =	vperm.xlane v26, v2;
	v25 =	vld [tilespmem:s17+$0xFFFFFF30];
	[tilespmem:s17+$0x0] =	vst v27;
	v23 =	vpop (erf)  }
0x1bf: {  	v27 =	vpop (erf);
	v7 =	vmul.f32 v10, v7  }
0x1c0: {  	v6 =	vmul.f32 v11, v6;
	v28 =	vperm.xlane v27, v0  }
0x1c1: {  	v29 =	vperm.xlane v27, v1;
	v30 =	vperm.xlane v27, v4  }
0x1c2: {  	v54 =	vperm.xlane v27, v2;
	[tilespmem:s15+$0xFFFFFFE0] =	vst v7;
	v16 =	vmul.f32 v16, v28  }
0x1c3: {  	v27 =	vperm.xlane v27, v5;
	[tilespmem:s15+$0xFFFFFFF0] =	vst v6;
	v17 =	vmul.f32 v17, v29  }
0x1c4: {  	[tilespmem:s17+$0xFFFFFED0] =	vst v16;
	v16 =	vmul.f32 v19, v54;
	v19 =	vld [tilespmem:s17+$0xFFFFFF40]  }
0x1c5: {  	v18 =	vmul.f32 v18, v30;
	[tilespmem:s17+$0xFFFFFEE0] =	vst v17;
	v17 =	vmul.f32 v20, v27;
	v20 =	vld [tilespmem:s17+$0xFFFFFF50]  }
0x1c6: {  	[tilespmem:s17+$0xFFFFFF00] =	vst v16;
	v16 =	vmul.f32 v25, v21;
	v21 =	vld [tilespmem:s17+$0xFFFFFF60]  }
0x1c7: {  	v10 =	vld [tilespmem:s17+$0xFFFFFF70];
	[tilespmem:s17+$0xFFFFFEF0] =	vst v18  }
0x1c8: {  	v11 =	vld [tilespmem:s17+$0xFFFFFF80];
	v18 =	vmul.f32 v24, v22;
	[tilespmem:s17+$0xFFFFFF10] =	vst v17  }
0x1c9: {  	v17 =	vld [tilespmem:s17+$0xFFFFFF90];
	[tilespmem:s17+$0xFFFFFF30] =	vst v16;
	v16 =	vperm.xlane v26, v5;
	v7 =	vmul.f32 v19, v15  }
0x1ca: {  	[tilespmem:s17+$0xFFFFFF20] =	vst v18;
	v18 =	vld [tilespmem:s17+$0xFFFFFFA0];
	v15 =	vperm.xlane v23, v0;
	v14 =	vmul.f32 v20, v14  }
0x1cb: {  	v6 =	vperm.xlane v23, v1;
	v19 =	vld [tilespmem:s17+$0xFFFFFFB0];
	[tilespmem:s17+$0xFFFFFF40] =	vst v7;
	v7 =	vmul.f32 v21, v16  }
0x1cc: {  	v20 =	vld [tilespmem:s17+$0xFFFFFFC0];
	v16 =	vperm.xlane v23, v4;
	[tilespmem:s17+$0xFFFFFF50] =	vst v14;
	v10 =	vmul.f32 v10, v15  }
0x1cd: {  	v6 =	vmul.f32 v11, v6;
	v14 =	vperm.xlane v23, v2;
	v15 =	vld [tilespmem:s17+$0xFFFFFFD0];
	[tilespmem:s17+$0xFFFFFF60] =	vst v7  }
0x1ce: {  	v11 =	vld [tilespmem:s17+$0xFFFFFFE0];
	v7 =	vperm.xlane v23, v5;
	[tilespmem:s17+$0xFFFFFF70] =	vst v10;
	v10 =	vmul.f32 v17, v16  }
0x1cf: {  	[tilespmem:s17+$0xFFFFFF80] =	vst v6;
	v16 =	vld [tilespmem:s17+$0xFFFFFFF0];
	v14 =	vmul.f32 v18, v14  }
0x1d0: {  	v6 =	vmul.f32 v19, v7;
	[tilespmem:s17+$0xFFFFFF90] =	vst v10  }
0x1d1: {  	v7 =	vmul.f32 v20, v8;
	[tilespmem:s17+$0xFFFFFFA0] =	vst v14  }
0x1d2: {  	v8 =	vmul.f32 v15, v9;
	[tilespmem:s17+$0xFFFFFFB0] =	vst v6  }
0x1d3: {  	[tilespmem:s17+$0xFFFFFFC0] =	vst v7;
	v6 =	vmul.f32 v11, v12  }
0x1d4: {  	[tilespmem:s17+$0xFFFFFFD0] =	vst v8;
	v7 =	vmul.f32 v16, v13  }
0x1d5: {  	[tilespmem:s17+$0xFFFFFFE0] =	vst v6  }
0x1d6: {  	s4 =	sadd.s32 $0x5180, s14;
	[tilespmem:s17+$0xFFFFFFF0] =	vst v7  }
0x1d7: {  	[spmem:s3] =	stream.indirect.scatter.add.f32 [tilespmem:s30], [sflag:$0xA], $0x50, s4, s20, $0xb8;
	[tilespmem:$0x1E700] =	vst v63  }
0x1d8: {  	_ =	swait.ge [sflag:s19], $0x2800  }
0x1d9: {  	[sflag:s19] =	ssyncset.done $0x0  }
0x1da: {  	[sflag:s19] =	ssyncadd.s32 $0xFFFFD800  }
0x1db: {  	_ =	swait.ge [sflag:s21], $0x800  }
0x1dc: {  	[sflag:s21] =	ssyncset.done $0x0  }
0x1dd: {  	[sflag:s21] =	ssyncadd.s32 $0xFFFFF800  }
0x1de: {  	_ =	swait.ge [sflag:s8], $0x800  }
0x1df: {  	[sflag:s8] =	ssyncset.done $0x0  }
0x1e0: {  	[sflag:s8] =	ssyncadd.s32 $0xFFFFF800  }
0x1e1: {  	_ =	swait.ge [sflag:s9], $0x2800  }
0x1e2: {  	s10 =	simm.s32 @!p3 $0x80;
	[sflag:s9] =	ssyncset.done $0x0  }
0x1e3: {  	s14 =	simm.s32 @!p3 $0x8180;
	s4 =	sadd.s32 @!p3 $0x2A80, s13;
	[sflag:s9] =	ssyncadd.s32 $0xFFFFD800  }
0x1e4: {  	[tilespmem:s14], [sflag:$0x2] =	stream.indirect.gather @!p3 [hbm4b:s2+s10], $0x10, s4, s10, $0xb8;
	[tilespmem:$0x1E700] =	vst v63  }
0x1e5: {  	s13 =	sadd.s32 @!p3 $0x5300, s13;
	s14 =	simm.s32 @!p3 $0x9980  }
0x1e6: {  	[tilespmem:s14], [sflag:$0x5] =	stream.indirect.gather @!p3 [hbm4b:s7+s10], $0x10, s13, s10, $0xb8;
	[tilespmem:$0x1E700] =	vst v63  }
0x1e7: {  	s15 =	simm.s32 $0x89B0;
	s13 =	simm.s32 @!p3 $0xD180  }
0x1e8: {  	[tilespmem:s13], [sflag:$0x8] =	stream.indirect.gather @!p3 [hbm4b:s6+s10], $0x50, s4, s10, $0xb8;
	[tilespmem:$0x1E700] =	vst v63  }
0x1e9: {  	s16 =	simm.s32 $0xA1B0;
	v6 =	vld [tilespmem:s15+$0x0]  }
0x1ea: {  	v7 =	vld [tilespmem:s16+$0x0];
	_ =	sdelay $0x1  }
0x1eb: {  	v8 =	vld [tilespmem:s16+$0xFFFFFFD0]  }
0x1ec: {  	v9 =	vld [tilespmem:s15+$0xFFFFFFE0]  }
0x1ed: {  	v10 =	vld [tilespmem:s16+$0xFFFFFFE0]  }
0x1ee: {  	v11 =	vld [tilespmem:s15+$0xFFFFFFF0];
	v6 =	vadd.f32 v7, v6  }
0x1ef: {  	v12 =	vld [tilespmem:s16+$0xFFFFFFF0]  }
0x1f0: {  	v7 =	vld [tilespmem:s15+$0xFFFFFFD0];
	v13 =	vmul.f32 $2.000000030e-01, v6;
	_ =	sdelay $0x1  }
0x1f1: {  	v9 =	vadd.f32 v10, v9;
	v6 =	vmax.f32 v6, v13  }
0x1f2: {  	v6 =	vmul.f32 $1.442695020e+00, v6  }
0x1f3: {  	v11 =	vadd.f32 v12, v11;
	v10 =	vmul.f32 $2.000000030e-01, v9  }
0x1f4: {  	v7 =	vadd.f32 v8, v7;
	(erf) = vpow2.f32 v6  }
0x1f5: {  	v8 =	vmax.f32 v9, v10;
	v9 =	vmul.f32 $2.000000030e-01, v11  }
0x1f6: {  	v8 =	vmul.f32 $1.442695020e+00, v8;
	v6 =	vmul.f32 $2.000000030e-01, v7  }
0x1f7: {  	s17 =	simm.s32 $0x89F0  }
0x1f8: {  	s14 =	simm.s32 $0xA1F0;
	v19 =	vld [tilespmem:s17+$0x0];
	v9 =	vmax.f32 v11, v9;
	(erf) = vpow2.f32 v8;
	v6 =	vmax.f32 v7, v6  }
0x1f9: {  	v22 =	vld [tilespmem:s14+$0x0];
	v7 =	vmul.f32 $1.442695020e+00, v9;
	v6 =	vmul.f32 $1.442695020e+00, v6  }
0x1fa: {  	s13 =	simm.s32 $0xFAB0  }
0x1fb: {  	v16 =	vld [tilespmem:s13+$0xFFFFFF20];
	(erf) = vpow2.f32 v7  }
0x1fc: {  	v17 =	vld [tilespmem:s13+$0xFFFFFF30];
	(erf) = vpow2.f32 v6  }
0x1fd: {  	v8 =	vld [tilespmem:s13+$0x0];
	v6 =	vpop (erf)  }
0x1fe: {  	v26 =	vld [tilespmem:s14+$0xFFFFFFD0];
	v19 =	vadd.f32 v22, v19;
	v15 =	vperm.xlane v6, v5  }
0x1ff: {  	v56 =	vld [tilespmem:s17+$0xFFFFFFE0]  }
0x200: {  	v32 =	vld [tilespmem:s14+$0xFFFFFFE0];
	v59 =	vmul.f32 $2.000000030e-01, v19  }
0x201: {  	v35 =	vld [tilespmem:s17+$0xFFFFFFF0];
	v14 =	vperm.xlane v6, v0;
	v18 =	vperm.xlane v6, v1  }
0x202: {  	v12 =	vld [tilespmem:s13+$0xFFFFFF00];
	v7 =	vperm.xlane v6, v4;
	v8 =	vmul.f32 v8, v15;
	v15 =	vpop (erf)  }
0x203: {  	v9 =	vld [tilespmem:s13+$0xFFFFFED0];
	v20 =	vperm.xlane v15, v0;
	v21 =	vperm.xlane v15, v1  }
0x204: {  	v10 =	vld [tilespmem:s13+$0xFFFFFEE0];
	v23 =	vperm.xlane v15, v4;
	v24 =	vperm.xlane v15, v2;
	v25 =	vpop (erf)  }
0x205: {  	v13 =	vld [tilespmem:s13+$0xFFFFFF10];
	v15 =	vperm.xlane v15, v5;
	v27 =	vperm.xlane v25, v0;
	v55 =	vpop (erf)  }
0x206: {  	v11 =	vld [tilespmem:s13+$0xFFFFFEF0];
	v57 =	vperm.xlane v55, v0;
	v31 =	vperm.xlane v55, v1  }
0x207: {  	v38 =	vld [tilespmem:s13+$0xFFFFFF40];
	v33 =	vperm.xlane v55, v4;
	v34 =	vperm.xlane v55, v2  }
0x208: {  	v37 =	vld [tilespmem:s14+$0xFFFFFFF0];
	v28 =	vperm.xlane v55, v5;
	v9 =	vmul.f32 v9, v57  }
0x209: {  	v58 =	vld [tilespmem:s17+$0xFFFFFFD0];
	[tilespmem:s13+$0x0] =	vst v8;
	v16 =	vmul.f32 v16, v20;
	v10 =	vmul.f32 v10, v31  }
0x20a: {  	v61 =	vld [tilespmem:s13+$0xFFFFFF50];
	[tilespmem:s13+$0xFFFFFED0] =	vst v9;
	v9 =	vmul.f32 v12, v34;
	v12 =	vmul.f32 v13, v28;
	v13 =	vmax.f32 v19, v59  }
0x20b: {  	v8 =	vmul.f32 v11, v33;
	v11 =	vadd.f32 v32, v56;
	[tilespmem:s13+$0xFFFFFF20] =	vst v16;
	v13 =	vmul.f32 $1.442695020e+00, v13  }
0x20c: {  	v63 =	vld [tilespmem:s13+$0xFFFFFF70];
	v36 =	vperm.xlane v25, v1;
	v16 =	vmul.f32 v38, v23;
	[tilespmem:s13+$0xFFFFFEE0] =	vst v10  }
0x20d: {  	v62 =	vadd.f32 v37, v35;
	v20 =	vld [tilespmem:s13+$0xFFFFFF80];
	v10 =	vmul.f32 $2.000000030e-01, v11;
	[tilespmem:s13+$0xFFFFFEF0] =	vst v8;
	(erf) = vpow2.f32 v13  }
0x20e: {  	v22 =	vperm.xlane v25, v4;
	v23 =	vld [tilespmem:s13+$0xFFFFFFB0];
	v8 =	vmul.f32 v17, v21;
	v17 =	vadd.f32 v26, v58;
	[tilespmem:s13+$0xFFFFFF40] =	vst v16  }
0x20f: {  	v19 =	vld [tilespmem:s13+$0xFFFFFF60];
	v21 =	vmul.f32 v61, v24;
	[tilespmem:s13+$0xFFFFFF00] =	vst v9;
	v9 =	vmax.f32 v11, v10;
	v10 =	vmul.f32 $2.000000030e-01, v62  }
0x210: {  	[tilespmem:s13+$0xFFFFFF10] =	vst v12;
	v11 =	vmul.f32 $2.000000030e-01, v17;
	v12 =	vld [tilespmem:s13+$0xFFFFFFA0];
	v9 =	vmul.f32 $1.442695020e+00, v9  }
0x211: {  	s15 =	simm.s32 $0xFBF0;
	v60 =	vperm.xlane v25, v2;
	v16 =	vmul.f32 v63, v27;
	[tilespmem:s13+$0xFFFFFF30] =	vst v8;
	v13 =	vld [tilespmem:s13+$0xFFFFFF90];
	v10 =	vmax.f32 v62, v10  }
0x212: {  	[tilespmem:s13+$0xFFFFFF50] =	vst v21;
	v21 =	vld [tilespmem:s15+$0x0];
	v8 =	vmax.f32 v17, v11;
	v10 =	vmul.f32 $1.442695020e+00, v10;
	(erf) = vpow2.f32 v9  }
0x213: {  	v17 =	vperm.xlane v25, v5;
	v9 =	vld [tilespmem:s13+$0xFFFFFFC0];
	v8 =	vmul.f32 $1.442695020e+00, v8  }
0x214: {  	v11 =	vmul.f32 v19, v15;
	v15 =	vld [tilespmem:s13+$0xFFFFFFD0];
	(erf) = vpow2.f32 v10  }
0x215: {  	v24 =	vld [tilespmem:s15+$0xFFFFFF20];
	[tilespmem:s13+$0xFFFFFF70] =	vst v16;
	v19 =	vmul.f32 v20, v36;
	(erf) = vpow2.f32 v8  }
0x216: {  	v16 =	vld [tilespmem:s15+$0xFFFFFED0];
	[tilespmem:s13+$0xFFFFFF60] =	vst v11;
	v12 =	vmul.f32 v12, v60;
	v8 =	vmul.f32 v13, v22;
	v22 =	vpop (erf)  }
0x217: {  	v25 =	vld [tilespmem:s15+$0xFFFFFF30];
	[tilespmem:s13+$0xFFFFFF80] =	vst v19;
	v13 =	vmul.f32 v23, v17;
	v23 =	vperm.xlane v22, v5  }
0x218: {  	v6 =	vperm.xlane v6, v2;
	v20 =	vld [tilespmem:s15+$0xFFFFFF10];
	[tilespmem:s13+$0xFFFFFFA0] =	vst v12;
	v14 =	vmul.f32 v9, v14  }
0x219: {  	v10 =	vld [tilespmem:s13+$0xFFFFFFE0];
	[tilespmem:s13+$0xFFFFFF90] =	vst v8;
	v15 =	vmul.f32 v15, v18;
	v23 =	vmul.f32 v21, v23  }
0x21a: {  	v11 =	vld [tilespmem:s13+$0xFFFFFFF0];
	[tilespmem:s13+$0xFFFFFFB0] =	vst v13;
	v8 =	vperm.xlane v22, v0;
	v9 =	vperm.xlane v22, v1  }
0x21b: {  	v19 =	vld [tilespmem:s15+$0xFFFFFF00];
	[tilespmem:s13+$0xFFFFFFC0] =	vst v14;
	v12 =	vperm.xlane v22, v4;
	v13 =	vperm.xlane v22, v2;
	v26 =	vpop (erf)  }
0x21c: {  	v17 =	vld [tilespmem:s15+$0xFFFFFEE0];
	[tilespmem:s13+$0xFFFFFFD0] =	vst v15;
	v22 =	vperm.xlane v26, v0;
	v21 =	vperm.xlane v26, v1  }
0x21d: {  	s10 =	simm.s32 $0x4;
	s4 =	simm.s32 $0x8A30;
	v18 =	vld [tilespmem:s15+$0xFFFFFEF0];
	v15 =	vperm.xlane v26, v4;
	v14 =	vperm.xlane v26, v2;
	[tilespmem:s15+$0x0] =	vst v23;
	v23 =	vpop (erf)  }
.LBB2_11:
0x21e: {  	v27 =	vld [tilespmem:s4+$0x0];
	v26 =	vperm.xlane v26, v5;
	v28 =	vperm.xlane v23, v0;
	s14 =	sadd.s32 $0x40, s14;
	v29 =	vpop (erf)  }
0x21f: {  	s10 =	sadd.s32 $0x4, s10;
	v30 =	vld [tilespmem:s14+$0x0];
	v31 =	vperm.xlane v29, v0;
	v32 =	vperm.xlane v29, v1  }
0x220: {  	p3 =	slt.u32 s10, $0x7C;
	v34 =	vperm.xlane v29, v4;
	v35 =	vperm.xlane v29, v2;
	v33 =	vld [tilespmem:s14+$0xFFFFFFD0]  }
0x221: {  	v37 =	vperm.xlane v23, v1;
	v29 =	vperm.xlane v29, v5;
	v36 =	vld [tilespmem:s4+$0xFFFFFFE0]  }
0x222: {  	v39 =	vperm.xlane v23, v4;
	v40 =	vperm.xlane v23, v2;
	v38 =	vld [tilespmem:s14+$0xFFFFFFE0]  }
0x223: {  	v23 =	vperm.xlane v23, v5;
	v16 =	vmul.f32 v16, v31;
	v41 =	vld [tilespmem:s4+$0xFFFFFFF0]  }
0x224: {  	v17 =	vmul.f32 v17, v32;
	v18 =	vmul.f32 v18, v34;
	v31 =	vld [tilespmem:s14+$0xFFFFFFF0];
	v27 =	vadd.f32 v30, v27  }
0x225: {  	v30 =	vld [tilespmem:s4+$0xFFFFFFD0];
	[tilespmem:s15+$0xFFFFFED0] =	vst v16;
	v16 =	vmul.f32 v19, v35;
	v19 =	vmul.f32 v20, v29  }
0x226: {  	v20 =	vmul.f32 $2.000000030e-01, v27;
	[tilespmem:s15+$0xFFFFFEE0] =	vst v17;
	v17 =	vmul.f32 v24, v22;
	v22 =	vld [tilespmem:s15+$0xFFFFFF40]  }
0x227: {  	v10 =	vmul.f32 v10, v7;
	v24 =	vadd.f32 v38, v36;
	[tilespmem:s15+$0xFFFFFEF0] =	vst v18;
	v18 =	vmul.f32 v25, v21;
	v21 =	vld [tilespmem:s15+$0xFFFFFF50]  }
0x228: {  	v11 =	vmul.f32 v11, v6;
	v7 =	vmovc v12;
	v6 =	vmov v13;
	v20 =	vmax.f32 v27, v20;
	[tilespmem:s15+$0xFFFFFF00] =	vst v16;
	v16 =	vld [tilespmem:s15+$0xFFFFFF60]  }
0x229: {  	v12 =	vmul.f32 $2.000000030e-01, v24;
	v13 =	vadd.f32 v31, v41;
	v20 =	vmul.f32 $1.442695020e+00, v20;
	[tilespmem:s15+$0xFFFFFF10] =	vst v19;
	v19 =	vld [tilespmem:s15+$0xFFFFFF70]  }
0x22a: {  	v25 =	vadd.f32 v33, v30;
	[tilespmem:s15+$0xFFFFFF20] =	vst v17;
	v17 =	vld [tilespmem:s15+$0xFFFFFF80]  }
0x22b: {  	v12 =	vmax.f32 v24, v12;
	v24 =	vmul.f32 $2.000000030e-01, v13;
	(erf) = vpow2.f32 v20;
	[tilespmem:s15+$0xFFFFFF30] =	vst v18;
	v18 =	vld [tilespmem:s15+$0xFFFFFF90]  }
0x22c: {  	v20 =	vmul.f32 $2.000000030e-01, v25;
	v12 =	vmul.f32 $1.442695020e+00, v12;
	v27 =	vld [tilespmem:s15+$0xFFFFFFA0];
	[tilespmem:s13+$0xFFFFFFE0] =	vst v10  }
0x22d: {  	v14 =	vmul.f32 v21, v14;
	v10 =	vmax.f32 v13, v24;
	v13 =	vmul.f32 v22, v15;
	v15 =	vld [tilespmem:s15+$0xFFFFFFB0];
	[tilespmem:s13+$0xFFFFFFF0] =	vst v11;
	s13 =	smov.u32 s15  }
0x22e: {  	v11 =	vmax.f32 v25, v20;
	v10 =	vmul.f32 $1.442695020e+00, v10;
	(erf) = vpow2.f32 v12;
	v12 =	vld [tilespmem:s15+$0xFFFFFFC0]  }
0x22f: {  	v11 =	vmul.f32 $1.442695020e+00, v11;
	[tilespmem:s15+$0xFFFFFF40] =	vst v13;
	v13 =	vmul.f32 v16, v26;
	v20 =	vld [tilespmem:s15+$0xFFFFFFD0]  }
0x230: {  	(erf) = vpow2.f32 v10;
	[tilespmem:s15+$0xFFFFFF50] =	vst v14;
	v14 =	vmul.f32 v19, v28;
	v10 =	vld [tilespmem:s15+$0xFFFFFFE0]  }
0x231: {  	s15 =	sadd.s32 $0x140, s15;
	(erf) = vpow2.f32 v11;
	[tilespmem:s13+$0xFFFFFF60] =	vst v13;
	v13 =	vmul.f32 v17, v37;
	v11 =	vld [tilespmem:s13+$0xFFFFFFF0]  }
0x232: {  	v19 =	vmul.f32 v27, v40;
	v21 =	vld [tilespmem:s15+$0x0];
	[tilespmem:s13+$0xFFFFFF70] =	vst v14;
	v14 =	vmul.f32 v18, v39  }
0x233: {  	v16 =	vld [tilespmem:s15+$0xFFFFFED0];
	[tilespmem:s13+$0xFFFFFF80] =	vst v13;
	v13 =	vmul.f32 v15, v23;
	v15 =	vmul.f32 v12, v8  }
0x234: {  	v17 =	vld [tilespmem:s15+$0xFFFFFEE0];
	v22 =	vpop (erf);
	[tilespmem:s13+$0xFFFFFF90] =	vst v14;
	v14 =	vmul.f32 v20, v9  }
.Ltmp4:
0x235: {  	v18 =	vld [tilespmem:s15+$0xFFFFFEF0];
	v8 =	vperm.xlane v22, v0;
	v23 =	vperm.xlane v22, v5;
	[tilespmem:s13+$0xFFFFFFA0] =	vst v19;
	(pc) =	sbr.rel @p3 .LBB2_11-.Ltmp4, $4  }
0x236: {  	v9 =	vperm.xlane v22, v1;
	v12 =	vperm.xlane v22, v4;
	v19 =	vld [tilespmem:s15+$0xFFFFFF00];
	[tilespmem:s13+$0xFFFFFFB0] =	vst v13  }
0x237: {  	v13 =	vperm.xlane v22, v2;
	v20 =	vld [tilespmem:s15+$0xFFFFFF10];
	v27 =	vmul.f32 v21, v23;
	v26 =	vpop (erf);
	[tilespmem:s13+$0xFFFFFFC0] =	vst v15  }
0x238: {  	v22 =	vperm.xlane v26, v0;
	v24 =	vld [tilespmem:s15+$0xFFFFFF20];
	v21 =	vperm.xlane v26, v1;
	[tilespmem:s13+$0xFFFFFFD0] =	vst v14  }
0x239: {  	s4 =	sadd.s32 $0x40, s4;
	v15 =	vperm.xlane v26, v4;
	v14 =	vperm.xlane v26, v2;
	v25 =	vld [tilespmem:s15+$0xFFFFFF30];
	[tilespmem:s15+$0x0] =	vst v27;
	v23 =	vpop (erf)  }
0x23a: {  	v27 =	vpop (erf)  }
0x23b: {  	v7 =	vmul.f32 v10, v7;
	v28 =	vperm.xlane v27, v0  }
0x23c: {  	v6 =	vmul.f32 v11, v6;
	v29 =	vperm.xlane v27, v1  }
0x23d: {  	v30 =	vperm.xlane v27, v4;
	[tilespmem:s13+$0xFFFFFFE0] =	vst v7;
	v16 =	vmul.f32 v16, v28  }
0x23e: {  	v41 =	vperm.xlane v27, v2;
	[tilespmem:s13+$0xFFFFFFF0] =	vst v6;
	v17 =	vmul.f32 v17, v29  }
0x23f: {  	v44 =	vld [tilespmem:s15+$0xFFFFFF40];
	v27 =	vperm.xlane v27, v5;
	v18 =	vmul.f32 v18, v30;
	[tilespmem:s15+$0xFFFFFED0] =	vst v16  }
0x240: {  	v46 =	vld [tilespmem:s15+$0xFFFFFF50];
	v42 =	vmul.f32 v19, v41;
	[tilespmem:s15+$0xFFFFFEE0] =	vst v17  }
0x241: {  	v49 =	vld [tilespmem:s15+$0xFFFFFF70];
	v43 =	vmul.f32 v20, v27;
	[tilespmem:s15+$0xFFFFFEF0] =	vst v18  }
0x242: {  	v50 =	vld [tilespmem:s15+$0xFFFFFF80];
	v45 =	vmul.f32 v24, v22;
	[tilespmem:s15+$0xFFFFFF00] =	vst v42  }
0x243: {  	v48 =	vld [tilespmem:s15+$0xFFFFFF60];
	v47 =	vmul.f32 v25, v21;
	[tilespmem:s15+$0xFFFFFF10] =	vst v43  }
0x244: {  	v52 =	vld [tilespmem:s15+$0xFFFFFF90];
	v53 =	vperm.xlane v23, v0;
	[tilespmem:s15+$0xFFFFFF20] =	vst v45;
	v7 =	vmul.f32 v44, v15  }
0x245: {  	v59 =	vld [tilespmem:s15+$0xFFFFFFD0];
	v6 =	vperm.xlane v23, v1;
	v14 =	vmul.f32 v46, v14;
	[tilespmem:s15+$0xFFFFFF30] =	vst v47  }
0x246: {  	v51 =	vperm.xlane v26, v5;
	v54 =	vld [tilespmem:s15+$0xFFFFFFA0];
	v10 =	vmul.f32 v49, v53;
	[tilespmem:s15+$0xFFFFFF40] =	vst v7  }
0x247: {  	v55 =	vld [tilespmem:s15+$0xFFFFFFB0];
	v56 =	vperm.xlane v23, v4;
	v6 =	vmul.f32 v50, v6;
	[tilespmem:s15+$0xFFFFFF50] =	vst v14  }
0x248: {  	v57 =	vld [tilespmem:s15+$0xFFFFFFC0];
	v7 =	vmul.f32 v48, v51;
	[tilespmem:s15+$0xFFFFFF70] =	vst v10  }
0x249: {  	v58 =	vperm.xlane v23, v2;
	v60 =	vld [tilespmem:s15+$0xFFFFFFE0];
	v61 =	vmul.f32 v52, v56;
	[tilespmem:s15+$0xFFFFFF80] =	vst v6  }
0x24a: {  	v62 =	vld [tilespmem:s15+$0xFFFFFFF0];
	v63 =	vmul.f32 v59, v9;
	[tilespmem:s15+$0xFFFFFF60] =	vst v7;
	v7 =	vperm.xlane v23, v5  }
0x24b: {  	v14 =	vmul.f32 v54, v58;
	[tilespmem:s15+$0xFFFFFF90] =	vst v61  }
0x24c: {  	[tilespmem:s15+$0xFFFFFFD0] =	vst v63;
	v6 =	vmul.f32 v55, v7  }
0x24d: {  	[tilespmem:s15+$0xFFFFFFA0] =	vst v14;
	v7 =	vmul.f32 v57, v8  }
0x24e: {  	[tilespmem:s15+$0xFFFFFFB0] =	vst v6;
	v6 =	vmul.f32 v60, v12  }
0x24f: {  	s11 =	sadd.s32 $0x1, s11;
	[tilespmem:s15+$0xFFFFFFC0] =	vst v7;
	v7 =	vmul.f32 v62, v13  }
0x250: {  	s4 =	sand.u32 $0x3FFFFF80, s12;
	p3 =	sne.s32 s11, $0x1B;
	[tilespmem:s15+$0xFFFFFFE0] =	vst v6  }
.Ltmp5:
0x251: {  	s4 =	sadd.s32 $0x5100, s4;
	[tilespmem:s15+$0xFFFFFFF0] =	vst v7;
	(pc) =	sbr.rel @p3 .LBB2_6-.Ltmp5, $4  }
0x252: {  	[spmem:s3] =	stream.indirect.scatter.add.f32 [tilespmem:s26], [sflag:$0xA], $0x50, s4, s20, $0xb8;
	[tilespmem:$0x1E700] =	vst v63  }
0x253: {  	_ =	swait.ge [sflag:s19], $0x2800  }
0x254: {  	[sflag:s19] =	ssyncset.done $0x0  }
0x255: {  	[sflag:s19] =	ssyncadd.s32 $0xFFFFD800  }
0x256: {  	s4 =	stileid.u32;
	[bflag:$0x0] =	sbarrier.arrive $0xFFFF  }
0x257: {  	s12 =	simm.s32 $0x10;
	s4 =	sshll.u32 s4, $0x6;
	s16 =	rddreg [dreg:$0x8]  }
0x258: {  	s11 =	rddreg [dreg:$0xe];
	s4 =	sor.u32 $0x1C0A, s4;
	s10 =	sshrl.u32 s16, $0x3  }
0x259: {  	[hbm:s11@s12], [sflag:s4] =	dma.strided [spmem:s10@s19], $0x18B0, s31, $0xa   }
0x25a: {  	_ =	swait.ge [sflag:s19], $0x18B0  }
0x25b: {  	s15 =	rddreg [dreg:$0x4]  }
0x25c: {  	s17 =	rddreg [dreg:$0xf];
	s11 =	sadd.s32 $0x1, s15  }
0x25d: {  	p3 =	sne.s32 s11, s17  }
.Ltmp6:
0x25e: {  	_ = 	snop;
	(pc) =	sbr.rel @p3 .LBB2_1-.Ltmp6, $3  }
0x25f: {  	_ =	sdelay $0x1  }
0x260: {  	[sflag:s19] =	ssyncset.done $0x0  }
0x261: {  	[sflag:s19] =	ssyncadd.s32 $0xFFFFE750  }
0x262: {  	_ =	sfence.sel $0x180000  }
0x263: {  	[bflag:$0x0] =	sbarrier.arrive $0xFFFF  }
0x264: {  	_ =	strace $0x90000047  }
0x265: {  	s0 =	stileid.u32;
	[bflag:$0x2] =	sbarrier.arrive $0xFFFF  }
0x266: {  	p0 =	sne.s32 s0, $0x0;
	s0 =	rddreg [dreg:$0x3]  }
0x267: {  	s0 =	sadd.s32 @!p0 $0x100000, s0  }
0x268: {  	[sflag:s0] =	ssyncadd.tile.s32 @!p0 $0x1;
	_ =	shalt  }
.Lfunc_end2:
_tile_overlayer_lowered:
.L_overlay_start_2:
0x269: {  	(tag) =	ssettag $0x2  }
0x26a: {  	s0 =	rddreg [dreg:$0x0];
	s2 =	stileid.u32  }
0x26b: {  	s1 =	rddreg [dreg:$0x1];
	p0 =	sne.s32 s2, $0x0  }
0x26c: {  	s3 =	rddreg [dreg:$0x2];
	[bflag:$0x3] =	sbarrier.arrive $0xFFFF;
	s2 =	simm.s32 @!p0 $0x1C0A  }
0x26d: {  	[timem:s3], [sflag:s2] =	dma.local @!p0 [hbm:s0], s1  }
0x26e: {  	s0 =	simm.s32 @!p0 $0xA  }
0x26f: {  	_ =	swait.ge @!p0 [sflag:s0], s1  }
0x270: {  	s1 =	ssub.s32 @!p0 $0x0, s1;
	[sflag:s0] =	ssyncset.done @!p0 $0x0  }
0x271: {  	[sflag:s0] =	ssyncadd.s32 @!p0 s1  }
0x272: {  	[bflag:$0x3] =	sbarrier.arrive $0xFFFF  }
0x273: {  	_ =	shalt  }

</sc_bundles>
